<compile_context>
chip_gen: v7x
topology: tpu7x:2x2x1
jax: 0.10.2.dev20260603
libtpu: 0.0.44.dev20260713+nightly
codegen_flags: <defaults>
</compile_context>

<pallas_src>
import functools

import jax
import jax.numpy as jnp
from jax import lax
from jax.experimental import pallas as pl
from jax.experimental.pallas import tpu as pltpu
from jax.experimental.pallas import tpu_sc as plsc

N = 10000
D = 128
E = 320000
PE_DIM = 37
PE_PAD = 64
N_EMB = 17

NC = 2
NS = 16
L = 16
NW = NC * NS

K = 80
CH = -(-E // (NW * K))
EP = NW * CH * K
S_ROWS = 10112
ROWS_PT = S_ROWS // NS

BR = 2000



def _tc_pre(x, pe, pw, pb):
    def body(x_ref, pe_ref, pw_ref, pb_ref, o_ref):
        o_ref[...] = (x_ref[...]
                      + jnp.dot(pe_ref[...], pw_ref[...],
                                preferred_element_type=jnp.float32)
                      + pb_ref[...])

    return pl.pallas_call(
        body,
        grid=(N // BR,),
        in_specs=[
            pl.BlockSpec((BR, D), lambda i: (i, 0)),
            pl.BlockSpec((BR, PE_PAD), lambda i: (i, 0)),
            pl.BlockSpec((PE_PAD, D), lambda i: (0, 0)),
            pl.BlockSpec((1, D), lambda i: (0, 0)),
        ],
        out_specs=pl.BlockSpec((BR, D), lambda i: (i, 0)),
        out_shape=jax.ShapeDtypeStruct((N, D), jnp.float32),
    )(x, pe, pw, pb)


def _tc_update(xn, sp, scale_row, w, b, pe=None, pw=None, pb=None):
    with_pe = pe is not None

    def body(*refs):
        if with_pe:
            xn_ref, sp_ref, sc_ref, w_ref, b_ref, pe_ref, pw_ref, pb_ref, o_ref = refs
        else:
            xn_ref, sp_ref, sc_ref, w_ref, b_ref, o_ref = refs
        z = sc_ref[...] * xn_ref[...] + sp_ref[0] + sp_ref[1]
        acc = jnp.dot(z, w_ref[...], preferred_element_type=jnp.float32) + b_ref[...]
        if with_pe:
            acc = acc + jnp.dot(pe_ref[...], pw_ref[...],
                                preferred_element_type=jnp.float32) + pb_ref[...]
        o_ref[...] = acc

    in_specs = [
        pl.BlockSpec((BR, D), lambda i: (i, 0)),
        pl.BlockSpec((2, BR, D), lambda i: (0, i, 0)),
        pl.BlockSpec((1, D), lambda i: (0, 0)),
        pl.BlockSpec((D, D), lambda i: (0, 0)),
        pl.BlockSpec((1, D), lambda i: (0, 0)),
    ]
    args = [xn, sp, scale_row, w, b]
    if with_pe:
        in_specs += [
            pl.BlockSpec((BR, PE_PAD), lambda i: (i, 0)),
            pl.BlockSpec((PE_PAD, D), lambda i: (0, 0)),
            pl.BlockSpec((1, D), lambda i: (0, 0)),
        ]
        args += [pe, pw, pb]

    return pl.pallas_call(
        body,
        grid=(N // BR,),
        in_specs=in_specs,
        out_specs=pl.BlockSpec((BR, D), lambda i: (i, 0)),
        out_shape=jax.ShapeDtypeStruct((N, D), jnp.float32),
    )(*args)


def _sc_agg(xn, idx4, dstw, emb):
    mesh = plsc.VectorSubcoreMesh(core_axis_name="c", subcore_axis_name="s")

    @functools.partial(
        pl.kernel,
        mesh=mesh,
        out_type=jax.ShapeDtypeStruct((NC, S_ROWS, D), jnp.float32),
        scratch_types=[
            pltpu.VMEM((3, K), jnp.int32),
            pltpu.VMEM((3, K), jnp.int32),
            pltpu.VMEM((K,), jnp.int32),
            pltpu.VMEM((K,), jnp.int32),
            pltpu.VMEM((K, D), jnp.float32),
            pltpu.VMEM((K, D), jnp.float32),
            pltpu.VMEM((K, D), jnp.float32),
            pltpu.VMEM((K, D), jnp.float32),
            pltpu.VMEM_SHARED((S_ROWS, D), jnp.float32),
            pltpu.VMEM_SHARED((N_EMB, D), jnp.float32),
            pltpu.SemaphoreType.DMA,
            pltpu.SemaphoreType.DMA,
            pltpu.SemaphoreType.DMA,
            pltpu.SemaphoreType.DMA,
            pltpu.SemaphoreType.DMA,
            pltpu.SemaphoreType.DMA,
            pltpu.SemaphoreType.DMA,
            pltpu.SemaphoreType.DMA,
            pltpu.SemaphoreType.DMA,
            pltpu.SemaphoreType.DMA,
        ],
    )
    def k(xn_h, idx_h, dst_h, emb_h, out_h, s_idx0, s_idx1, sdst0, sdst1,
          xe0, xe1, buf0, buf1, s_acc, emb_sp,
          sem_i0, sem_i1, sem_g0, sem_g1, sem_x0, sem_x1,
          sem_d0, sem_d1, sem_s0, sem_s1):
        c = lax.axis_index("c")
        s = lax.axis_index("s")
        wid = s * NC + c
        slots = ((s_idx0, buf0, sem_i0, sem_g0, xe0, sem_x0, sdst0, sem_d0, sem_s0),
                 (s_idx1, buf1, sem_i1, sem_g1, xe1, sem_x1, sdst1, sem_d1, sem_s1))

        def idx_copy(j, slot):
            return pltpu.make_async_copy(idx_h.at[wid, j], slot[0], slot[2])

        def dst_copy(j, slot):
            return pltpu.make_async_copy(dst_h.at[wid, j], slot[6], slot[7])

        def scatter_start(slot):
            pltpu.async_copy(slot[1], s_acc.at[slot[6]], slot[8], add=True)

        def scatter_wait(slot):
            pltpu.make_async_copy(slot[1], s_acc.at[slot[6]], slot[8]).wait()

        def gather_copy(slot):
            return pltpu.make_async_copy(xn_h.at[slot[0].at[0]], slot[1], slot[3])

        def xe_copy(slot):
            return pltpu.make_async_copy(
                emb_sp.at[slot[0].at[2]], slot[4], slot[5])

        @pl.when(s == 0)
        def _():
            pltpu.sync_copy(emb_h, emb_sp)

        zero = jnp.zeros((L,), jnp.float32)

        def zbody(r, _):
            for dd in range(D // L):
                buf0[r, pl.ds(dd * L, L)] = zero
            return 0

        lax.fori_loop(0, K, zbody, 0)
        base = s * ROWS_PT
        for z in range(ROWS_PT // K):
            pltpu.sync_copy(buf0, s_acc.at[pl.ds(base + z * K, K)])
        rem = ROWS_PT % K
        if rem:
            pltpu.sync_copy(buf0.at[pl.ds(0, rem)],
                            s_acc.at[pl.ds(base + (ROWS_PT // K) * K, rem)])
        plsc.subcore_barrier()

        def compute(slot):
            s_idx, buf, xe = slot[0], slot[1], slot[4]

            def rbody(r, _):
                for dd in range(D // L):
                    sl = pl.ds(dd * L, L)
                    buf[r, sl] = jnp.maximum(buf[r, sl] + xe[r, sl], 0.0)
                return 0

            lax.fori_loop(0, K, rbody, 0)

        idx_copy(0, slots[0]).start()
        idx_copy(1, slots[1]).start()
        dst_copy(0, slots[0]).start()
        dst_copy(1, slots[1]).start()
        idx_copy(0, slots[0]).wait()
        xe_copy(slots[0]).start()
        gather_copy(slots[0]).start()

        def mbody(jj, _):
            for b in range(2):
                j = jj * 2 + b
                sb, snb = slots[b], slots[1 - b]

                @pl.when(j + 1 < CH)
                def _():
                    idx_copy(j + 1, snb).wait()

                    @pl.when(j >= 1)
                    def _():
                        scatter_wait(snb)
                        dst_copy(j + 1, snb).start()

                    xe_copy(snb).start()
                    gather_copy(snb).start()

                @pl.when(j < CH)
                def _():
                    gather_copy(sb).wait()
                    xe_copy(sb).wait()
                    dst_copy(j, sb).wait()
                    compute(sb)
                    scatter_start(sb)

                @pl.when(j + 2 < CH)
                def _():
                    idx_copy(j + 2, sb).start()
            return 0

        lax.fori_loop(0, (CH + 1) // 2, mbody, 0)
        scatter_wait(slots[(CH - 1) % 2])
        scatter_wait(slots[(CH - 2) % 2])
        plsc.subcore_barrier()
        pltpu.sync_copy(s_acc.at[pl.ds(base, ROWS_PT)],
                        out_h.at[c, pl.ds(base, ROWS_PT)])

    return k(xn, idx4, dstw, emb)


def kernel(X_n, edge_index, edge_attr, PE, emb0, peW0, peb0, eps0, W0, b0,
           emb1, peW1, peb1, eps1, W1, b1):
    pe_p = jnp.pad(PE, ((0, 0), (0, PE_PAD - PE_DIM)))
    pw0 = jnp.pad(peW0, ((0, PE_PAD - PE_DIM), (0, 0)))
    pw1 = jnp.pad(peW1, ((0, PE_PAD - PE_DIM), (0, 0)))

    pad = EP - E
    src3 = jnp.concatenate(
        [edge_index[0], jnp.zeros((pad,), jnp.int32)]).reshape(NW, CH, 1, K)
    dst3 = jnp.concatenate(
        [edge_index[1], jnp.full((pad,), N, jnp.int32)]).reshape(NW, CH, 1, K)
    ea3 = jnp.concatenate(
        [edge_attr, jnp.zeros((pad,), jnp.int32)]).reshape(NW, CH, 1, K)
    idx4 = jnp.concatenate([src3, dst3, ea3], axis=2)
    dstw = dst3.reshape(NW, CH, K)

    peb0r = peb0.reshape(1, D)
    peb1r = peb1.reshape(1, D)
    b0r = b0.reshape(1, D)
    b1r = b1.reshape(1, D)
    sc0 = jnp.full((1, D), 1.0, jnp.float32) + eps0[0]
    sc1 = jnp.full((1, D), 1.0, jnp.float32) + eps1[0]

    xn1 = _tc_pre(X_n, pe_p, pw0, peb0r)
    sp1 = _sc_agg(xn1, idx4, dstw, emb0)
    xn2 = _tc_update(xn1, sp1, sc0, W0, b0r, pe_p, pw1, peb1r)
    sp2 = _sc_agg(xn2, idx4, dstw, emb1)
    return _tc_update(xn2, sp2, sc1, W1, b1r)

# --- scband reference (transcript-rebuilt; emitter-appended) ---
"""Pipeline reference for scband-gine-19713899889086 (READ-ONLY COPY).

The authoritative reference and input builder live on the scoring server;
editing this copy changes nothing except your own understanding.
"""

import jax, jax.numpy as jnp
import numpy as np

N = 10000
E = 320000
D = 128
PE_DIM = 37
N_EDGE_TYPES = 16


def setup_inputs(seed: int = 0):
    key = jax.random.key(seed)
    ks = jax.random.split(key, 14)
    s = 0.05
    inp = {}
    inp["X_n"] = jax.random.normal(ks[0], (N, D), dtype=jnp.float32)
    inp["edge_index"] = jax.random.randint(ks[1], (2, E), 0, N, dtype=jnp.int32)
    inp["edge_attr"] = jax.random.randint(ks[2], (E,), 0, N_EDGE_TYPES + 1, dtype=jnp.int32)
    inp["PE"] = jax.random.normal(ks[3], (N, PE_DIM), dtype=jnp.float32)
    # layer 0 params (in=128 -> hidden=128)
    inp["emb0"] = jax.random.normal(ks[4], (N_EDGE_TYPES + 1, D), dtype=jnp.float32) * s
    inp["peW0"] = jax.random.normal(ks[5], (PE_DIM, D), dtype=jnp.float32) * s
    inp["peb0"] = jnp.zeros((D,), dtype=jnp.float32)
    inp["eps0"] = jax.random.normal(ks[6], (1,), dtype=jnp.float32)
    inp["W0"] = jax.random.normal(ks[7], (D, D), dtype=jnp.float32) * s
    inp["b0"] = jnp.zeros((D,), dtype=jnp.float32)
    # layer 1 params (hidden=128 -> out=128)
    inp["emb1"] = jax.random.normal(ks[8], (N_EDGE_TYPES + 1, D), dtype=jnp.float32) * s
    inp["peW1"] = jax.random.normal(ks[9], (PE_DIM, D), dtype=jnp.float32) * s
    inp["peb1"] = jnp.zeros((D,), dtype=jnp.float32)
    inp["eps1"] = jax.random.normal(ks[10], (1,), dtype=jnp.float32)
    inp["W1"] = jax.random.normal(ks[11], (D, D), dtype=jnp.float32) * s
    inp["b1"] = jnp.zeros((D,), dtype=jnp.float32)
    return inp


def _gine_layer(X_n, edge_index, edge_attr, PE, emb, peW, peb, eps, W, b):
    # discrete edge features: embedding lookup
    X_e = jnp.take(emb, edge_attr, axis=0)  # [E, D]
    # PE.shape[0] == N != E == X_e.shape[0] -> PE is added to node features
    Xn = X_n + PE @ peW + peb
    src = edge_index[0]
    dst = edge_index[1]
    # message: relu(X_j + X_e) for each edge (src -> dst)
    msg = jax.nn.relu(jnp.take(Xn, src, axis=0) + X_e)  # [E, D]
    # aggr='add', flow source_to_target: sum messages at dst nodes
    S = jax.ops.segment_sum(msg, dst, num_segments=Xn.shape[0])  # [N, D]
    Z = (1.0 + eps[0]) * Xn + S
    # MLP modeled as a single Linear (create_mlp)
    return Z @ W + b


def reference(X_n, edge_index, edge_attr, PE, emb0, peW0, peb0, eps0, W0, b0, emb1, peW1, peb1, eps1, W1, b1):
    h = _gine_layer(X_n, edge_index, edge_attr, PE, emb0, peW0, peb0, eps0, W0, b0)
    h = _gine_layer(h, edge_index, edge_attr, PE, emb1, peW1, peb1, eps1, W1, b1)
    return h

if __name__ == "__main__":
    import jax
    _d = setup_inputs()
    print(jax.jit(kernel)(*tuple(_d.values())))

</pallas_src>

<mosaic_0001>
#map = affine_map<(d0, d1) -> (0, 0)>
#map1 = affine_map<(d0, d1) -> (0, 0, 0, 0)>
#map2 = affine_map<(d0, d1) -> (0, 0, 0)>
module attributes {stable_mosaic.version = 14 : i64} {
  func.func @k(%arg0: i32, %arg1: i32, %arg2: memref<10000x128xf32, #tpu.memory_space<hbm>>, %arg3: memref<32x125x3x80xi32, #tpu.memory_space<hbm>>, %arg4: memref<32x125x80xi32, #tpu.memory_space<hbm>>, %arg5: memref<17x128xf32, #tpu.memory_space<hbm>>, %arg6: memref<2x10112x128xf32, #tpu.memory_space<hbm>>, %arg7: memref<3x80xi32, #tpu.memory_space<vmem>>, %arg8: memref<3x80xi32, #tpu.memory_space<vmem>>, %arg9: memref<80xi32, #tpu.memory_space<vmem>>, %arg10: memref<80xi32, #tpu.memory_space<vmem>>, %arg11: memref<80x128xf32, #tpu.memory_space<vmem>>, %arg12: memref<80x128xf32, #tpu.memory_space<vmem>>, %arg13: memref<80x128xf32, #tpu.memory_space<vmem>>, %arg14: memref<80x128xf32, #tpu.memory_space<vmem>>, %arg15: memref<10112x128xf32, #tpu.memory_space<vmem_shared>>, %arg16: memref<17x128xf32, #tpu.memory_space<vmem_shared>>, %arg17: memref<!tpu.dma_semaphore, #tpu.memory_space<semaphore_mem>>, %arg18: memref<!tpu.dma_semaphore, #tpu.memory_space<semaphore_mem>>, %arg19: memref<!tpu.dma_semaphore, #tpu.memory_space<semaphore_mem>>, %arg20: memref<!tpu.dma_semaphore, #tpu.memory_space<semaphore_mem>>, %arg21: memref<!tpu.dma_semaphore, #tpu.memory_space<semaphore_mem>>, %arg22: memref<!tpu.dma_semaphore, #tpu.memory_space<semaphore_mem>>, %arg23: memref<!tpu.dma_semaphore, #tpu.memory_space<semaphore_mem>>, %arg24: memref<!tpu.dma_semaphore, #tpu.memory_space<semaphore_mem>>, %arg25: memref<!tpu.dma_semaphore, #tpu.memory_space<semaphore_mem>>, %arg26: memref<!tpu.dma_semaphore, #tpu.memory_space<semaphore_mem>>) attributes {dimension_semantics = [#tpu.dimension_semantics<core_parallel>, #tpu.dimension_semantics<subcore_parallel>], iteration_bounds = array<i64: 2, 16>, scalar_prefetch = 0 : i64, scratch_operands = 20 : i64, tpu.core_type = #tpu.core_type<sc_vector_subcore>, window_params = [{transform_indices = #map}, {transform_indices = #map1}, {transform_indices = #map2}, {transform_indices = #map}, {transform_indices = #map2}]} {
    %mul3A = arith.constant 2 : i32
    %mul3A_0 = arith.muli %arg1, %mul3A : i32
    %add3A = arith.addi %mul3A_0, %arg0 : i32
    %eq3A = arith.constant 0 : i32
    %eq3A_1 = arith.cmpi eq, %arg1, %eq3A : i32
    %convert_element_type3A = arith.extui %eq3A_1 : i1 to i32
    %cond3A = arith.constant 0 : i32
    %cond3A_2 = arith.cmpi ne, %convert_element_type3A, %cond3A : i32
    scf.if %cond3A_2 {
      "tpu.region"() ({
        %run_scoped3A = tpu.sem_alloc : memref<!tpu.dma_semaphore, #tpu.memory_space<semaphore_mem>>
        tpu.enqueue_dma source(%arg5 : memref<17x128xf32, #tpu.memory_space<hbm>>) target(%arg16 : memref<17x128xf32, #tpu.memory_space<vmem_shared>>) target_semaphore(%run_scoped3A : memref<!tpu.dma_semaphore, #tpu.memory_space<semaphore_mem>>)
        tpu.wait_dma2 semaphore(%run_scoped3A : memref<!tpu.dma_semaphore, #tpu.memory_space<semaphore_mem>>) src(%arg5 : memref<17x128xf32, #tpu.memory_space<hbm>>) dst(%arg16 : memref<17x128xf32, #tpu.memory_space<vmem_shared>>)
        tpu.yield
      }) : () -> ()
    } else {
    }
    %broadcast_in_dim3A = arith.constant 0.000000e+00 : f32
    %broadcast_in_dim3A_3 = vector.broadcast %broadcast_in_dim3A : f32 to vector<16xf32>
    %scan3A = arith.constant 0 : i32
    %scan3A_4 = arith.constant 0 : i32
    %scan3A_5 = arith.constant 80 : i32
    %scan3A_6 = arith.addi %scan3A_4, %scan3A_5 : i32
    %scan3A_7 = arith.constant 1 : i32
    %scan3A_8 = scf.for %scan3A_95 = %scan3A_4 to %scan3A_6 step %scan3A_7 iter_args(%scan3A_96 = %scan3A) -> (i32)  : i32 {
      %swap3A = arith.index_cast %scan3A_95 : i32 to index
      %swap3A_97 = arith.constant 0 : index
      %swap3A_98 = tpu.vector_load %arg13[%swap3A, %swap3A_97] {strides = array<i32>} : memref<80x128xf32, #tpu.memory_space<vmem>>, vector<1x16xf32>,
      %swap3A_99 = vector.shape_cast %swap3A_98 : vector<1x16xf32> to vector<16xf32>
      %swap3A_100 = vector.shape_cast %broadcast_in_dim3A_3 : vector<16xf32> to vector<1x16xf32>
      tpu.vector_store %arg13[%swap3A, %swap3A_97], %swap3A_100 {strides = array<i32>} : memref<80x128xf32, #tpu.memory_space<vmem>>, vector<1x16xf32>,
      %swap3A_101 = arith.index_cast %scan3A_95 : i32 to index
      %swap3A_102 = arith.constant 16 : index
      %swap3A_103 = tpu.vector_load %arg13[%swap3A_101, %swap3A_102] {strides = array<i32>} : memref<80x128xf32, #tpu.memory_space<vmem>>, vector<1x16xf32>,
      %swap3A_104 = vector.shape_cast %swap3A_103 : vector<1x16xf32> to vector<16xf32>
      %swap3A_105 = vector.shape_cast %broadcast_in_dim3A_3 : vector<16xf32> to vector<1x16xf32>
      tpu.vector_store %arg13[%swap3A_101, %swap3A_102], %swap3A_105 {strides = array<i32>} : memref<80x128xf32, #tpu.memory_space<vmem>>, vector<1x16xf32>,
      %swap3A_106 = arith.index_cast %scan3A_95 : i32 to index
      %swap3A_107 = arith.constant 32 : index
      %swap3A_108 = tpu.vector_load %arg13[%swap3A_106, %swap3A_107] {strides = array<i32>} : memref<80x128xf32, #tpu.memory_space<vmem>>, vector<1x16xf32>,
      %swap3A_109 = vector.shape_cast %swap3A_108 : vector<1x16xf32> to vector<16xf32>
      %swap3A_110 = vector.shape_cast %broadcast_in_dim3A_3 : vector<16xf32> to vector<1x16xf32>
      tpu.vector_store %arg13[%swap3A_106, %swap3A_107], %swap3A_110 {strides = array<i32>} : memref<80x128xf32, #tpu.memory_space<vmem>>, vector<1x16xf32>,
      %swap3A_111 = arith.index_cast %scan3A_95 : i32 to index
      %swap3A_112 = arith.constant 48 : index
      %swap3A_113 = tpu.vector_load %arg13[%swap3A_111, %swap3A_112] {strides = array<i32>} : memref<80x128xf32, #tpu.memory_space<vmem>>, vector<1x16xf32>,
      %swap3A_114 = vector.shape_cast %swap3A_113 : vector<1x16xf32> to vector<16xf32>
      %swap3A_115 = vector.shape_cast %broadcast_in_dim3A_3 : vector<16xf32> to vector<1x16xf32>
      tpu.vector_store %arg13[%swap3A_111, %swap3A_112], %swap3A_115 {strides = array<i32>} : memref<80x128xf32, #tpu.memory_space<vmem>>, vector<1x16xf32>,
      %swap3A_116 = arith.index_cast %scan3A_95 : i32 to index
      %swap3A_117 = arith.constant 64 : index
      %swap3A_118 = tpu.vector_load %arg13[%swap3A_116, %swap3A_117] {strides = array<i32>} : memref<80x128xf32, #tpu.memory_space<vmem>>, vector<1x16xf32>,
      %swap3A_119 = vector.shape_cast %swap3A_118 : vector<1x16xf32> to vector<16xf32>
      %swap3A_120 = vector.shape_cast %broadcast_in_dim3A_3 : vector<16xf32> to vector<1x16xf32>
      tpu.vector_store %arg13[%swap3A_116, %swap3A_117], %swap3A_120 {strides = array<i32>} : memref<80x128xf32, #tpu.memory_space<vmem>>, vector<1x16xf32>,
      %swap3A_121 = arith.index_cast %scan3A_95 : i32 to index
      %swap3A_122 = arith.constant 80 : index
      %swap3A_123 = tpu.vector_load %arg13[%swap3A_121, %swap3A_122] {strides = array<i32>} : memref<80x128xf32, #tpu.memory_space<vmem>>, vector<1x16xf32>,
      %swap3A_124 = vector.shape_cast %swap3A_123 : vector<1x16xf32> to vector<16xf32>
      %swap3A_125 = vector.shape_cast %broadcast_in_dim3A_3 : vector<16xf32> to vector<1x16xf32>
      tpu.vector_store %arg13[%swap3A_121, %swap3A_122], %swap3A_125 {strides = array<i32>} : memref<80x128xf32, #tpu.memory_space<vmem>>, vector<1x16xf32>,
      %swap3A_126 = arith.index_cast %scan3A_95 : i32 to index
      %swap3A_127 = arith.constant 96 : index
      %swap3A_128 = tpu.vector_load %arg13[%swap3A_126, %swap3A_127] {strides = array<i32>} : memref<80x128xf32, #tpu.memory_space<vmem>>, vector<1x16xf32>,
      %swap3A_129 = vector.shape_cast %swap3A_128 : vector<1x16xf32> to vector<16xf32>
      %swap3A_130 = vector.shape_cast %broadcast_in_dim3A_3 : vector<16xf32> to vector<1x16xf32>
      tpu.vector_store %arg13[%swap3A_126, %swap3A_127], %swap3A_130 {strides = array<i32>} : memref<80x128xf32, #tpu.memory_space<vmem>>, vector<1x16xf32>,
      %swap3A_131 = arith.index_cast %scan3A_95 : i32 to index
      %swap3A_132 = arith.constant 112 : index
      %swap3A_133 = tpu.vector_load %arg13[%swap3A_131, %swap3A_132] {strides = array<i32>} : memref<80x128xf32, #tpu.memory_space<vmem>>, vector<1x16xf32>,
      %swap3A_134 = vector.shape_cast %swap3A_133 : vector<1x16xf32> to vector<16xf32>
      %swap3A_135 = vector.shape_cast %broadcast_in_dim3A_3 : vector<16xf32> to vector<1x16xf32>
      tpu.vector_store %arg13[%swap3A_131, %swap3A_132], %swap3A_135 {strides = array<i32>} : memref<80x128xf32, #tpu.memory_space<vmem>>, vector<1x16xf32>,
      %scan3A_136 = arith.constant 0 : i32
      scf.yield %scan3A_136 : i32
    }
    %scan3A_9 = arith.constant 80 : i32
    %mul3A_10 = arith.constant 632 : i32
    %mul3A_11 = arith.muli %arg1, %mul3A_10 : i32
    %add3A_12 = arith.constant 0 : i32
    %add3A_13 = arith.addi %mul3A_11, %add3A_12 : i32
    "tpu.region"() ({
      %run_scoped3A = tpu.sem_alloc : memref<!tpu.dma_semaphore, #tpu.memory_space<semaphore_mem>>
      %dma_start3A_95 = arith.constant 0 : i32
      %dma_start3A_96 = tpu.memref_slice %arg15[%add3A_13, %dma_start3A_95] : memref<10112x128xf32, #tpu.memory_space<vmem_shared>> -> memref<80x128xf32, #tpu.memory_space<vmem_shared>>
      %dma_start3A_97 = arith.constant 0 : i32
      %dma_start3A_98 = tpu.memref_slice %arg15[%add3A_13, %dma_start3A_97] : memref<10112x128xf32, #tpu.memory_space<vmem_shared>> -> memref<80x128xf32, #tpu.memory_space<vmem_shared>>
      tpu.enqueue_dma source(%arg13 : memref<80x128xf32, #tpu.memory_space<vmem>>) target(%dma_start3A_98 : memref<80x128xf32, #tpu.memory_space<vmem_shared>>) target_semaphore(%run_scoped3A : memref<!tpu.dma_semaphore, #tpu.memory_space<semaphore_mem>>)
      %dma_wait3A_99 = arith.constant 0 : i32
      %dma_wait3A_100 = tpu.memref_slice %arg15[%add3A_13, %dma_wait3A_99] : memref<10112x128xf32, #tpu.memory_space<vmem_shared>> -> memref<80x128xf32, #tpu.memory_space<vmem_shared>>
      %dma_wait3A_101 = arith.constant 0 : i32
      %dma_wait3A_102 = tpu.memref_slice %arg15[%add3A_13, %dma_wait3A_101] : memref<10112x128xf32, #tpu.memory_space<vmem_shared>> -> memref<80x128xf32, #tpu.memory_space<vmem_shared>>
      tpu.wait_dma2 semaphore(%run_scoped3A : memref<!tpu.dma_semaphore, #tpu.memory_space<semaphore_mem>>) src(%arg13 : memref<80x128xf32, #tpu.memory_space<vmem>>) dst(%dma_wait3A_102 : memref<80x128xf32, #tpu.memory_space<vmem_shared>>)
      tpu.yield
    }) : () -> ()
    %add3A_14 = arith.constant 80 : i32
    %add3A_15 = arith.addi %mul3A_11, %add3A_14 : i32
    "tpu.region"() ({
      %run_scoped3A = tpu.sem_alloc : memref<!tpu.dma_semaphore, #tpu.memory_space<semaphore_mem>>
      %dma_start3A_95 = arith.constant 0 : i32
      %dma_start3A_96 = tpu.memref_slice %arg15[%add3A_15, %dma_start3A_95] : memref<10112x128xf32, #tpu.memory_space<vmem_shared>> -> memref<80x128xf32, #tpu.memory_space<vmem_shared>>
      %dma_start3A_97 = arith.constant 0 : i32
      %dma_start3A_98 = tpu.memref_slice %arg15[%add3A_15, %dma_start3A_97] : memref<10112x128xf32, #tpu.memory_space<vmem_shared>> -> memref<80x128xf32, #tpu.memory_space<vmem_shared>>
      tpu.enqueue_dma source(%arg13 : memref<80x128xf32, #tpu.memory_space<vmem>>) target(%dma_start3A_98 : memref<80x128xf32, #tpu.memory_space<vmem_shared>>) target_semaphore(%run_scoped3A : memref<!tpu.dma_semaphore, #tpu.memory_space<semaphore_mem>>)
      %dma_wait3A_99 = arith.constant 0 : i32
      %dma_wait3A_100 = tpu.memref_slice %arg15[%add3A_15, %dma_wait3A_99] : memref<10112x128xf32, #tpu.memory_space<vmem_shared>> -> memref<80x128xf32, #tpu.memory_space<vmem_shared>>
      %dma_wait3A_101 = arith.constant 0 : i32
      %dma_wait3A_102 = tpu.memref_slice %arg15[%add3A_15, %dma_wait3A_101] : memref<10112x128xf32, #tpu.memory_space<vmem_shared>> -> memref<80x128xf32, #tpu.memory_space<vmem_shared>>
      tpu.wait_dma2 semaphore(%run_scoped3A : memref<!tpu.dma_semaphore, #tpu.memory_space<semaphore_mem>>) src(%arg13 : memref<80x128xf32, #tpu.memory_space<vmem>>) dst(%dma_wait3A_102 : memref<80x128xf32, #tpu.memory_space<vmem_shared>>)
      tpu.yield
    }) : () -> ()
    %add3A_16 = arith.constant 160 : i32
    %add3A_17 = arith.addi %mul3A_11, %add3A_16 : i32
    "tpu.region"() ({
      %run_scoped3A = tpu.sem_alloc : memref<!tpu.dma_semaphore, #tpu.memory_space<semaphore_mem>>
      %dma_start3A_95 = arith.constant 0 : i32
      %dma_start3A_96 = tpu.memref_slice %arg15[%add3A_17, %dma_start3A_95] : memref<10112x128xf32, #tpu.memory_space<vmem_shared>> -> memref<80x128xf32, #tpu.memory_space<vmem_shared>>
      %dma_start3A_97 = arith.constant 0 : i32
      %dma_start3A_98 = tpu.memref_slice %arg15[%add3A_17, %dma_start3A_97] : memref<10112x128xf32, #tpu.memory_space<vmem_shared>> -> memref<80x128xf32, #tpu.memory_space<vmem_shared>>
      tpu.enqueue_dma source(%arg13 : memref<80x128xf32, #tpu.memory_space<vmem>>) target(%dma_start3A_98 : memref<80x128xf32, #tpu.memory_space<vmem_shared>>) target_semaphore(%run_scoped3A : memref<!tpu.dma_semaphore, #tpu.memory_space<semaphore_mem>>)
      %dma_wait3A_99 = arith.constant 0 : i32
      %dma_wait3A_100 = tpu.memref_slice %arg15[%add3A_17, %dma_wait3A_99] : memref<10112x128xf32, #tpu.memory_space<vmem_shared>> -> memref<80x128xf32, #tpu.memory_space<vmem_shared>>
      %dma_wait3A_101 = arith.constant 0 : i32
      %dma_wait3A_102 = tpu.memref_slice %arg15[%add3A_17, %dma_wait3A_101] : memref<10112x128xf32, #tpu.memory_space<vmem_shared>> -> memref<80x128xf32, #tpu.memory_space<vmem_shared>>
      tpu.wait_dma2 semaphore(%run_scoped3A : memref<!tpu.dma_semaphore, #tpu.memory_space<semaphore_mem>>) src(%arg13 : memref<80x128xf32, #tpu.memory_space<vmem>>) dst(%dma_wait3A_102 : memref<80x128xf32, #tpu.memory_space<vmem_shared>>)
      tpu.yield
    }) : () -> ()
    %add3A_18 = arith.constant 240 : i32
    %add3A_19 = arith.addi %mul3A_11, %add3A_18 : i32
    "tpu.region"() ({
      %run_scoped3A = tpu.sem_alloc : memref<!tpu.dma_semaphore, #tpu.memory_space<semaphore_mem>>
      %dma_start3A_95 = arith.constant 0 : i32
      %dma_start3A_96 = tpu.memref_slice %arg15[%add3A_19, %dma_start3A_95] : memref<10112x128xf32, #tpu.memory_space<vmem_shared>> -> memref<80x128xf32, #tpu.memory_space<vmem_shared>>
      %dma_start3A_97 = arith.constant 0 : i32
      %dma_start3A_98 = tpu.memref_slice %arg15[%add3A_19, %dma_start3A_97] : memref<10112x128xf32, #tpu.memory_space<vmem_shared>> -> memref<80x128xf32, #tpu.memory_space<vmem_shared>>
      tpu.enqueue_dma source(%arg13 : memref<80x128xf32, #tpu.memory_space<vmem>>) target(%dma_start3A_98 : memref<80x128xf32, #tpu.memory_space<vmem_shared>>) target_semaphore(%run_scoped3A : memref<!tpu.dma_semaphore, #tpu.memory_space<semaphore_mem>>)
      %dma_wait3A_99 = arith.constant 0 : i32
      %dma_wait3A_100 = tpu.memref_slice %arg15[%add3A_19, %dma_wait3A_99] : memref<10112x128xf32, #tpu.memory_space<vmem_shared>> -> memref<80x128xf32, #tpu.memory_space<vmem_shared>>
      %dma_wait3A_101 = arith.constant 0 : i32
      %dma_wait3A_102 = tpu.memref_slice %arg15[%add3A_19, %dma_wait3A_101] : memref<10112x128xf32, #tpu.memory_space<vmem_shared>> -> memref<80x128xf32, #tpu.memory_space<vmem_shared>>
      tpu.wait_dma2 semaphore(%run_scoped3A : memref<!tpu.dma_semaphore, #tpu.memory_space<semaphore_mem>>) src(%arg13 : memref<80x128xf32, #tpu.memory_space<vmem>>) dst(%dma_wait3A_102 : memref<80x128xf32, #tpu.memory_space<vmem_shared>>)
      tpu.yield
    }) : () -> ()
    %add3A_20 = arith.constant 320 : i32
    %add3A_21 = arith.addi %mul3A_11, %add3A_20 : i32
    "tpu.region"() ({
      %run_scoped3A = tpu.sem_alloc : memref<!tpu.dma_semaphore, #tpu.memory_space<semaphore_mem>>
      %dma_start3A_95 = arith.constant 0 : i32
      %dma_start3A_96 = tpu.memref_slice %arg15[%add3A_21, %dma_start3A_95] : memref<10112x128xf32, #tpu.memory_space<vmem_shared>> -> memref<80x128xf32, #tpu.memory_space<vmem_shared>>
      %dma_start3A_97 = arith.constant 0 : i32
      %dma_start3A_98 = tpu.memref_slice %arg15[%add3A_21, %dma_start3A_97] : memref<10112x128xf32, #tpu.memory_space<vmem_shared>> -> memref<80x128xf32, #tpu.memory_space<vmem_shared>>
      tpu.enqueue_dma source(%arg13 : memref<80x128xf32, #tpu.memory_space<vmem>>) target(%dma_start3A_98 : memref<80x128xf32, #tpu.memory_space<vmem_shared>>) target_semaphore(%run_scoped3A : memref<!tpu.dma_semaphore, #tpu.memory_space<semaphore_mem>>)
      %dma_wait3A_99 = arith.constant 0 : i32
      %dma_wait3A_100 = tpu.memref_slice %arg15[%add3A_21, %dma_wait3A_99] : memref<10112x128xf32, #tpu.memory_space<vmem_shared>> -> memref<80x128xf32, #tpu.memory_space<vmem_shared>>
      %dma_wait3A_101 = arith.constant 0 : i32
      %dma_wait3A_102 = tpu.memref_slice %arg15[%add3A_21, %dma_wait3A_101] : memref<10112x128xf32, #tpu.memory_space<vmem_shared>> -> memref<80x128xf32, #tpu.memory_space<vmem_shared>>
      tpu.wait_dma2 semaphore(%run_scoped3A : memref<!tpu.dma_semaphore, #tpu.memory_space<semaphore_mem>>) src(%arg13 : memref<80x128xf32, #tpu.memory_space<vmem>>) dst(%dma_wait3A_102 : memref<80x128xf32, #tpu.memory_space<vmem_shared>>)
      tpu.yield
    }) : () -> ()
    %add3A_22 = arith.constant 400 : i32
    %add3A_23 = arith.addi %mul3A_11, %add3A_22 : i32
    "tpu.region"() ({
      %run_scoped3A = tpu.sem_alloc : memref<!tpu.dma_semaphore, #tpu.memory_space<semaphore_mem>>
      %dma_start3A_95 = arith.constant 0 : i32
      %dma_start3A_96 = tpu.memref_slice %arg15[%add3A_23, %dma_start3A_95] : memref<10112x128xf32, #tpu.memory_space<vmem_shared>> -> memref<80x128xf32, #tpu.memory_space<vmem_shared>>
      %dma_start3A_97 = arith.constant 0 : i32
      %dma_start3A_98 = tpu.memref_slice %arg15[%add3A_23, %dma_start3A_97] : memref<10112x128xf32, #tpu.memory_space<vmem_shared>> -> memref<80x128xf32, #tpu.memory_space<vmem_shared>>
      tpu.enqueue_dma source(%arg13 : memref<80x128xf32, #tpu.memory_space<vmem>>) target(%dma_start3A_98 : memref<80x128xf32, #tpu.memory_space<vmem_shared>>) target_semaphore(%run_scoped3A : memref<!tpu.dma_semaphore, #tpu.memory_space<semaphore_mem>>)
      %dma_wait3A_99 = arith.constant 0 : i32
      %dma_wait3A_100 = tpu.memref_slice %arg15[%add3A_23, %dma_wait3A_99] : memref<10112x128xf32, #tpu.memory_space<vmem_shared>> -> memref<80x128xf32, #tpu.memory_space<vmem_shared>>
      %dma_wait3A_101 = arith.constant 0 : i32
      %dma_wait3A_102 = tpu.memref_slice %arg15[%add3A_23, %dma_wait3A_101] : memref<10112x128xf32, #tpu.memory_space<vmem_shared>> -> memref<80x128xf32, #tpu.memory_space<vmem_shared>>
      tpu.wait_dma2 semaphore(%run_scoped3A : memref<!tpu.dma_semaphore, #tpu.memory_space<semaphore_mem>>) src(%arg13 : memref<80x128xf32, #tpu.memory_space<vmem>>) dst(%dma_wait3A_102 : memref<80x128xf32, #tpu.memory_space<vmem_shared>>)
      tpu.yield
    }) : () -> ()
    %add3A_24 = arith.constant 480 : i32
    %add3A_25 = arith.addi %mul3A_11, %add3A_24 : i32
    "tpu.region"() ({
      %run_scoped3A = tpu.sem_alloc : memref<!tpu.dma_semaphore, #tpu.memory_space<semaphore_mem>>
      %dma_start3A_95 = arith.constant 0 : i32
      %dma_start3A_96 = tpu.memref_slice %arg15[%add3A_25, %dma_start3A_95] : memref<10112x128xf32, #tpu.memory_space<vmem_shared>> -> memref<80x128xf32, #tpu.memory_space<vmem_shared>>
      %dma_start3A_97 = arith.constant 0 : i32
      %dma_start3A_98 = tpu.memref_slice %arg15[%add3A_25, %dma_start3A_97] : memref<10112x128xf32, #tpu.memory_space<vmem_shared>> -> memref<80x128xf32, #tpu.memory_space<vmem_shared>>
      tpu.enqueue_dma source(%arg13 : memref<80x128xf32, #tpu.memory_space<vmem>>) target(%dma_start3A_98 : memref<80x128xf32, #tpu.memory_space<vmem_shared>>) target_semaphore(%run_scoped3A : memref<!tpu.dma_semaphore, #tpu.memory_space<semaphore_mem>>)
      %dma_wait3A_99 = arith.constant 0 : i32
      %dma_wait3A_100 = tpu.memref_slice %arg15[%add3A_25, %dma_wait3A_99] : memref<10112x128xf32, #tpu.memory_space<vmem_shared>> -> memref<80x128xf32, #tpu.memory_space<vmem_shared>>
      %dma_wait3A_101 = arith.constant 0 : i32
      %dma_wait3A_102 = tpu.memref_slice %arg15[%add3A_25, %dma_wait3A_101] : memref<10112x128xf32, #tpu.memory_space<vmem_shared>> -> memref<80x128xf32, #tpu.memory_space<vmem_shared>>
      tpu.wait_dma2 semaphore(%run_scoped3A : memref<!tpu.dma_semaphore, #tpu.memory_space<semaphore_mem>>) src(%arg13 : memref<80x128xf32, #tpu.memory_space<vmem>>) dst(%dma_wait3A_102 : memref<80x128xf32, #tpu.memory_space<vmem_shared>>)
      tpu.yield
    }) : () -> ()
    %add3A_26 = arith.constant 560 : i32
    %add3A_27 = arith.addi %mul3A_11, %add3A_26 : i32
    "tpu.region"() ({
      %run_scoped3A = tpu.sem_alloc : memref<!tpu.dma_semaphore, #tpu.memory_space<semaphore_mem>>
      %dma_start3A_95 = arith.constant 0 : i32
      %dma_start3A_96 = arith.constant 0 : i32
      %dma_start3A_97 = tpu.memref_slice %arg13[%dma_start3A_95, %dma_start3A_96] : memref<80x128xf32, #tpu.memory_space<vmem>> -> memref<72x128xf32, #tpu.memory_space<vmem>>
      %dma_start3A_98 = arith.constant 0 : i32
      %dma_start3A_99 = tpu.memref_slice %arg15[%add3A_27, %dma_start3A_98] : memref<10112x128xf32, #tpu.memory_space<vmem_shared>> -> memref<72x128xf32, #tpu.memory_space<vmem_shared>>
      %dma_start3A_100 = arith.constant 0 : i32
      %dma_start3A_101 = tpu.memref_slice %arg15[%add3A_27, %dma_start3A_100] : memref<10112x128xf32, #tpu.memory_space<vmem_shared>> -> memref<72x128xf32, #tpu.memory_space<vmem_shared>>
      %dma_start3A_102 = arith.constant 0 : i32
      %dma_start3A_103 = arith.constant 0 : i32
      %dma_start3A_104 = tpu.memref_slice %arg13[%dma_start3A_102, %dma_start3A_103] : memref<80x128xf32, #tpu.memory_space<vmem>> -> memref<72x128xf32, #tpu.memory_space<vmem>>
      tpu.enqueue_dma source(%dma_start3A_104 : memref<72x128xf32, #tpu.memory_space<vmem>>) target(%dma_start3A_101 : memref<72x128xf32, #tpu.memory_space<vmem_shared>>) target_semaphore(%run_scoped3A : memref<!tpu.dma_semaphore, #tpu.memory_space<semaphore_mem>>)
      %dma_wait3A_105 = arith.constant 0 : i32
      %dma_wait3A_106 = arith.constant 0 : i32
      %dma_wait3A_107 = tpu.memref_slice %arg13[%dma_wait3A_105, %dma_wait3A_106] : memref<80x128xf32, #tpu.memory_space<vmem>> -> memref<72x128xf32, #tpu.memory_space<vmem>>
      %dma_wait3A_108 = arith.constant 0 : i32
      %dma_wait3A_109 = tpu.memref_slice %arg15[%add3A_27, %dma_wait3A_108] : memref<10112x128xf32, #tpu.memory_space<vmem_shared>> -> memref<72x128xf32, #tpu.memory_space<vmem_shared>>
      %dma_wait3A_110 = arith.constant 0 : i32
      %dma_wait3A_111 = tpu.memref_slice %arg15[%add3A_27, %dma_wait3A_110] : memref<10112x128xf32, #tpu.memory_space<vmem_shared>> -> memref<72x128xf32, #tpu.memory_space<vmem_shared>>
      %dma_wait3A_112 = arith.constant 0 : i32
      %dma_wait3A_113 = arith.constant 0 : i32
      %dma_wait3A_114 = tpu.memref_slice %arg13[%dma_wait3A_112, %dma_wait3A_113] : memref<80x128xf32, #tpu.memory_space<vmem>> -> memref<72x128xf32, #tpu.memory_space<vmem>>
      tpu.wait_dma2 semaphore(%run_scoped3A : memref<!tpu.dma_semaphore, #tpu.memory_space<semaphore_mem>>) src(%dma_wait3A_114 : memref<72x128xf32, #tpu.memory_space<vmem>>) dst(%dma_wait3A_111 : memref<72x128xf32, #tpu.memory_space<vmem_shared>>)
      tpu.yield
    }) : () -> ()
    %barrier3A = arith.constant 0 : index
    tpu.barrier barrier_id(%barrier3A)
    %dma_start3A = arith.constant 0 : i32
    %dma_start3A_28 = arith.constant 0 : i32
    %dma_start3A_29 = arith.constant 0 : i32
    %dma_start3A_30 = tpu.memref_slice %arg3[%add3A, %dma_start3A, %dma_start3A_28, %dma_start3A_29] : memref<32x125x3x80xi32, #tpu.memory_space<hbm>> -> memref<1x1x3x80xi32, #tpu.memory_space<hbm>>
    %dma_start3A_31 = tpu.memref_squeeze %dma_start3A_30 : memref<1x1x3x80xi32, #tpu.memory_space<hbm>> -> memref<3x80xi32, #tpu.memory_space<hbm>>
    %dma_start3A_32 = arith.constant 0 : i32
    %dma_start3A_33 = arith.constant 0 : i32
    %dma_start3A_34 = tpu.memref_slice %arg3[%add3A, %dma_start3A, %dma_start3A_32, %dma_start3A_33] : memref<32x125x3x80xi32, #tpu.memory_space<hbm>> -> memref<1x1x3x80xi32, #tpu.memory_space<hbm>>
    %dma_start3A_35 = tpu.memref_squeeze %dma_start3A_34 : memref<1x1x3x80xi32, #tpu.memory_space<hbm>> -> memref<3x80xi32, #tpu.memory_space<hbm>>
    tpu.enqueue_dma source(%dma_start3A_35 : memref<3x80xi32, #tpu.memory_space<hbm>>) target(%arg7 : memref<3x80xi32, #tpu.memory_space<vmem>>) target_semaphore(%arg17 : memref<!tpu.dma_semaphore, #tpu.memory_space<semaphore_mem>>)
    %dma_start3A_36 = arith.constant 1 : i32
    %dma_start3A_37 = arith.constant 0 : i32
    %dma_start3A_38 = arith.constant 0 : i32
    %dma_start3A_39 = tpu.memref_slice %arg3[%add3A, %dma_start3A_36, %dma_start3A_37, %dma_start3A_38] : memref<32x125x3x80xi32, #tpu.memory_space<hbm>> -> memref<1x1x3x80xi32, #tpu.memory_space<hbm>>
    %dma_start3A_40 = tpu.memref_squeeze %dma_start3A_39 : memref<1x1x3x80xi32, #tpu.memory_space<hbm>> -> memref<3x80xi32, #tpu.memory_space<hbm>>
    %dma_start3A_41 = arith.constant 0 : i32
    %dma_start3A_42 = arith.constant 0 : i32
    %dma_start3A_43 = tpu.memref_slice %arg3[%add3A, %dma_start3A_36, %dma_start3A_41, %dma_start3A_42] : memref<32x125x3x80xi32, #tpu.memory_space<hbm>> -> memref<1x1x3x80xi32, #tpu.memory_space<hbm>>
    %dma_start3A_44 = tpu.memref_squeeze %dma_start3A_43 : memref<1x1x3x80xi32, #tpu.memory_space<hbm>> -> memref<3x80xi32, #tpu.memory_space<hbm>>
    tpu.enqueue_dma source(%dma_start3A_44 : memref<3x80xi32, #tpu.memory_space<hbm>>) target(%arg8 : memref<3x80xi32, #tpu.memory_space<vmem>>) target_semaphore(%arg18 : memref<!tpu.dma_semaphore, #tpu.memory_space<semaphore_mem>>)
    %dma_start3A_45 = arith.constant 0 : i32
    %dma_start3A_46 = arith.constant 0 : i32
    %dma_start3A_47 = tpu.memref_slice %arg4[%add3A, %dma_start3A_45, %dma_start3A_46] : memref<32x125x80xi32, #tpu.memory_space<hbm>> -> memref<1x1x80xi32, #tpu.memory_space<hbm>>
    %dma_start3A_48 = tpu.memref_squeeze %dma_start3A_47 : memref<1x1x80xi32, #tpu.memory_space<hbm>> -> memref<80xi32, #tpu.memory_space<hbm>>
    %dma_start3A_49 = arith.constant 0 : i32
    %dma_start3A_50 = tpu.memref_slice %arg4[%add3A, %dma_start3A_45, %dma_start3A_49] : memref<32x125x80xi32, #tpu.memory_space<hbm>> -> memref<1x1x80xi32, #tpu.memory_space<hbm>>
    %dma_start3A_51 = tpu.memref_squeeze %dma_start3A_50 : memref<1x1x80xi32, #tpu.memory_space<hbm>> -> memref<80xi32, #tpu.memory_space<hbm>>
    tpu.enqueue_dma source(%dma_start3A_51 : memref<80xi32, #tpu.memory_space<hbm>>) target(%arg9 : memref<80xi32, #tpu.memory_space<vmem>>) target_semaphore(%arg23 : memref<!tpu.dma_semaphore, #tpu.memory_space<semaphore_mem>>)
    %dma_start3A_52 = arith.constant 1 : i32
    %dma_start3A_53 = arith.constant 0 : i32
    %dma_start3A_54 = tpu.memref_slice %arg4[%add3A, %dma_start3A_52, %dma_start3A_53] : memref<32x125x80xi32, #tpu.memory_space<hbm>> -> memref<1x1x80xi32, #tpu.memory_space<hbm>>
    %dma_start3A_55 = tpu.memref_squeeze %dma_start3A_54 : memref<1x1x80xi32, #tpu.memory_space<hbm>> -> memref<80xi32, #tpu.memory_space<hbm>>
    %dma_start3A_56 = arith.constant 0 : i32
    %dma_start3A_57 = tpu.memref_slice %arg4[%add3A, %dma_start3A_52, %dma_start3A_56] : memref<32x125x80xi32, #tpu.memory_space<hbm>> -> memref<1x1x80xi32, #tpu.memory_space<hbm>>
    %dma_start3A_58 = tpu.memref_squeeze %dma_start3A_57 : memref<1x1x80xi32, #tpu.memory_space<hbm>> -> memref<80xi32, #tpu.memory_space<hbm>>
    tpu.enqueue_dma source(%dma_start3A_58 : memref<80xi32, #tpu.memory_space<hbm>>) target(%arg10 : memref<80xi32, #tpu.memory_space<vmem>>) target_semaphore(%arg24 : memref<!tpu.dma_semaphore, #tpu.memory_space<semaphore_mem>>)
    %dma_wait3A = arith.constant 0 : i32
    %dma_wait3A_59 = arith.constant 0 : i32
    %dma_wait3A_60 = arith.constant 0 : i32
    %dma_wait3A_61 = tpu.memref_slice %arg3[%add3A, %dma_wait3A, %dma_wait3A_59, %dma_wait3A_60] : memref<32x125x3x80xi32, #tpu.memory_space<hbm>> -> memref<1x1x3x80xi32, #tpu.memory_space<hbm>>
    %dma_wait3A_62 = tpu.memref_squeeze %dma_wait3A_61 : memref<1x1x3x80xi32, #tpu.memory_space<hbm>> -> memref<3x80xi32, #tpu.memory_space<hbm>>
    %dma_wait3A_63 = arith.constant 0 : i32
    %dma_wait3A_64 = arith.constant 0 : i32
    %dma_wait3A_65 = tpu.memref_slice %arg3[%add3A, %dma_wait3A, %dma_wait3A_63, %dma_wait3A_64] : memref<32x125x3x80xi32, #tpu.memory_space<hbm>> -> memref<1x1x3x80xi32, #tpu.memory_space<hbm>>
    %dma_wait3A_66 = tpu.memref_squeeze %dma_wait3A_65 : memref<1x1x3x80xi32, #tpu.memory_space<hbm>> -> memref<3x80xi32, #tpu.memory_space<hbm>>
    tpu.wait_dma2 semaphore(%arg17 : memref<!tpu.dma_semaphore, #tpu.memory_space<semaphore_mem>>) src(%dma_wait3A_66 : memref<3x80xi32, #tpu.memory_space<hbm>>) dst(%arg7 : memref<3x80xi32, #tpu.memory_space<vmem>>)
    %dma_start3A_67 = arith.constant 2 : i32
    %dma_start3A_68 = arith.constant 0 : i32
    %dma_start3A_69 = tpu.memref_slice %arg7[%dma_start3A_67, %dma_start3A_68] : memref<3x80xi32, #tpu.memory_space<vmem>> -> memref<1x80xi32, #tpu.memory_space<vmem>>
    %dma_start3A_70 = tpu.memref_squeeze %dma_start3A_69 : memref<1x80xi32, #tpu.memory_space<vmem>> -> memref<80xi32, #tpu.memory_space<vmem>>
    %dma_start3A_71 = arith.constant 0 : i32
    %dma_start3A_72 = arith.constant 0 : i32
    %dma_start3A_73 = tpu.memref_slice %arg16[%dma_start3A_71, %dma_start3A_72] : memref<17x128xf32, #tpu.memory_space<vmem_shared>> -> memref<17x128xf32, #tpu.memory_space<vmem_shared>>
    tpu.enqueue_indirect_dma source(%dma_start3A_73 : memref<17x128xf32, #tpu.memory_space<vmem_shared>>) target(%arg11 : memref<80x128xf32, #tpu.memory_space<vmem>>) offsets(%dma_start3A_70 : memref<80xi32, #tpu.memory_space<vmem>>) semaphore(%arg21 : memref<!tpu.dma_semaphore, #tpu.memory_space<semaphore_mem>>)
    %dma_start3A_74 = arith.constant 0 : i32
    %dma_start3A_75 = arith.constant 0 : i32
    %dma_start3A_76 = tpu.memref_slice %arg7[%dma_start3A_74, %dma_start3A_75] : memref<3x80xi32, #tpu.memory_space<vmem>> -> memref<1x80xi32, #tpu.memory_space<vmem>>
    %dma_start3A_77 = tpu.memref_squeeze %dma_start3A_76 : memref<1x80xi32, #tpu.memory_space<vmem>> -> memref<80xi32, #tpu.memory_space<vmem>>
    %dma_start3A_78 = arith.constant 0 : i32
    %dma_start3A_79 = arith.constant 0 : i32
    %dma_start3A_80 = tpu.memref_slice %arg2[%dma_start3A_78, %dma_start3A_79] : memref<10000x128xf32, #tpu.memory_space<hbm>> -> memref<10000x128xf32, #tpu.memory_space<hbm>>
    tpu.enqueue_indirect_dma source(%dma_start3A_80 : memref<10000x128xf32, #tpu.memory_space<hbm>>) target(%arg13 : memref<80x128xf32, #tpu.memory_space<vmem>>) offsets(%dma_start3A_77 : memref<80xi32, #tpu.memory_space<vmem>>) semaphore(%arg19 : memref<!tpu.dma_semaphore, #tpu.memory_space<semaphore_mem>>)
    %scan3A_81 = arith.constant 0 : i32
    %scan3A_82 = arith.constant 0 : i32
    %scan3A_83 = arith.constant 63 : i32
    %scan3A_84 = arith.addi %scan3A_82, %scan3A_83 : i32
    %scan3A_85 = arith.constant 1 : i32
    %scan3A_86 = scf.for %scan3A_95 = %scan3A_82 to %scan3A_84 step %scan3A_85 iter_args(%scan3A_96 = %scan3A_81) -> (i32)  : i32 {
      %mul3A_97 = arith.constant 2 : i32
      %mul3A_98 = arith.muli %scan3A_95, %mul3A_97 : i32
      %add3A_99 = arith.constant 0 : i32
      %add3A_100 = arith.addi %mul3A_98, %add3A_99 : i32
      %add3A_101 = arith.constant 1 : i32
      %add3A_102 = arith.addi %add3A_100, %add3A_101 : i32
      %lt3A = arith.constant 125 : i32
      %lt3A_103 = arith.cmpi slt, %add3A_102, %lt3A : i32
      %convert_element_type3A_104 = arith.extui %lt3A_103 : i1 to i32
      %cond3A_105 = arith.constant 0 : i32
      %cond3A_106 = arith.cmpi ne, %convert_element_type3A_104, %cond3A_105 : i32
      scf.if %cond3A_106 {
        %add3A_143 = arith.constant 1 : i32
        %add3A_144 = arith.addi %add3A_100, %add3A_143 : i32
        %dma_wait3A_145 = arith.constant 0 : i32
        %dma_wait3A_146 = arith.constant 0 : i32
        %dma_wait3A_147 = tpu.memref_slice %arg3[%add3A, %add3A_144, %dma_wait3A_145, %dma_wait3A_146] : memref<32x125x3x80xi32, #tpu.memory_space<hbm>> -> memref<1x1x3x80xi32, #tpu.memory_space<hbm>>
        %dma_wait3A_148 = tpu.memref_squeeze %dma_wait3A_147 : memref<1x1x3x80xi32, #tpu.memory_space<hbm>> -> memref<3x80xi32, #tpu.memory_space<hbm>>
        %dma_wait3A_149 = arith.constant 0 : i32
        %dma_wait3A_150 = arith.constant 0 : i32
        %dma_wait3A_151 = tpu.memref_slice %arg3[%add3A, %add3A_144, %dma_wait3A_149, %dma_wait3A_150] : memref<32x125x3x80xi32, #tpu.memory_space<hbm>> -> memref<1x1x3x80xi32, #tpu.memory_space<hbm>>
        %dma_wait3A_152 = tpu.memref_squeeze %dma_wait3A_151 : memref<1x1x3x80xi32, #tpu.memory_space<hbm>> -> memref<3x80xi32, #tpu.memory_space<hbm>>
        tpu.wait_dma2 semaphore(%arg18 : memref<!tpu.dma_semaphore, #tpu.memory_space<semaphore_mem>>) src(%dma_wait3A_152 : memref<3x80xi32, #tpu.memory_space<hbm>>) dst(%arg8 : memref<3x80xi32, #tpu.memory_space<vmem>>)
        %ge3A = arith.constant 1 : i32
        %ge3A_153 = arith.cmpi sge, %add3A_100, %ge3A : i32
        %convert_element_type3A_154 = arith.extui %ge3A_153 : i1 to i32
        %cond3A_155 = arith.constant 0 : i32
        %cond3A_156 = arith.cmpi ne, %convert_element_type3A_154, %cond3A_155 : i32
        scf.if %cond3A_156 {
          %dma_wait3A_171 = arith.constant 0 : i32
          %dma_wait3A_172 = arith.constant 0 : i32
          %dma_wait3A_173 = tpu.memref_slice %arg15[%dma_wait3A_171, %dma_wait3A_172] : memref<10112x128xf32, #tpu.memory_space<vmem_shared>> -> memref<10112x128xf32, #tpu.memory_space<vmem_shared>>
          tpu.wait_indirect_dma semaphore(%arg26 : memref<!tpu.dma_semaphore, #tpu.memory_space<semaphore_mem>>) src(%arg14 : memref<80x128xf32, #tpu.memory_space<vmem>>) dst(%dma_wait3A_173 : memref<10112x128xf32, #tpu.memory_space<vmem_shared>>)
          %add3A_174 = arith.constant 1 : i32
          %add3A_175 = arith.addi %add3A_100, %add3A_174 : i32
          %dma_start3A_176 = arith.constant 0 : i32
          %dma_start3A_177 = tpu.memref_slice %arg4[%add3A, %add3A_175, %dma_start3A_176] : memref<32x125x80xi32, #tpu.memory_space<hbm>> -> memref<1x1x80xi32, #tpu.memory_space<hbm>>
          %dma_start3A_178 = tpu.memref_squeeze %dma_start3A_177 : memref<1x1x80xi32, #tpu.memory_space<hbm>> -> memref<80xi32, #tpu.memory_space<hbm>>
          %dma_start3A_179 = arith.constant 0 : i32
          %dma_start3A_180 = tpu.memref_slice %arg4[%add3A, %add3A_175, %dma_start3A_179] : memref<32x125x80xi32, #tpu.memory_space<hbm>> -> memref<1x1x80xi32, #tpu.memory_space<hbm>>
          %dma_start3A_181 = tpu.memref_squeeze %dma_start3A_180 : memref<1x1x80xi32, #tpu.memory_space<hbm>> -> memref<80xi32, #tpu.memory_space<hbm>>
          tpu.enqueue_dma source(%dma_start3A_181 : memref<80xi32, #tpu.memory_space<hbm>>) target(%arg10 : memref<80xi32, #tpu.memory_space<vmem>>) target_semaphore(%arg24 : memref<!tpu.dma_semaphore, #tpu.memory_space<semaphore_mem>>)
        } else {
        }
        %dma_start3A_157 = arith.constant 2 : i32
        %dma_start3A_158 = arith.constant 0 : i32
        %dma_start3A_159 = tpu.memref_slice %arg8[%dma_start3A_157, %dma_start3A_158] : memref<3x80xi32, #tpu.memory_space<vmem>> -> memref<1x80xi32, #tpu.memory_space<vmem>>
        %dma_start3A_160 = tpu.memref_squeeze %dma_start3A_159 : memref<1x80xi32, #tpu.memory_space<vmem>> -> memref<80xi32, #tpu.memory_space<vmem>>
        %dma_start3A_161 = arith.constant 0 : i32
        %dma_start3A_162 = arith.constant 0 : i32
        %dma_start3A_163 = tpu.memref_slice %arg16[%dma_start3A_161, %dma_start3A_162] : memref<17x128xf32, #tpu.memory_space<vmem_shared>> -> memref<17x128xf32, #tpu.memory_space<vmem_shared>>
        tpu.enqueue_indirect_dma source(%dma_start3A_163 : memref<17x128xf32, #tpu.memory_space<vmem_shared>>) target(%arg12 : memref<80x128xf32, #tpu.memory_space<vmem>>) offsets(%dma_start3A_160 : memref<80xi32, #tpu.memory_space<vmem>>) semaphore(%arg22 : memref<!tpu.dma_semaphore, #tpu.memory_space<semaphore_mem>>)
        %dma_start3A_164 = arith.constant 0 : i32
        %dma_start3A_165 = arith.constant 0 : i32
        %dma_start3A_166 = tpu.memref_slice %arg8[%dma_start3A_164, %dma_start3A_165] : memref<3x80xi32, #tpu.memory_space<vmem>> -> memref<1x80xi32, #tpu.memory_space<vmem>>
        %dma_start3A_167 = tpu.memref_squeeze %dma_start3A_166 : memref<1x80xi32, #tpu.memory_space<vmem>> -> memref<80xi32, #tpu.memory_space<vmem>>
        %dma_start3A_168 = arith.constant 0 : i32
        %dma_start3A_169 = arith.constant 0 : i32
        %dma_start3A_170 = tpu.memref_slice %arg2[%dma_start3A_168, %dma_start3A_169] : memref<10000x128xf32, #tpu.memory_space<hbm>> -> memref<10000x128xf32, #tpu.memory_space<hbm>>
        tpu.enqueue_indirect_dma source(%dma_start3A_170 : memref<10000x128xf32, #tpu.memory_space<hbm>>) target(%arg14 : memref<80x128xf32, #tpu.memory_space<vmem>>) offsets(%dma_start3A_167 : memref<80xi32, #tpu.memory_space<vmem>>) semaphore(%arg20 : memref<!tpu.dma_semaphore, #tpu.memory_space<semaphore_mem>>)
      } else {
      }
      %lt3A_107 = arith.constant 125 : i32
      %lt3A_108 = arith.cmpi slt, %add3A_100, %lt3A_107 : i32
      %convert_element_type3A_109 = arith.extui %lt3A_108 : i1 to i32
      %cond3A_110 = arith.constant 0 : i32
      %cond3A_111 = arith.cmpi ne, %convert_element_type3A_109, %cond3A_110 : i32
      scf.if %cond3A_111 {
        %dma_wait3A_143 = arith.constant 0 : i32
        %dma_wait3A_144 = arith.constant 0 : i32
        %dma_wait3A_145 = tpu.memref_slice %arg7[%dma_wait3A_143, %dma_wait3A_144] : memref<3x80xi32, #tpu.memory_space<vmem>> -> memref<1x80xi32, #tpu.memory_space<vmem>>
        %dma_wait3A_146 = tpu.memref_squeeze %dma_wait3A_145 : memref<1x80xi32, #tpu.memory_space<vmem>> -> memref<80xi32, #tpu.memory_space<vmem>>
        %dma_wait3A_147 = arith.constant 0 : i32
        %dma_wait3A_148 = arith.constant 0 : i32
        %dma_wait3A_149 = tpu.memref_slice %arg2[%dma_wait3A_147, %dma_wait3A_148] : memref<10000x128xf32, #tpu.memory_space<hbm>> -> memref<10000x128xf32, #tpu.memory_space<hbm>>
        tpu.wait_indirect_dma semaphore(%arg19 : memref<!tpu.dma_semaphore, #tpu.memory_space<semaphore_mem>>) src(%dma_wait3A_149 : memref<10000x128xf32, #tpu.memory_space<hbm>>) dst(%arg13 : memref<80x128xf32, #tpu.memory_space<vmem>>)
        %dma_wait3A_150 = arith.constant 2 : i32
        %dma_wait3A_151 = arith.constant 0 : i32
        %dma_wait3A_152 = tpu.memref_slice %arg7[%dma_wait3A_150, %dma_wait3A_151] : memref<3x80xi32, #tpu.memory_space<vmem>> -> memref<1x80xi32, #tpu.memory_space<vmem>>
        %dma_wait3A_153 = tpu.memref_squeeze %dma_wait3A_152 : memref<1x80xi32, #tpu.memory_space<vmem>> -> memref<80xi32, #tpu.memory_space<vmem>>
        %dma_wait3A_154 = arith.constant 0 : i32
        %dma_wait3A_155 = arith.constant 0 : i32
        %dma_wait3A_156 = tpu.memref_slice %arg16[%dma_wait3A_154, %dma_wait3A_155] : memref<17x128xf32, #tpu.memory_space<vmem_shared>> -> memref<17x128xf32, #tpu.memory_space<vmem_shared>>
        tpu.wait_indirect_dma semaphore(%arg21 : memref<!tpu.dma_semaphore, #tpu.memory_space<semaphore_mem>>) src(%dma_wait3A_156 : memref<17x128xf32, #tpu.memory_space<vmem_shared>>) dst(%arg11 : memref<80x128xf32, #tpu.memory_space<vmem>>)
        %dma_wait3A_157 = arith.constant 0 : i32
        %dma_wait3A_158 = tpu.memref_slice %arg4[%add3A, %add3A_100, %dma_wait3A_157] : memref<32x125x80xi32, #tpu.memory_space<hbm>> -> memref<1x1x80xi32, #tpu.memory_space<hbm>>
        %dma_wait3A_159 = tpu.memref_squeeze %dma_wait3A_158 : memref<1x1x80xi32, #tpu.memory_space<hbm>> -> memref<80xi32, #tpu.memory_space<hbm>>
        %dma_wait3A_160 = arith.constant 0 : i32
        %dma_wait3A_161 = tpu.memref_slice %arg4[%add3A, %add3A_100, %dma_wait3A_160] : memref<32x125x80xi32, #tpu.memory_space<hbm>> -> memref<1x1x80xi32, #tpu.memory_space<hbm>>
        %dma_wait3A_162 = tpu.memref_squeeze %dma_wait3A_161 : memref<1x1x80xi32, #tpu.memory_space<hbm>> -> memref<80xi32, #tpu.memory_space<hbm>>
        tpu.wait_dma2 semaphore(%arg23 : memref<!tpu.dma_semaphore, #tpu.memory_space<semaphore_mem>>) src(%dma_wait3A_162 : memref<80xi32, #tpu.memory_space<hbm>>) dst(%arg9 : memref<80xi32, #tpu.memory_space<vmem>>)
        %scan3A_163 = arith.constant 0 : i32
        %scan3A_164 = arith.constant 0 : i32
        %scan3A_165 = arith.constant 80 : i32
        %scan3A_166 = arith.addi %scan3A_164, %scan3A_165 : i32
        %scan3A_167 = arith.constant 1 : i32
        %scan3A_168 = scf.for %scan3A_173 = %scan3A_164 to %scan3A_166 step %scan3A_167 iter_args(%scan3A_174 = %scan3A_163) -> (i32)  : i32 {
          %get3A = arith.index_cast %scan3A_173 : i32 to index
          %get3A_175 = arith.constant 0 : index
          %get3A_176 = tpu.vector_load %arg13[%get3A, %get3A_175] {strides = array<i32>} : memref<80x128xf32, #tpu.memory_space<vmem>>, vector<1x16xf32>,
          %get3A_177 = vector.shape_cast %get3A_176 : vector<1x16xf32> to vector<16xf32>
          %get3A_178 = arith.index_cast %scan3A_173 : i32 to index
          %get3A_179 = arith.constant 0 : index
          %get3A_180 = tpu.vector_load %arg11[%get3A_178, %get3A_179] {strides = array<i32>} : memref<80x128xf32, #tpu.memory_space<vmem>>, vector<1x16xf32>,
          %get3A_181 = vector.shape_cast %get3A_180 : vector<1x16xf32> to vector<16xf32>
          %add3A_182 = arith.addf %get3A_177, %get3A_181 : vector<16xf32>
          %max3A = arith.constant 0.000000e+00 : f32
          %max3A_183 = vector.broadcast %max3A : f32 to vector<16xf32>
          %max3A_184 = arith.maximumf %add3A_182, %max3A_183 : vector<16xf32>
          %swap3A = arith.index_cast %scan3A_173 : i32 to index
          %swap3A_185 = arith.constant 0 : index
          %swap3A_186 = tpu.vector_load %arg13[%swap3A, %swap3A_185] {strides = array<i32>} : memref<80x128xf32, #tpu.memory_space<vmem>>, vector<1x16xf32>,
          %swap3A_187 = vector.shape_cast %swap3A_186 : vector<1x16xf32> to vector<16xf32>
          %swap3A_188 = vector.shape_cast %max3A_184 : vector<16xf32> to vector<1x16xf32>
          tpu.vector_store %arg13[%swap3A, %swap3A_185], %swap3A_188 {strides = array<i32>} : memref<80x128xf32, #tpu.memory_space<vmem>>, vector<1x16xf32>,
          %get3A_189 = arith.index_cast %scan3A_173 : i32 to index
          %get3A_190 = arith.constant 16 : index
          %get3A_191 = tpu.vector_load %arg13[%get3A_189, %get3A_190] {strides = array<i32>} : memref<80x128xf32, #tpu.memory_space<vmem>>, vector<1x16xf32>,
          %get3A_192 = vector.shape_cast %get3A_191 : vector<1x16xf32> to vector<16xf32>
          %get3A_193 = arith.index_cast %scan3A_173 : i32 to index
          %get3A_194 = arith.constant 16 : index
          %get3A_195 = tpu.vector_load %arg11[%get3A_193, %get3A_194] {strides = array<i32>} : memref<80x128xf32, #tpu.memory_space<vmem>>, vector<1x16xf32>,
          %get3A_196 = vector.shape_cast %get3A_195 : vector<1x16xf32> to vector<16xf32>
          %add3A_197 = arith.addf %get3A_192, %get3A_196 : vector<16xf32>
          %max3A_198 = arith.constant 0.000000e+00 : f32
          %max3A_199 = vector.broadcast %max3A_198 : f32 to vector<16xf32>
          %max3A_200 = arith.maximumf %add3A_197, %max3A_199 : vector<16xf32>
          %swap3A_201 = arith.index_cast %scan3A_173 : i32 to index
          %swap3A_202 = arith.constant 16 : index
          %swap3A_203 = tpu.vector_load %arg13[%swap3A_201, %swap3A_202] {strides = array<i32>} : memref<80x128xf32, #tpu.memory_space<vmem>>, vector<1x16xf32>,
          %swap3A_204 = vector.shape_cast %swap3A_203 : vector<1x16xf32> to vector<16xf32>
          %swap3A_205 = vector.shape_cast %max3A_200 : vector<16xf32> to vector<1x16xf32>
          tpu.vector_store %arg13[%swap3A_201, %swap3A_202], %swap3A_205 {strides = array<i32>} : memref<80x128xf32, #tpu.memory_space<vmem>>, vector<1x16xf32>,
          %get3A_206 = arith.index_cast %scan3A_173 : i32 to index
          %get3A_207 = arith.constant 32 : index
          %get3A_208 = tpu.vector_load %arg13[%get3A_206, %get3A_207] {strides = array<i32>} : memref<80x128xf32, #tpu.memory_space<vmem>>, vector<1x16xf32>,
          %get3A_209 = vector.shape_cast %get3A_208 : vector<1x16xf32> to vector<16xf32>
          %get3A_210 = arith.index_cast %scan3A_173 : i32 to index
          %get3A_211 = arith.constant 32 : index
          %get3A_212 = tpu.vector_load %arg11[%get3A_210, %get3A_211] {strides = array<i32>} : memref<80x128xf32, #tpu.memory_space<vmem>>, vector<1x16xf32>,
          %get3A_213 = vector.shape_cast %get3A_212 : vector<1x16xf32> to vector<16xf32>
          %add3A_214 = arith.addf %get3A_209, %get3A_213 : vector<16xf32>
          %max3A_215 = arith.constant 0.000000e+00 : f32
          %max3A_216 = vector.broadcast %max3A_215 : f32 to vector<16xf32>
          %max3A_217 = arith.maximumf %add3A_214, %max3A_216 : vector<16xf32>
          %swap3A_218 = arith.index_cast %scan3A_173 : i32 to index
          %swap3A_219 = arith.constant 32 : index
          %swap3A_220 = tpu.vector_load %arg13[%swap3A_218, %swap3A_219] {strides = array<i32>} : memref<80x128xf32, #tpu.memory_space<vmem>>, vector<1x16xf32>,
          %swap3A_221 = vector.shape_cast %swap3A_220 : vector<1x16xf32> to vector<16xf32>
          %swap3A_222 = vector.shape_cast %max3A_217 : vector<16xf32> to vector<1x16xf32>
          tpu.vector_store %arg13[%swap3A_218, %swap3A_219], %swap3A_222 {strides = array<i32>} : memref<80x128xf32, #tpu.memory_space<vmem>>, vector<1x16xf32>,
          %get3A_223 = arith.index_cast %scan3A_173 : i32 to index
          %get3A_224 = arith.constant 48 : index
          %get3A_225 = tpu.vector_load %arg13[%get3A_223, %get3A_224] {strides = array<i32>} : memref<80x128xf32, #tpu.memory_space<vmem>>, vector<1x16xf32>,
          %get3A_226 = vector.shape_cast %get3A_225 : vector<1x16xf32> to vector<16xf32>
          %get3A_227 = arith.index_cast %scan3A_173 : i32 to index
          %get3A_228 = arith.constant 48 : index
          %get3A_229 = tpu.vector_load %arg11[%get3A_227, %get3A_228] {strides = array<i32>} : memref<80x128xf32, #tpu.memory_space<vmem>>, vector<1x16xf32>,
          %get3A_230 = vector.shape_cast %get3A_229 : vector<1x16xf32> to vector<16xf32>
          %add3A_231 = arith.addf %get3A_226, %get3A_230 : vector<16xf32>
          %max3A_232 = arith.constant 0.000000e+00 : f32
          %max3A_233 = vector.broadcast %max3A_232 : f32 to vector<16xf32>
          %max3A_234 = arith.maximumf %add3A_231, %max3A_233 : vector<16xf32>
          %swap3A_235 = arith.index_cast %scan3A_173 : i32 to index
          %swap3A_236 = arith.constant 48 : index
          %swap3A_237 = tpu.vector_load %arg13[%swap3A_235, %swap3A_236] {strides = array<i32>} : memref<80x128xf32, #tpu.memory_space<vmem>>, vector<1x16xf32>,
          %swap3A_238 = vector.shape_cast %swap3A_237 : vector<1x16xf32> to vector<16xf32>
          %swap3A_239 = vector.shape_cast %max3A_234 : vector<16xf32> to vector<1x16xf32>
          tpu.vector_store %arg13[%swap3A_235, %swap3A_236], %swap3A_239 {strides = array<i32>} : memref<80x128xf32, #tpu.memory_space<vmem>>, vector<1x16xf32>,
          %get3A_240 = arith.index_cast %scan3A_173 : i32 to index
          %get3A_241 = arith.constant 64 : index
          %get3A_242 = tpu.vector_load %arg13[%get3A_240, %get3A_241] {strides = array<i32>} : memref<80x128xf32, #tpu.memory_space<vmem>>, vector<1x16xf32>,
          %get3A_243 = vector.shape_cast %get3A_242 : vector<1x16xf32> to vector<16xf32>
          %get3A_244 = arith.index_cast %scan3A_173 : i32 to index
          %get3A_245 = arith.constant 64 : index
          %get3A_246 = tpu.vector_load %arg11[%get3A_244, %get3A_245] {strides = array<i32>} : memref<80x128xf32, #tpu.memory_space<vmem>>, vector<1x16xf32>,
          %get3A_247 = vector.shape_cast %get3A_246 : vector<1x16xf32> to vector<16xf32>
          %add3A_248 = arith.addf %get3A_243, %get3A_247 : vector<16xf32>
          %max3A_249 = arith.constant 0.000000e+00 : f32
          %max3A_250 = vector.broadcast %max3A_249 : f32 to vector<16xf32>
          %max3A_251 = arith.maximumf %add3A_248, %max3A_250 : vector<16xf32>
          %swap3A_252 = arith.index_cast %scan3A_173 : i32 to index
          %swap3A_253 = arith.constant 64 : index
          %swap3A_254 = tpu.vector_load %arg13[%swap3A_252, %swap3A_253] {strides = array<i32>} : memref<80x128xf32, #tpu.memory_space<vmem>>, vector<1x16xf32>,
          %swap3A_255 = vector.shape_cast %swap3A_254 : vector<1x16xf32> to vector<16xf32>
          %swap3A_256 = vector.shape_cast %max3A_251 : vector<16xf32> to vector<1x16xf32>
          tpu.vector_store %arg13[%swap3A_252, %swap3A_253], %swap3A_256 {strides = array<i32>} : memref<80x128xf32, #tpu.memory_space<vmem>>, vector<1x16xf32>,
          %get3A_257 = arith.index_cast %scan3A_173 : i32 to index
          %get3A_258 = arith.constant 80 : index
          %get3A_259 = tpu.vector_load %arg13[%get3A_257, %get3A_258] {strides = array<i32>} : memref<80x128xf32, #tpu.memory_space<vmem>>, vector<1x16xf32>,
          %get3A_260 = vector.shape_cast %get3A_259 : vector<1x16xf32> to vector<16xf32>
          %get3A_261 = arith.index_cast %scan3A_173 : i32 to index
          %get3A_262 = arith.constant 80 : index
          %get3A_263 = tpu.vector_load %arg11[%get3A_261, %get3A_262] {strides = array<i32>} : memref<80x128xf32, #tpu.memory_space<vmem>>, vector<1x16xf32>,
          %get3A_264 = vector.shape_cast %get3A_263 : vector<1x16xf32> to vector<16xf32>
          %add3A_265 = arith.addf %get3A_260, %get3A_264 : vector<16xf32>
          %max3A_266 = arith.constant 0.000000e+00 : f32
          %max3A_267 = vector.broadcast %max3A_266 : f32 to vector<16xf32>
          %max3A_268 = arith.maximumf %add3A_265, %max3A_267 : vector<16xf32>
          %swap3A_269 = arith.index_cast %scan3A_173 : i32 to index
          %swap3A_270 = arith.constant 80 : index
          %swap3A_271 = tpu.vector_load %arg13[%swap3A_269, %swap3A_270] {strides = array<i32>} : memref<80x128xf32, #tpu.memory_space<vmem>>, vector<1x16xf32>,
          %swap3A_272 = vector.shape_cast %swap3A_271 : vector<1x16xf32> to vector<16xf32>
          %swap3A_273 = vector.shape_cast %max3A_268 : vector<16xf32> to vector<1x16xf32>
          tpu.vector_store %arg13[%swap3A_269, %swap3A_270], %swap3A_273 {strides = array<i32>} : memref<80x128xf32, #tpu.memory_space<vmem>>, vector<1x16xf32>,
          %get3A_274 = arith.index_cast %scan3A_173 : i32 to index
          %get3A_275 = arith.constant 96 : index
          %get3A_276 = tpu.vector_load %arg13[%get3A_274, %get3A_275] {strides = array<i32>} : memref<80x128xf32, #tpu.memory_space<vmem>>, vector<1x16xf32>,
          %get3A_277 = vector.shape_cast %get3A_276 : vector<1x16xf32> to vector<16xf32>
          %get3A_278 = arith.index_cast %scan3A_173 : i32 to index
          %get3A_279 = arith.constant 96 : index
          %get3A_280 = tpu.vector_load %arg11[%get3A_278, %get3A_279] {strides = array<i32>} : memref<80x128xf32, #tpu.memory_space<vmem>>, vector<1x16xf32>,
          %get3A_281 = vector.shape_cast %get3A_280 : vector<1x16xf32> to vector<16xf32>
          %add3A_282 = arith.addf %get3A_277, %get3A_281 : vector<16xf32>
          %max3A_283 = arith.constant 0.000000e+00 : f32
          %max3A_284 = vector.broadcast %max3A_283 : f32 to vector<16xf32>
          %max3A_285 = arith.maximumf %add3A_282, %max3A_284 : vector<16xf32>
          %swap3A_286 = arith.index_cast %scan3A_173 : i32 to index
          %swap3A_287 = arith.constant 96 : index
          %swap3A_288 = tpu.vector_load %arg13[%swap3A_286, %swap3A_287] {strides = array<i32>} : memref<80x128xf32, #tpu.memory_space<vmem>>, vector<1x16xf32>,
          %swap3A_289 = vector.shape_cast %swap3A_288 : vector<1x16xf32> to vector<16xf32>
          %swap3A_290 = vector.shape_cast %max3A_285 : vector<16xf32> to vector<1x16xf32>
          tpu.vector_store %arg13[%swap3A_286, %swap3A_287], %swap3A_290 {strides = array<i32>} : memref<80x128xf32, #tpu.memory_space<vmem>>, vector<1x16xf32>,
          %get3A_291 = arith.index_cast %scan3A_173 : i32 to index
          %get3A_292 = arith.constant 112 : index
          %get3A_293 = tpu.vector_load %arg13[%get3A_291, %get3A_292] {strides = array<i32>} : memref<80x128xf32, #tpu.memory_space<vmem>>, vector<1x16xf32>,
          %get3A_294 = vector.shape_cast %get3A_293 : vector<1x16xf32> to vector<16xf32>
          %get3A_295 = arith.index_cast %scan3A_173 : i32 to index
          %get3A_296 = arith.constant 112 : index
          %get3A_297 = tpu.vector_load %arg11[%get3A_295, %get3A_296] {strides = array<i32>} : memref<80x128xf32, #tpu.memory_space<vmem>>, vector<1x16xf32>,
          %get3A_298 = vector.shape_cast %get3A_297 : vector<1x16xf32> to vector<16xf32>
          %add3A_299 = arith.addf %get3A_294, %get3A_298 : vector<16xf32>
          %max3A_300 = arith.constant 0.000000e+00 : f32
          %max3A_301 = vector.broadcast %max3A_300 : f32 to vector<16xf32>
          %max3A_302 = arith.maximumf %add3A_299, %max3A_301 : vector<16xf32>
          %swap3A_303 = arith.index_cast %scan3A_173 : i32 to index
          %swap3A_304 = arith.constant 112 : index
          %swap3A_305 = tpu.vector_load %arg13[%swap3A_303, %swap3A_304] {strides = array<i32>} : memref<80x128xf32, #tpu.memory_space<vmem>>, vector<1x16xf32>,
          %swap3A_306 = vector.shape_cast %swap3A_305 : vector<1x16xf32> to vector<16xf32>
          %swap3A_307 = vector.shape_cast %max3A_302 : vector<16xf32> to vector<1x16xf32>
          tpu.vector_store %arg13[%swap3A_303, %swap3A_304], %swap3A_307 {strides = array<i32>} : memref<80x128xf32, #tpu.memory_space<vmem>>, vector<1x16xf32>,
          %scan3A_308 = arith.constant 0 : i32
          scf.yield %scan3A_308 : i32
        }
        %scan3A_169 = arith.constant 80 : i32
        %dma_start3A_170 = arith.constant 0 : i32
        %dma_start3A_171 = arith.constant 0 : i32
        %dma_start3A_172 = tpu.memref_slice %arg15[%dma_start3A_170, %dma_start3A_171] : memref<10112x128xf32, #tpu.memory_space<vmem_shared>> -> memref<10112x128xf32, #tpu.memory_space<vmem_shared>>
        tpu.enqueue_indirect_dma source(%arg13 : memref<80x128xf32, #tpu.memory_space<vmem>>) target(%dma_start3A_172 : memref<10112x128xf32, #tpu.memory_space<vmem_shared>>) offsets(%arg9 : memref<80xi32, #tpu.memory_space<vmem>>) semaphore(%arg25 : memref<!tpu.dma_semaphore, #tpu.memory_space<semaphore_mem>>) {add = true}
      } else {
      }
      %add3A_112 = arith.constant 2 : i32
      %add3A_113 = arith.addi %add3A_100, %add3A_112 : i32
      %lt3A_114 = arith.constant 125 : i32
      %lt3A_115 = arith.cmpi slt, %add3A_113, %lt3A_114 : i32
      %convert_element_type3A_116 = arith.extui %lt3A_115 : i1 to i32
      %cond3A_117 = arith.constant 0 : i32
      %cond3A_118 = arith.cmpi ne, %convert_element_type3A_116, %cond3A_117 : i32
      scf.if %cond3A_118 {
        %add3A_143 = arith.constant 2 : i32
        %add3A_144 = arith.addi %add3A_100, %add3A_143 : i32
        %dma_start3A_145 = arith.constant 0 : i32
        %dma_start3A_146 = arith.constant 0 : i32
        %dma_start3A_147 = tpu.memref_slice %arg3[%add3A, %add3A_144, %dma_start3A_145, %dma_start3A_146] : memref<32x125x3x80xi32, #tpu.memory_space<hbm>> -> memref<1x1x3x80xi32, #tpu.memory_space<hbm>>
        %dma_start3A_148 = tpu.memref_squeeze %dma_start3A_147 : memref<1x1x3x80xi32, #tpu.memory_space<hbm>> -> memref<3x80xi32, #tpu.memory_space<hbm>>
        %dma_start3A_149 = arith.constant 0 : i32
        %dma_start3A_150 = arith.constant 0 : i32
        %dma_start3A_151 = tpu.memref_slice %arg3[%add3A, %add3A_144, %dma_start3A_149, %dma_start3A_150] : memref<32x125x3x80xi32, #tpu.memory_space<hbm>> -> memref<1x1x3x80xi32, #tpu.memory_space<hbm>>
        %dma_start3A_152 = tpu.memref_squeeze %dma_start3A_151 : memref<1x1x3x80xi32, #tpu.memory_space<hbm>> -> memref<3x80xi32, #tpu.memory_space<hbm>>
        tpu.enqueue_dma source(%dma_start3A_152 : memref<3x80xi32, #tpu.memory_space<hbm>>) target(%arg7 : memref<3x80xi32, #tpu.memory_space<vmem>>) target_semaphore(%arg17 : memref<!tpu.dma_semaphore, #tpu.memory_space<semaphore_mem>>)
      } else {
      }
      %mul3A_119 = arith.constant 2 : i32
      %mul3A_120 = arith.muli %scan3A_95, %mul3A_119 : i32
      %add3A_121 = arith.constant 1 : i32
      %add3A_122 = arith.addi %mul3A_120, %add3A_121 : i32
      %add3A_123 = arith.constant 1 : i32
      %add3A_124 = arith.addi %add3A_122, %add3A_123 : i32
      %lt3A_125 = arith.constant 125 : i32
      %lt3A_126 = arith.cmpi slt, %add3A_124, %lt3A_125 : i32
      %convert_element_type3A_127 = arith.extui %lt3A_126 : i1 to i32
      %cond3A_128 = arith.constant 0 : i32
      %cond3A_129 = arith.cmpi ne, %convert_element_type3A_127, %cond3A_128 : i32
      scf.if %cond3A_129 {
        %add3A_143 = arith.constant 1 : i32
        %add3A_144 = arith.addi %add3A_122, %add3A_143 : i32
        %dma_wait3A_145 = arith.constant 0 : i32
        %dma_wait3A_146 = arith.constant 0 : i32
        %dma_wait3A_147 = tpu.memref_slice %arg3[%add3A, %add3A_144, %dma_wait3A_145, %dma_wait3A_146] : memref<32x125x3x80xi32, #tpu.memory_space<hbm>> -> memref<1x1x3x80xi32, #tpu.memory_space<hbm>>
        %dma_wait3A_148 = tpu.memref_squeeze %dma_wait3A_147 : memref<1x1x3x80xi32, #tpu.memory_space<hbm>> -> memref<3x80xi32, #tpu.memory_space<hbm>>
        %dma_wait3A_149 = arith.constant 0 : i32
        %dma_wait3A_150 = arith.constant 0 : i32
        %dma_wait3A_151 = tpu.memref_slice %arg3[%add3A, %add3A_144, %dma_wait3A_149, %dma_wait3A_150] : memref<32x125x3x80xi32, #tpu.memory_space<hbm>> -> memref<1x1x3x80xi32, #tpu.memory_space<hbm>>
        %dma_wait3A_152 = tpu.memref_squeeze %dma_wait3A_151 : memref<1x1x3x80xi32, #tpu.memory_space<hbm>> -> memref<3x80xi32, #tpu.memory_space<hbm>>
        tpu.wait_dma2 semaphore(%arg17 : memref<!tpu.dma_semaphore, #tpu.memory_space<semaphore_mem>>) src(%dma_wait3A_152 : memref<3x80xi32, #tpu.memory_space<hbm>>) dst(%arg7 : memref<3x80xi32, #tpu.memory_space<vmem>>)
        %ge3A = arith.constant 1 : i32
        %ge3A_153 = arith.cmpi sge, %add3A_122, %ge3A : i32
        %convert_element_type3A_154 = arith.extui %ge3A_153 : i1 to i32
        %cond3A_155 = arith.constant 0 : i32
        %cond3A_156 = arith.cmpi ne, %convert_element_type3A_154, %cond3A_155 : i32
        scf.if %cond3A_156 {
          %dma_wait3A_171 = arith.constant 0 : i32
          %dma_wait3A_172 = arith.constant 0 : i32
          %dma_wait3A_173 = tpu.memref_slice %arg15[%dma_wait3A_171, %dma_wait3A_172] : memref<10112x128xf32, #tpu.memory_space<vmem_shared>> -> memref<10112x128xf32, #tpu.memory_space<vmem_shared>>
          tpu.wait_indirect_dma semaphore(%arg25 : memref<!tpu.dma_semaphore, #tpu.memory_space<semaphore_mem>>) src(%arg13 : memref<80x128xf32, #tpu.memory_space<vmem>>) dst(%dma_wait3A_173 : memref<10112x128xf32, #tpu.memory_space<vmem_shared>>)
          %add3A_174 = arith.constant 1 : i32
          %add3A_175 = arith.addi %add3A_122, %add3A_174 : i32
          %dma_start3A_176 = arith.constant 0 : i32
          %dma_start3A_177 = tpu.memref_slice %arg4[%add3A, %add3A_175, %dma_start3A_176] : memref<32x125x80xi32, #tpu.memory_space<hbm>> -> memref<1x1x80xi32, #tpu.memory_space<hbm>>
          %dma_start3A_178 = tpu.memref_squeeze %dma_start3A_177 : memref<1x1x80xi32, #tpu.memory_space<hbm>> -> memref<80xi32, #tpu.memory_space<hbm>>
          %dma_start3A_179 = arith.constant 0 : i32
          %dma_start3A_180 = tpu.memref_slice %arg4[%add3A, %add3A_175, %dma_start3A_179] : memref<32x125x80xi32, #tpu.memory_space<hbm>> -> memref<1x1x80xi32, #tpu.memory_space<hbm>>
          %dma_start3A_181 = tpu.memref_squeeze %dma_start3A_180 : memref<1x1x80xi32, #tpu.memory_space<hbm>> -> memref<80xi32, #tpu.memory_space<hbm>>
          tpu.enqueue_dma source(%dma_start3A_181 : memref<80xi32, #tpu.memory_space<hbm>>) target(%arg9 : memref<80xi32, #tpu.memory_space<vmem>>) target_semaphore(%arg23 : memref<!tpu.dma_semaphore, #tpu.memory_space<semaphore_mem>>)
        } else {
        }
        %dma_start3A_157 = arith.constant 2 : i32
        %dma_start3A_158 = arith.constant 0 : i32
        %dma_start3A_159 = tpu.memref_slice %arg7[%dma_start3A_157, %dma_start3A_158] : memref<3x80xi32, #tpu.memory_space<vmem>> -> memref<1x80xi32, #tpu.memory_space<vmem>>
        %dma_start3A_160 = tpu.memref_squeeze %dma_start3A_159 : memref<1x80xi32, #tpu.memory_space<vmem>> -> memref<80xi32, #tpu.memory_space<vmem>>
        %dma_start3A_161 = arith.constant 0 : i32
        %dma_start3A_162 = arith.constant 0 : i32
        %dma_start3A_163 = tpu.memref_slice %arg16[%dma_start3A_161, %dma_start3A_162] : memref<17x128xf32, #tpu.memory_space<vmem_shared>> -> memref<17x128xf32, #tpu.memory_space<vmem_shared>>
        tpu.enqueue_indirect_dma source(%dma_start3A_163 : memref<17x128xf32, #tpu.memory_space<vmem_shared>>) target(%arg11 : memref<80x128xf32, #tpu.memory_space<vmem>>) offsets(%dma_start3A_160 : memref<80xi32, #tpu.memory_space<vmem>>) semaphore(%arg21 : memref<!tpu.dma_semaphore, #tpu.memory_space<semaphore_mem>>)
        %dma_start3A_164 = arith.constant 0 : i32
        %dma_start3A_165 = arith.constant 0 : i32
        %dma_start3A_166 = tpu.memref_slice %arg7[%dma_start3A_164, %dma_start3A_165] : memref<3x80xi32, #tpu.memory_space<vmem>> -> memref<1x80xi32, #tpu.memory_space<vmem>>
        %dma_start3A_167 = tpu.memref_squeeze %dma_start3A_166 : memref<1x80xi32, #tpu.memory_space<vmem>> -> memref<80xi32, #tpu.memory_space<vmem>>
        %dma_start3A_168 = arith.constant 0 : i32
        %dma_start3A_169 = arith.constant 0 : i32
        %dma_start3A_170 = tpu.memref_slice %arg2[%dma_start3A_168, %dma_start3A_169] : memref<10000x128xf32, #tpu.memory_space<hbm>> -> memref<10000x128xf32, #tpu.memory_space<hbm>>
        tpu.enqueue_indirect_dma source(%dma_start3A_170 : memref<10000x128xf32, #tpu.memory_space<hbm>>) target(%arg13 : memref<80x128xf32, #tpu.memory_space<vmem>>) offsets(%dma_start3A_167 : memref<80xi32, #tpu.memory_space<vmem>>) semaphore(%arg19 : memref<!tpu.dma_semaphore, #tpu.memory_space<semaphore_mem>>)
      } else {
      }
      %lt3A_130 = arith.constant 125 : i32
      %lt3A_131 = arith.cmpi slt, %add3A_122, %lt3A_130 : i32
      %convert_element_type3A_132 = arith.extui %lt3A_131 : i1 to i32
      %cond3A_133 = arith.constant 0 : i32
      %cond3A_134 = arith.cmpi ne, %convert_element_type3A_132, %cond3A_133 : i32
      scf.if %cond3A_134 {
        %dma_wait3A_143 = arith.constant 0 : i32
        %dma_wait3A_144 = arith.constant 0 : i32
        %dma_wait3A_145 = tpu.memref_slice %arg8[%dma_wait3A_143, %dma_wait3A_144] : memref<3x80xi32, #tpu.memory_space<vmem>> -> memref<1x80xi32, #tpu.memory_space<vmem>>
        %dma_wait3A_146 = tpu.memref_squeeze %dma_wait3A_145 : memref<1x80xi32, #tpu.memory_space<vmem>> -> memref<80xi32, #tpu.memory_space<vmem>>
        %dma_wait3A_147 = arith.constant 0 : i32
        %dma_wait3A_148 = arith.constant 0 : i32
        %dma_wait3A_149 = tpu.memref_slice %arg2[%dma_wait3A_147, %dma_wait3A_148] : memref<10000x128xf32, #tpu.memory_space<hbm>> -> memref<10000x128xf32, #tpu.memory_space<hbm>>
        tpu.wait_indirect_dma semaphore(%arg20 : memref<!tpu.dma_semaphore, #tpu.memory_space<semaphore_mem>>) src(%dma_wait3A_149 : memref<10000x128xf32, #tpu.memory_space<hbm>>) dst(%arg14 : memref<80x128xf32, #tpu.memory_space<vmem>>)
        %dma_wait3A_150 = arith.constant 2 : i32
        %dma_wait3A_151 = arith.constant 0 : i32
        %dma_wait3A_152 = tpu.memref_slice %arg8[%dma_wait3A_150, %dma_wait3A_151] : memref<3x80xi32, #tpu.memory_space<vmem>> -> memref<1x80xi32, #tpu.memory_space<vmem>>
        %dma_wait3A_153 = tpu.memref_squeeze %dma_wait3A_152 : memref<1x80xi32, #tpu.memory_space<vmem>> -> memref<80xi32, #tpu.memory_space<vmem>>
        %dma_wait3A_154 = arith.constant 0 : i32
        %dma_wait3A_155 = arith.constant 0 : i32
        %dma_wait3A_156 = tpu.memref_slice %arg16[%dma_wait3A_154, %dma_wait3A_155] : memref<17x128xf32, #tpu.memory_space<vmem_shared>> -> memref<17x128xf32, #tpu.memory_space<vmem_shared>>
        tpu.wait_indirect_dma semaphore(%arg22 : memref<!tpu.dma_semaphore, #tpu.memory_space<semaphore_mem>>) src(%dma_wait3A_156 : memref<17x128xf32, #tpu.memory_space<vmem_shared>>) dst(%arg12 : memref<80x128xf32, #tpu.memory_space<vmem>>)
        %dma_wait3A_157 = arith.constant 0 : i32
        %dma_wait3A_158 = tpu.memref_slice %arg4[%add3A, %add3A_122, %dma_wait3A_157] : memref<32x125x80xi32, #tpu.memory_space<hbm>> -> memref<1x1x80xi32, #tpu.memory_space<hbm>>
        %dma_wait3A_159 = tpu.memref_squeeze %dma_wait3A_158 : memref<1x1x80xi32, #tpu.memory_space<hbm>> -> memref<80xi32, #tpu.memory_space<hbm>>
        %dma_wait3A_160 = arith.constant 0 : i32
        %dma_wait3A_161 = tpu.memref_slice %arg4[%add3A, %add3A_122, %dma_wait3A_160] : memref<32x125x80xi32, #tpu.memory_space<hbm>> -> memref<1x1x80xi32, #tpu.memory_space<hbm>>
        %dma_wait3A_162 = tpu.memref_squeeze %dma_wait3A_161 : memref<1x1x80xi32, #tpu.memory_space<hbm>> -> memref<80xi32, #tpu.memory_space<hbm>>
        tpu.wait_dma2 semaphore(%arg24 : memref<!tpu.dma_semaphore, #tpu.memory_space<semaphore_mem>>) src(%dma_wait3A_162 : memref<80xi32, #tpu.memory_space<hbm>>) dst(%arg10 : memref<80xi32, #tpu.memory_space<vmem>>)
        %scan3A_163 = arith.constant 0 : i32
        %scan3A_164 = arith.constant 0 : i32
        %scan3A_165 = arith.constant 80 : i32
        %scan3A_166 = arith.addi %scan3A_164, %scan3A_165 : i32
        %scan3A_167 = arith.constant 1 : i32
        %scan3A_168 = scf.for %scan3A_173 = %scan3A_164 to %scan3A_166 step %scan3A_167 iter_args(%scan3A_174 = %scan3A_163) -> (i32)  : i32 {
          %get3A = arith.index_cast %scan3A_173 : i32 to index
          %get3A_175 = arith.constant 0 : index
          %get3A_176 = tpu.vector_load %arg14[%get3A, %get3A_175] {strides = array<i32>} : memref<80x128xf32, #tpu.memory_space<vmem>>, vector<1x16xf32>,
          %get3A_177 = vector.shape_cast %get3A_176 : vector<1x16xf32> to vector<16xf32>
          %get3A_178 = arith.index_cast %scan3A_173 : i32 to index
          %get3A_179 = arith.constant 0 : index
          %get3A_180 = tpu.vector_load %arg12[%get3A_178, %get3A_179] {strides = array<i32>} : memref<80x128xf32, #tpu.memory_space<vmem>>, vector<1x16xf32>,
          %get3A_181 = vector.shape_cast %get3A_180 : vector<1x16xf32> to vector<16xf32>
          %add3A_182 = arith.addf %get3A_177, %get3A_181 : vector<16xf32>
          %max3A = arith.constant 0.000000e+00 : f32
          %max3A_183 = vector.broadcast %max3A : f32 to vector<16xf32>
          %max3A_184 = arith.maximumf %add3A_182, %max3A_183 : vector<16xf32>
          %swap3A = arith.index_cast %scan3A_173 : i32 to index
          %swap3A_185 = arith.constant 0 : index
          %swap3A_186 = tpu.vector_load %arg14[%swap3A, %swap3A_185] {strides = array<i32>} : memref<80x128xf32, #tpu.memory_space<vmem>>, vector<1x16xf32>,
          %swap3A_187 = vector.shape_cast %swap3A_186 : vector<1x16xf32> to vector<16xf32>
          %swap3A_188 = vector.shape_cast %max3A_184 : vector<16xf32> to vector<1x16xf32>
          tpu.vector_store %arg14[%swap3A, %swap3A_185], %swap3A_188 {strides = array<i32>} : memref<80x128xf32, #tpu.memory_space<vmem>>, vector<1x16xf32>,
          %get3A_189 = arith.index_cast %scan3A_173 : i32 to index
          %get3A_190 = arith.constant 16 : index
          %get3A_191 = tpu.vector_load %arg14[%get3A_189, %get3A_190] {strides = array<i32>} : memref<80x128xf32, #tpu.memory_space<vmem>>, vector<1x16xf32>,
          %get3A_192 = vector.shape_cast %get3A_191 : vector<1x16xf32> to vector<16xf32>
          %get3A_193 = arith.index_cast %scan3A_173 : i32 to index
          %get3A_194 = arith.constant 16 : index
          %get3A_195 = tpu.vector_load %arg12[%get3A_193, %get3A_194] {strides = array<i32>} : memref<80x128xf32, #tpu.memory_space<vmem>>, vector<1x16xf32>,
          %get3A_196 = vector.shape_cast %get3A_195 : vector<1x16xf32> to vector<16xf32>
          %add3A_197 = arith.addf %get3A_192, %get3A_196 : vector<16xf32>
          %max3A_198 = arith.constant 0.000000e+00 : f32
          %max3A_199 = vector.broadcast %max3A_198 : f32 to vector<16xf32>
          %max3A_200 = arith.maximumf %add3A_197, %max3A_199 : vector<16xf32>
          %swap3A_201 = arith.index_cast %scan3A_173 : i32 to index
          %swap3A_202 = arith.constant 16 : index
          %swap3A_203 = tpu.vector_load %arg14[%swap3A_201, %swap3A_202] {strides = array<i32>} : memref<80x128xf32, #tpu.memory_space<vmem>>, vector<1x16xf32>,
          %swap3A_204 = vector.shape_cast %swap3A_203 : vector<1x16xf32> to vector<16xf32>
          %swap3A_205 = vector.shape_cast %max3A_200 : vector<16xf32> to vector<1x16xf32>
          tpu.vector_store %arg14[%swap3A_201, %swap3A_202], %swap3A_205 {strides = array<i32>} : memref<80x128xf32, #tpu.memory_space<vmem>>, vector<1x16xf32>,
          %get3A_206 = arith.index_cast %scan3A_173 : i32 to index
          %get3A_207 = arith.constant 32 : index
          %get3A_208 = tpu.vector_load %arg14[%get3A_206, %get3A_207] {strides = array<i32>} : memref<80x128xf32, #tpu.memory_space<vmem>>, vector<1x16xf32>,
          %get3A_209 = vector.shape_cast %get3A_208 : vector<1x16xf32> to vector<16xf32>
          %get3A_210 = arith.index_cast %scan3A_173 : i32 to index
          %get3A_211 = arith.constant 32 : index
          %get3A_212 = tpu.vector_load %arg12[%get3A_210, %get3A_211] {strides = array<i32>} : memref<80x128xf32, #tpu.memory_space<vmem>>, vector<1x16xf32>,
          %get3A_213 = vector.shape_cast %get3A_212 : vector<1x16xf32> to vector<16xf32>
          %add3A_214 = arith.addf %get3A_209, %get3A_213 : vector<16xf32>
          %max3A_215 = arith.constant 0.000000e+00 : f32
          %max3A_216 = vector.broadcast %max3A_215 : f32 to vector<16xf32>
          %max3A_217 = arith.maximumf %add3A_214, %max3A_216 : vector<16xf32>
          %swap3A_218 = arith.index_cast %scan3A_173 : i32 to index
          %swap3A_219 = arith.constant 32 : index
          %swap3A_220 = tpu.vector_load %arg14[%swap3A_218, %swap3A_219] {strides = array<i32>} : memref<80x128xf32, #tpu.memory_space<vmem>>, vector<1x16xf32>,
          %swap3A_221 = vector.shape_cast %swap3A_220 : vector<1x16xf32> to vector<16xf32>
          %swap3A_222 = vector.shape_cast %max3A_217 : vector<16xf32> to vector<1x16xf32>
          tpu.vector_store %arg14[%swap3A_218, %swap3A_219], %swap3A_222 {strides = array<i32>} : memref<80x128xf32, #tpu.memory_space<vmem>>, vector<1x16xf32>,
          %get3A_223 = arith.index_cast %scan3A_173 : i32 to index
          %get3A_224 = arith.constant 48 : index
          %get3A_225 = tpu.vector_load %arg14[%get3A_223, %get3A_224] {strides = array<i32>} : memref<80x128xf32, #tpu.memory_space<vmem>>, vector<1x16xf32>,
          %get3A_226 = vector.shape_cast %get3A_225 : vector<1x16xf32> to vector<16xf32>
          %get3A_227 = arith.index_cast %scan3A_173 : i32 to index
          %get3A_228 = arith.constant 48 : index
          %get3A_229 = tpu.vector_load %arg12[%get3A_227, %get3A_228] {strides = array<i32>} : memref<80x128xf32, #tpu.memory_space<vmem>>, vector<1x16xf32>,
          %get3A_230 = vector.shape_cast %get3A_229 : vector<1x16xf32> to vector<16xf32>
          %add3A_231 = arith.addf %get3A_226, %get3A_230 : vector<16xf32>
          %max3A_232 = arith.constant 0.000000e+00 : f32
          %max3A_233 = vector.broadcast %max3A_232 : f32 to vector<16xf32>
          %max3A_234 = arith.maximumf %add3A_231, %max3A_233 : vector<16xf32>
          %swap3A_235 = arith.index_cast %scan3A_173 : i32 to index
          %swap3A_236 = arith.constant 48 : index
          %swap3A_237 = tpu.vector_load %arg14[%swap3A_235, %swap3A_236] {strides = array<i32>} : memref<80x128xf32, #tpu.memory_space<vmem>>, vector<1x16xf32>,
          %swap3A_238 = vector.shape_cast %swap3A_237 : vector<1x16xf32> to vector<16xf32>
          %swap3A_239 = vector.shape_cast %max3A_234 : vector<16xf32> to vector<1x16xf32>
          tpu.vector_store %arg14[%swap3A_235, %swap3A_236], %swap3A_239 {strides = array<i32>} : memref<80x128xf32, #tpu.memory_space<vmem>>, vector<1x16xf32>,
          %get3A_240 = arith.index_cast %scan3A_173 : i32 to index
          %get3A_241 = arith.constant 64 : index
          %get3A_242 = tpu.vector_load %arg14[%get3A_240, %get3A_241] {strides = array<i32>} : memref<80x128xf32, #tpu.memory_space<vmem>>, vector<1x16xf32>,
          %get3A_243 = vector.shape_cast %get3A_242 : vector<1x16xf32> to vector<16xf32>
          %get3A_244 = arith.index_cast %scan3A_173 : i32 to index
          %get3A_245 = arith.constant 64 : index
          %get3A_246 = tpu.vector_load %arg12[%get3A_244, %get3A_245] {strides = array<i32>} : memref<80x128xf32, #tpu.memory_space<vmem>>, vector<1x16xf32>,
          %get3A_247 = vector.shape_cast %get3A_246 : vector<1x16xf32> to vector<16xf32>
          %add3A_248 = arith.addf %get3A_243, %get3A_247 : vector<16xf32>
          %max3A_249 = arith.constant 0.000000e+00 : f32
          %max3A_250 = vector.broadcast %max3A_249 : f32 to vector<16xf32>
          %max3A_251 = arith.maximumf %add3A_248, %max3A_250 : vector<16xf32>
          %swap3A_252 = arith.index_cast %scan3A_173 : i32 to index
          %swap3A_253 = arith.constant 64 : index
          %swap3A_254 = tpu.vector_load %arg14[%swap3A_252, %swap3A_253] {strides = array<i32>} : memref<80x128xf32, #tpu.memory_space<vmem>>, vector<1x16xf32>,
          %swap3A_255 = vector.shape_cast %swap3A_254 : vector<1x16xf32> to vector<16xf32>
          %swap3A_256 = vector.shape_cast %max3A_251 : vector<16xf32> to vector<1x16xf32>
          tpu.vector_store %arg14[%swap3A_252, %swap3A_253], %swap3A_256 {strides = array<i32>} : memref<80x128xf32, #tpu.memory_space<vmem>>, vector<1x16xf32>,
          %get3A_257 = arith.index_cast %scan3A_173 : i32 to index
          %get3A_258 = arith.constant 80 : index
          %get3A_259 = tpu.vector_load %arg14[%get3A_257, %get3A_258] {strides = array<i32>} : memref<80x128xf32, #tpu.memory_space<vmem>>, vector<1x16xf32>,
          %get3A_260 = vector.shape_cast %get3A_259 : vector<1x16xf32> to vector<16xf32>
          %get3A_261 = arith.index_cast %scan3A_173 : i32 to index
          %get3A_262 = arith.constant 80 : index
          %get3A_263 = tpu.vector_load %arg12[%get3A_261, %get3A_262] {strides = array<i32>} : memref<80x128xf32, #tpu.memory_space<vmem>>, vector<1x16xf32>,
          %get3A_264 = vector.shape_cast %get3A_263 : vector<1x16xf32> to vector<16xf32>
          %add3A_265 = arith.addf %get3A_260, %get3A_264 : vector<16xf32>
          %max3A_266 = arith.constant 0.000000e+00 : f32
          %max3A_267 = vector.broadcast %max3A_266 : f32 to vector<16xf32>
          %max3A_268 = arith.maximumf %add3A_265, %max3A_267 : vector<16xf32>
          %swap3A_269 = arith.index_cast %scan3A_173 : i32 to index
          %swap3A_270 = arith.constant 80 : index
          %swap3A_271 = tpu.vector_load %arg14[%swap3A_269, %swap3A_270] {strides = array<i32>} : memref<80x128xf32, #tpu.memory_space<vmem>>, vector<1x16xf32>,
          %swap3A_272 = vector.shape_cast %swap3A_271 : vector<1x16xf32> to vector<16xf32>
          %swap3A_273 = vector.shape_cast %max3A_268 : vector<16xf32> to vector<1x16xf32>
          tpu.vector_store %arg14[%swap3A_269, %swap3A_270], %swap3A_273 {strides = array<i32>} : memref<80x128xf32, #tpu.memory_space<vmem>>, vector<1x16xf32>,
          %get3A_274 = arith.index_cast %scan3A_173 : i32 to index
          %get3A_275 = arith.constant 96 : index
          %get3A_276 = tpu.vector_load %arg14[%get3A_274, %get3A_275] {strides = array<i32>} : memref<80x128xf32, #tpu.memory_space<vmem>>, vector<1x16xf32>,
          %get3A_277 = vector.shape_cast %get3A_276 : vector<1x16xf32> to vector<16xf32>
          %get3A_278 = arith.index_cast %scan3A_173 : i32 to index
          %get3A_279 = arith.constant 96 : index
          %get3A_280 = tpu.vector_load %arg12[%get3A_278, %get3A_279] {strides = array<i32>} : memref<80x128xf32, #tpu.memory_space<vmem>>, vector<1x16xf32>,
          %get3A_281 = vector.shape_cast %get3A_280 : vector<1x16xf32> to vector<16xf32>
          %add3A_282 = arith.addf %get3A_277, %get3A_281 : vector<16xf32>
          %max3A_283 = arith.constant 0.000000e+00 : f32
          %max3A_284 = vector.broadcast %max3A_283 : f32 to vector<16xf32>
          %max3A_285 = arith.maximumf %add3A_282, %max3A_284 : vector<16xf32>
          %swap3A_286 = arith.index_cast %scan3A_173 : i32 to index
          %swap3A_287 = arith.constant 96 : index
          %swap3A_288 = tpu.vector_load %arg14[%swap3A_286, %swap3A_287] {strides = array<i32>} : memref<80x128xf32, #tpu.memory_space<vmem>>, vector<1x16xf32>,
          %swap3A_289 = vector.shape_cast %swap3A_288 : vector<1x16xf32> to vector<16xf32>
          %swap3A_290 = vector.shape_cast %max3A_285 : vector<16xf32> to vector<1x16xf32>
          tpu.vector_store %arg14[%swap3A_286, %swap3A_287], %swap3A_290 {strides = array<i32>} : memref<80x128xf32, #tpu.memory_space<vmem>>, vector<1x16xf32>,
          %get3A_291 = arith.index_cast %scan3A_173 : i32 to index
          %get3A_292 = arith.constant 112 : index
          %get3A_293 = tpu.vector_load %arg14[%get3A_291, %get3A_292] {strides = array<i32>} : memref<80x128xf32, #tpu.memory_space<vmem>>, vector<1x16xf32>,
          %get3A_294 = vector.shape_cast %get3A_293 : vector<1x16xf32> to vector<16xf32>
          %get3A_295 = arith.index_cast %scan3A_173 : i32 to index
          %get3A_296 = arith.constant 112 : index
          %get3A_297 = tpu.vector_load %arg12[%get3A_295, %get3A_296] {strides = array<i32>} : memref<80x128xf32, #tpu.memory_space<vmem>>, vector<1x16xf32>,
          %get3A_298 = vector.shape_cast %get3A_297 : vector<1x16xf32> to vector<16xf32>
          %add3A_299 = arith.addf %get3A_294, %get3A_298 : vector<16xf32>
          %max3A_300 = arith.constant 0.000000e+00 : f32
          %max3A_301 = vector.broadcast %max3A_300 : f32 to vector<16xf32>
          %max3A_302 = arith.maximumf %add3A_299, %max3A_301 : vector<16xf32>
          %swap3A_303 = arith.index_cast %scan3A_173 : i32 to index
          %swap3A_304 = arith.constant 112 : index
          %swap3A_305 = tpu.vector_load %arg14[%swap3A_303, %swap3A_304] {strides = array<i32>} : memref<80x128xf32, #tpu.memory_space<vmem>>, vector<1x16xf32>,
          %swap3A_306 = vector.shape_cast %swap3A_305 : vector<1x16xf32> to vector<16xf32>
          %swap3A_307 = vector.shape_cast %max3A_302 : vector<16xf32> to vector<1x16xf32>
          tpu.vector_store %arg14[%swap3A_303, %swap3A_304], %swap3A_307 {strides = array<i32>} : memref<80x128xf32, #tpu.memory_space<vmem>>, vector<1x16xf32>,
          %scan3A_308 = arith.constant 0 : i32
          scf.yield %scan3A_308 : i32
        }
        %scan3A_169 = arith.constant 80 : i32
        %dma_start3A_170 = arith.constant 0 : i32
        %dma_start3A_171 = arith.constant 0 : i32
        %dma_start3A_172 = tpu.memref_slice %arg15[%dma_start3A_170, %dma_start3A_171] : memref<10112x128xf32, #tpu.memory_space<vmem_shared>> -> memref<10112x128xf32, #tpu.memory_space<vmem_shared>>
        tpu.enqueue_indirect_dma source(%arg14 : memref<80x128xf32, #tpu.memory_space<vmem>>) target(%dma_start3A_172 : memref<10112x128xf32, #tpu.memory_space<vmem_shared>>) offsets(%arg10 : memref<80xi32, #tpu.memory_space<vmem>>) semaphore(%arg26 : memref<!tpu.dma_semaphore, #tpu.memory_space<semaphore_mem>>) {add = true}
      } else {
      }
      %add3A_135 = arith.constant 2 : i32
      %add3A_136 = arith.addi %add3A_122, %add3A_135 : i32
      %lt3A_137 = arith.constant 125 : i32
      %lt3A_138 = arith.cmpi slt, %add3A_136, %lt3A_137 : i32
      %convert_element_type3A_139 = arith.extui %lt3A_138 : i1 to i32
      %cond3A_140 = arith.constant 0 : i32
      %cond3A_141 = arith.cmpi ne, %convert_element_type3A_139, %cond3A_140 : i32
      scf.if %cond3A_141 {
        %add3A_143 = arith.constant 2 : i32
        %add3A_144 = arith.addi %add3A_122, %add3A_143 : i32
        %dma_start3A_145 = arith.constant 0 : i32
        %dma_start3A_146 = arith.constant 0 : i32
        %dma_start3A_147 = tpu.memref_slice %arg3[%add3A, %add3A_144, %dma_start3A_145, %dma_start3A_146] : memref<32x125x3x80xi32, #tpu.memory_space<hbm>> -> memref<1x1x3x80xi32, #tpu.memory_space<hbm>>
        %dma_start3A_148 = tpu.memref_squeeze %dma_start3A_147 : memref<1x1x3x80xi32, #tpu.memory_space<hbm>> -> memref<3x80xi32, #tpu.memory_space<hbm>>
        %dma_start3A_149 = arith.constant 0 : i32
        %dma_start3A_150 = arith.constant 0 : i32
        %dma_start3A_151 = tpu.memref_slice %arg3[%add3A, %add3A_144, %dma_start3A_149, %dma_start3A_150] : memref<32x125x3x80xi32, #tpu.memory_space<hbm>> -> memref<1x1x3x80xi32, #tpu.memory_space<hbm>>
        %dma_start3A_152 = tpu.memref_squeeze %dma_start3A_151 : memref<1x1x3x80xi32, #tpu.memory_space<hbm>> -> memref<3x80xi32, #tpu.memory_space<hbm>>
        tpu.enqueue_dma source(%dma_start3A_152 : memref<3x80xi32, #tpu.memory_space<hbm>>) target(%arg8 : memref<3x80xi32, #tpu.memory_space<vmem>>) target_semaphore(%arg18 : memref<!tpu.dma_semaphore, #tpu.memory_space<semaphore_mem>>)
      } else {
      }
      %scan3A_142 = arith.constant 0 : i32
      scf.yield %scan3A_142 : i32
    }
    %scan3A_87 = arith.constant 63 : i32
    %dma_wait3A_88 = arith.constant 0 : i32
    %dma_wait3A_89 = arith.constant 0 : i32
    %dma_wait3A_90 = tpu.memref_slice %arg15[%dma_wait3A_88, %dma_wait3A_89] : memref<10112x128xf32, #tpu.memory_space<vmem_shared>> -> memref<10112x128xf32, #tpu.memory_space<vmem_shared>>
    tpu.wait_indirect_dma semaphore(%arg25 : memref<!tpu.dma_semaphore, #tpu.memory_space<semaphore_mem>>) src(%arg13 : memref<80x128xf32, #tpu.memory_space<vmem>>) dst(%dma_wait3A_90 : memref<10112x128xf32, #tpu.memory_space<vmem_shared>>)
    %dma_wait3A_91 = arith.constant 0 : i32
    %dma_wait3A_92 = arith.constant 0 : i32
    %dma_wait3A_93 = tpu.memref_slice %arg15[%dma_wait3A_91, %dma_wait3A_92] : memref<10112x128xf32, #tpu.memory_space<vmem_shared>> -> memref<10112x128xf32, #tpu.memory_space<vmem_shared>>
    tpu.wait_indirect_dma semaphore(%arg26 : memref<!tpu.dma_semaphore, #tpu.memory_space<semaphore_mem>>) src(%arg14 : memref<80x128xf32, #tpu.memory_space<vmem>>) dst(%dma_wait3A_93 : memref<10112x128xf32, #tpu.memory_space<vmem_shared>>)
    %barrier3A_94 = arith.constant 0 : index
    tpu.barrier barrier_id(%barrier3A_94)
    "tpu.region"() ({
      %run_scoped3A = tpu.sem_alloc : memref<!tpu.dma_semaphore, #tpu.memory_space<semaphore_mem>>
      %dma_start3A_95 = arith.constant 0 : i32
      %dma_start3A_96 = tpu.memref_slice %arg6[%arg0, %mul3A_11, %dma_start3A_95] : memref<2x10112x128xf32, #tpu.memory_space<hbm>> -> memref<1x632x128xf32, #tpu.memory_space<hbm>>
      %dma_start3A_97 = tpu.memref_squeeze %dma_start3A_96 : memref<1x632x128xf32, #tpu.memory_space<hbm>> -> memref<632x128xf32, #tpu.memory_space<hbm>>
      %dma_start3A_98 = arith.constant 0 : i32
      %dma_start3A_99 = tpu.memref_slice %arg15[%mul3A_11, %dma_start3A_98] : memref<10112x128xf32, #tpu.memory_space<vmem_shared>> -> memref<632x128xf32, #tpu.memory_space<vmem_shared>>
      tpu.enqueue_dma source(%dma_start3A_99 : memref<632x128xf32, #tpu.memory_space<vmem_shared>>) target(%dma_start3A_97 : memref<632x128xf32, #tpu.memory_space<hbm>>) target_semaphore(%run_scoped3A : memref<!tpu.dma_semaphore, #tpu.memory_space<semaphore_mem>>)
      %dma_wait3A_100 = arith.constant 0 : i32
      %dma_wait3A_101 = tpu.memref_slice %arg6[%arg0, %mul3A_11, %dma_wait3A_100] : memref<2x10112x128xf32, #tpu.memory_space<hbm>> -> memref<1x632x128xf32, #tpu.memory_space<hbm>>
      %dma_wait3A_102 = tpu.memref_squeeze %dma_wait3A_101 : memref<1x632x128xf32, #tpu.memory_space<hbm>> -> memref<632x128xf32, #tpu.memory_space<hbm>>
      %dma_wait3A_103 = arith.constant 0 : i32
      %dma_wait3A_104 = tpu.memref_slice %arg15[%mul3A_11, %dma_wait3A_103] : memref<10112x128xf32, #tpu.memory_space<vmem_shared>> -> memref<632x128xf32, #tpu.memory_space<vmem_shared>>
      tpu.wait_dma2 semaphore(%run_scoped3A : memref<!tpu.dma_semaphore, #tpu.memory_space<semaphore_mem>>) src(%dma_wait3A_104 : memref<632x128xf32, #tpu.memory_space<vmem_shared>>) dst(%dma_wait3A_102 : memref<632x128xf32, #tpu.memory_space<hbm>>)
      tpu.yield
    }) : () -> ()
    return
  }
}

#map = affine_map<(d0, d1) -> (0, 0)>
#map1 = affine_map<(d0, d1) -> (0, 0, 0, 0)>
#map2 = affine_map<(d0, d1) -> (0, 0, 0)>
module attributes {stable_mosaic.version = 14 : i64} {
  func.func @k(%arg0: i32, %arg1: i32, %arg2: memref<10000x128xf32, #tpu.memory_space<hbm>>, %arg3: memref<32x125x3x80xi32, #tpu.memory_space<hbm>>, %arg4: memref<32x125x80xi32, #tpu.memory_space<hbm>>, %arg5: memref<17x128xf32, #tpu.memory_space<hbm>>, %arg6: memref<2x10112x128xf32, #tpu.memory_space<hbm>>, %arg7: memref<3x80xi32, #tpu.memory_space<vmem>>, %arg8: memref<3x80xi32, #tpu.memory_space<vmem>>, %arg9: memref<80xi32, #tpu.memory_space<vmem>>, %arg10: memref<80xi32, #tpu.memory_space<vmem>>, %arg11: memref<80x128xf32, #tpu.memory_space<vmem>>, %arg12: memref<80x128xf32, #tpu.memory_space<vmem>>, %arg13: memref<80x128xf32, #tpu.memory_space<vmem>>, %arg14: memref<80x128xf32, #tpu.memory_space<vmem>>, %arg15: memref<10112x128xf32, #tpu.memory_space<vmem_shared>>, %arg16: memref<17x128xf32, #tpu.memory_space<vmem_shared>>, %arg17: memref<!tpu.dma_semaphore, #tpu.memory_space<semaphore_mem>>, %arg18: memref<!tpu.dma_semaphore, #tpu.memory_space<semaphore_mem>>, %arg19: memref<!tpu.dma_semaphore, #tpu.memory_space<semaphore_mem>>, %arg20: memref<!tpu.dma_semaphore, #tpu.memory_space<semaphore_mem>>, %arg21: memref<!tpu.dma_semaphore, #tpu.memory_space<semaphore_mem>>, %arg22: memref<!tpu.dma_semaphore, #tpu.memory_space<semaphore_mem>>, %arg23: memref<!tpu.dma_semaphore, #tpu.memory_space<semaphore_mem>>, %arg24: memref<!tpu.dma_semaphore, #tpu.memory_space<semaphore_mem>>, %arg25: memref<!tpu.dma_semaphore, #tpu.memory_space<semaphore_mem>>, %arg26: memref<!tpu.dma_semaphore, #tpu.memory_space<semaphore_mem>>) attributes {dimension_semantics = [#tpu.dimension_semantics<core_parallel>, #tpu.dimension_semantics<subcore_parallel>], iteration_bounds = array<i64: 2, 16>, scalar_prefetch = 0 : i64, scratch_operands = 20 : i64, tpu.core_type = #tpu.core_type<sc_vector_subcore>, window_params = [{transform_indices = #map}, {transform_indices = #map1}, {transform_indices = #map2}, {transform_indices = #map}, {transform_indices = #map2}]} {
    %mul3A = arith.constant 2 : i32
    %mul3A_0 = arith.muli %arg1, %mul3A : i32
    %add3A = arith.addi %mul3A_0, %arg0 : i32
    %eq3A = arith.constant 0 : i32
    %eq3A_1 = arith.cmpi eq, %arg1, %eq3A : i32
    %convert_element_type3A = arith.extui %eq3A_1 : i1 to i32
    %cond3A = arith.constant 0 : i32
    %cond3A_2 = arith.cmpi ne, %convert_element_type3A, %cond3A : i32
    scf.if %cond3A_2 {
      "tpu.region"() ({
        %run_scoped3A = tpu.sem_alloc : memref<!tpu.dma_semaphore, #tpu.memory_space<semaphore_mem>>
        tpu.enqueue_dma source(%arg5 : memref<17x128xf32, #tpu.memory_space<hbm>>) target(%arg16 : memref<17x128xf32, #tpu.memory_space<vmem_shared>>) target_semaphore(%run_scoped3A : memref<!tpu.dma_semaphore, #tpu.memory_space<semaphore_mem>>)
        tpu.wait_dma2 semaphore(%run_scoped3A : memref<!tpu.dma_semaphore, #tpu.memory_space<semaphore_mem>>) src(%arg5 : memref<17x128xf32, #tpu.memory_space<hbm>>) dst(%arg16 : memref<17x128xf32, #tpu.memory_space<vmem_shared>>)
        tpu.yield
      }) : () -> ()
    } else {
    }
    %broadcast_in_dim3A = arith.constant 0.000000e+00 : f32
    %broadcast_in_dim3A_3 = vector.broadcast %broadcast_in_dim3A : f32 to vector<16xf32>
    %scan3A = arith.constant 0 : i32
    %scan3A_4 = arith.constant 0 : i32
    %scan3A_5 = arith.constant 80 : i32
    %scan3A_6 = arith.addi %scan3A_4, %scan3A_5 : i32
    %scan3A_7 = arith.constant 1 : i32
    %scan3A_8 = scf.for %scan3A_95 = %scan3A_4 to %scan3A_6 step %scan3A_7 iter_args(%scan3A_96 = %scan3A) -> (i32)  : i32 {
      %swap3A = arith.index_cast %scan3A_95 : i32 to index
      %swap3A_97 = arith.constant 0 : index
      %swap3A_98 = tpu.vector_load %arg13[%swap3A, %swap3A_97] {strides = array<i32>} : memref<80x128xf32, #tpu.memory_space<vmem>>, vector<1x16xf32>,
      %swap3A_99 = vector.shape_cast %swap3A_98 : vector<1x16xf32> to vector<16xf32>
      %swap3A_100 = vector.shape_cast %broadcast_in_dim3A_3 : vector<16xf32> to vector<1x16xf32>
      tpu.vector_store %arg13[%swap3A, %swap3A_97], %swap3A_100 {strides = array<i32>} : memref<80x128xf32, #tpu.memory_space<vmem>>, vector<1x16xf32>,
      %swap3A_101 = arith.index_cast %scan3A_95 : i32 to index
      %swap3A_102 = arith.constant 16 : index
      %swap3A_103 = tpu.vector_load %arg13[%swap3A_101, %swap3A_102] {strides = array<i32>} : memref<80x128xf32, #tpu.memory_space<vmem>>, vector<1x16xf32>,
      %swap3A_104 = vector.shape_cast %swap3A_103 : vector<1x16xf32> to vector<16xf32>
      %swap3A_105 = vector.shape_cast %broadcast_in_dim3A_3 : vector<16xf32> to vector<1x16xf32>
      tpu.vector_store %arg13[%swap3A_101, %swap3A_102], %swap3A_105 {strides = array<i32>} : memref<80x128xf32, #tpu.memory_space<vmem>>, vector<1x16xf32>,
      %swap3A_106 = arith.index_cast %scan3A_95 : i32 to index
      %swap3A_107 = arith.constant 32 : index
      %swap3A_108 = tpu.vector_load %arg13[%swap3A_106, %swap3A_107] {strides = array<i32>} : memref<80x128xf32, #tpu.memory_space<vmem>>, vector<1x16xf32>,
      %swap3A_109 = vector.shape_cast %swap3A_108 : vector<1x16xf32> to vector<16xf32>
      %swap3A_110 = vector.shape_cast %broadcast_in_dim3A_3 : vector<16xf32> to vector<1x16xf32>
      tpu.vector_store %arg13[%swap3A_106, %swap3A_107], %swap3A_110 {strides = array<i32>} : memref<80x128xf32, #tpu.memory_space<vmem>>, vector<1x16xf32>,
      %swap3A_111 = arith.index_cast %scan3A_95 : i32 to index
      %swap3A_112 = arith.constant 48 : index
      %swap3A_113 = tpu.vector_load %arg13[%swap3A_111, %swap3A_112] {strides = array<i32>} : memref<80x128xf32, #tpu.memory_space<vmem>>, vector<1x16xf32>,
      %swap3A_114 = vector.shape_cast %swap3A_113 : vector<1x16xf32> to vector<16xf32>
      %swap3A_115 = vector.shape_cast %broadcast_in_dim3A_3 : vector<16xf32> to vector<1x16xf32>
      tpu.vector_store %arg13[%swap3A_111, %swap3A_112], %swap3A_115 {strides = array<i32>} : memref<80x128xf32, #tpu.memory_space<vmem>>, vector<1x16xf32>,
      %swap3A_116 = arith.index_cast %scan3A_95 : i32 to index
      %swap3A_117 = arith.constant 64 : index
      %swap3A_118 = tpu.vector_load %arg13[%swap3A_116, %swap3A_117] {strides = array<i32>} : memref<80x128xf32, #tpu.memory_space<vmem>>, vector<1x16xf32>,
      %swap3A_119 = vector.shape_cast %swap3A_118 : vector<1x16xf32> to vector<16xf32>
      %swap3A_120 = vector.shape_cast %broadcast_in_dim3A_3 : vector<16xf32> to vector<1x16xf32>
      tpu.vector_store %arg13[%swap3A_116, %swap3A_117], %swap3A_120 {strides = array<i32>} : memref<80x128xf32, #tpu.memory_space<vmem>>, vector<1x16xf32>,
      %swap3A_121 = arith.index_cast %scan3A_95 : i32 to index
      %swap3A_122 = arith.constant 80 : index
      %swap3A_123 = tpu.vector_load %arg13[%swap3A_121, %swap3A_122] {strides = array<i32>} : memref<80x128xf32, #tpu.memory_space<vmem>>, vector<1x16xf32>,
      %swap3A_124 = vector.shape_cast %swap3A_123 : vector<1x16xf32> to vector<16xf32>
      %swap3A_125 = vector.shape_cast %broadcast_in_dim3A_3 : vector<16xf32> to vector<1x16xf32>
      tpu.vector_store %arg13[%swap3A_121, %swap3A_122], %swap3A_125 {strides = array<i32>} : memref<80x128xf32, #tpu.memory_space<vmem>>, vector<1x16xf32>,
      %swap3A_126 = arith.index_cast %scan3A_95 : i32 to index
      %swap3A_127 = arith.constant 96 : index
      %swap3A_128 = tpu.vector_load %arg13[%swap3A_126, %swap3A_127] {strides = array<i32>} : memref<80x128xf32, #tpu.memory_space<vmem>>, vector<1x16xf32>,
      %swap3A_129 = vector.shape_cast %swap3A_128 : vector<1x16xf32> to vector<16xf32>
      %swap3A_130 = vector.shape_cast %broadcast_in_dim3A_3 : vector<16xf32> to vector<1x16xf32>
      tpu.vector_store %arg13[%swap3A_126, %swap3A_127], %swap3A_130 {strides = array<i32>} : memref<80x128xf32, #tpu.memory_space<vmem>>, vector<1x16xf32>,
      %swap3A_131 = arith.index_cast %scan3A_95 : i32 to index
      %swap3A_132 = arith.constant 112 : index
      %swap3A_133 = tpu.vector_load %arg13[%swap3A_131, %swap3A_132] {strides = array<i32>} : memref<80x128xf32, #tpu.memory_space<vmem>>, vector<1x16xf32>,
      %swap3A_134 = vector.shape_cast %swap3A_133 : vector<1x16xf32> to vector<16xf32>
      %swap3A_135 = vector.shape_cast %broadcast_in_dim3A_3 : vector<16xf32> to vector<1x16xf32>
      tpu.vector_store %arg13[%swap3A_131, %swap3A_132], %swap3A_135 {strides = array<i32>} : memref<80x128xf32, #tpu.memory_space<vmem>>, vector<1x16xf32>,
      %scan3A_136 = arith.constant 0 : i32
      scf.yield %scan3A_136 : i32
    }
    %scan3A_9 = arith.constant 80 : i32
    %mul3A_10 = arith.constant 632 : i32
    %mul3A_11 = arith.muli %arg1, %mul3A_10 : i32
    %add3A_12 = arith.constant 0 : i32
    %add3A_13 = arith.addi %mul3A_11, %add3A_12 : i32
    "tpu.region"() ({
      %run_scoped3A = tpu.sem_alloc : memref<!tpu.dma_semaphore, #tpu.memory_space<semaphore_mem>>
      %dma_start3A_95 = arith.constant 0 : i32
      %dma_start3A_96 = tpu.memref_slice %arg15[%add3A_13, %dma_start3A_95] : memref<10112x128xf32, #tpu.memory_space<vmem_shared>> -> memref<80x128xf32, #tpu.memory_space<vmem_shared>>
      %dma_start3A_97 = arith.constant 0 : i32
      %dma_start3A_98 = tpu.memref_slice %arg15[%add3A_13, %dma_start3A_97] : memref<10112x128xf32, #tpu.memory_space<vmem_shared>> -> memref<80x128xf32, #tpu.memory_space<vmem_shared>>
      tpu.enqueue_dma source(%arg13 : memref<80x128xf32, #tpu.memory_space<vmem>>) target(%dma_start3A_98 : memref<80x128xf32, #tpu.memory_space<vmem_shared>>) target_semaphore(%run_scoped3A : memref<!tpu.dma_semaphore, #tpu.memory_space<semaphore_mem>>)
      %dma_wait3A_99 = arith.constant 0 : i32
      %dma_wait3A_100 = tpu.memref_slice %arg15[%add3A_13, %dma_wait3A_99] : memref<10112x128xf32, #tpu.memory_space<vmem_shared>> -> memref<80x128xf32, #tpu.memory_space<vmem_shared>>
      %dma_wait3A_101 = arith.constant 0 : i32
      %dma_wait3A_102 = tpu.memref_slice %arg15[%add3A_13, %dma_wait3A_101] : memref<10112x128xf32, #tpu.memory_space<vmem_shared>> -> memref<80x128xf32, #tpu.memory_space<vmem_shared>>
      tpu.wait_dma2 semaphore(%run_scoped3A : memref<!tpu.dma_semaphore, #tpu.memory_space<semaphore_mem>>) src(%arg13 : memref<80x128xf32, #tpu.memory_space<vmem>>) dst(%dma_wait3A_102 : memref<80x128xf32, #tpu.memory_space<vmem_shared>>)
      tpu.yield
    }) : () -> ()
    %add3A_14 = arith.constant 80 : i32
    %add3A_15 = arith.addi %mul3A_11, %add3A_14 : i32
    "tpu.region"() ({
      %run_scoped3A = tpu.sem_alloc : memref<!tpu.dma_semaphore, #tpu.memory_space<semaphore_mem>>
      %dma_start3A_95 = arith.constant 0 : i32
      %dma_start3A_96 = tpu.memref_slice %arg15[%add3A_15, %dma_start3A_95] : memref<10112x128xf32, #tpu.memory_space<vmem_shared>> -> memref<80x128xf32, #tpu.memory_space<vmem_shared>>
      %dma_start3A_97 = arith.constant 0 : i32
      %dma_start3A_98 = tpu.memref_slice %arg15[%add3A_15, %dma_start3A_97] : memref<10112x128xf32, #tpu.memory_space<vmem_shared>> -> memref<80x128xf32, #tpu.memory_space<vmem_shared>>
      tpu.enqueue_dma source(%arg13 : memref<80x128xf32, #tpu.memory_space<vmem>>) target(%dma_start3A_98 : memref<80x128xf32, #tpu.memory_space<vmem_shared>>) target_semaphore(%run_scoped3A : memref<!tpu.dma_semaphore, #tpu.memory_space<semaphore_mem>>)
      %dma_wait3A_99 = arith.constant 0 : i32
      %dma_wait3A_100 = tpu.memref_slice %arg15[%add3A_15, %dma_wait3A_99] : memref<10112x128xf32, #tpu.memory_space<vmem_shared>> -> memref<80x128xf32, #tpu.memory_space<vmem_shared>>
      %dma_wait3A_101 = arith.constant 0 : i32
      %dma_wait3A_102 = tpu.memref_slice %arg15[%add3A_15, %dma_wait3A_101] : memref<10112x128xf32, #tpu.memory_space<vmem_shared>> -> memref<80x128xf32, #tpu.memory_space<vmem_shared>>
      tpu.wait_dma2 semaphore(%run_scoped3A : memref<!tpu.dma_semaphore, #tpu.memory_space<semaphore_mem>>) src(%arg13 : memref<80x128xf32, #tpu.memory_space<vmem>>) dst(%dma_wait3A_102 : memref<80x128xf32, #tpu.memory_space<vmem_shared>>)
      tpu.yield
    }) : () -> ()
    %add3A_16 = arith.constant 160 : i32
    %add3A_17 = arith.addi %mul3A_11, %add3A_16 : i32
    "tpu.region"() ({
      %run_scoped3A = tpu.sem_alloc : memref<!tpu.dma_semaphore, #tpu.memory_space<semaphore_mem>>
      %dma_start3A_95 = arith.constant 0 : i32
      %dma_start3A_96 = tpu.memref_slice %arg15[%add3A_17, %dma_start3A_95] : memref<10112x128xf32, #tpu.memory_space<vmem_shared>> -> memref<80x128xf32, #tpu.memory_space<vmem_shared>>
      %dma_start3A_97 = arith.constant 0 : i32
      %dma_start3A_98 = tpu.memref_slice %arg15[%add3A_17, %dma_start3A_97] : memref<10112x128xf32, #tpu.memory_space<vmem_shared>> -> memref<80x128xf32, #tpu.memory_space<vmem_shared>>
      tpu.enqueue_dma source(%arg13 : memref<80x128xf32, #tpu.memory_space<vmem>>) target(%dma_start3A_98 : memref<80x128xf32, #tpu.memory_space<vmem_shared>>) target_semaphore(%run_scoped3A : memref<!tpu.dma_semaphore, #tpu.memory_space<semaphore_mem>>)
      %dma_wait3A_99 = arith.constant 0 : i32
      %dma_wait3A_100 = tpu.memref_slice %arg15[%add3A_17, %dma_wait3A_99] : memref<10112x128xf32, #tpu.memory_space<vmem_shared>> -> memref<80x128xf32, #tpu.memory_space<vmem_shared>>
      %dma_wait3A_101 = arith.constant 0 : i32
      %dma_wait3A_102 = tpu.memref_slice %arg15[%add3A_17, %dma_wait3A_101] : memref<10112x128xf32, #tpu.memory_space<vmem_shared>> -> memref<80x128xf32, #tpu.memory_space<vmem_shared>>
      tpu.wait_dma2 semaphore(%run_scoped3A : memref<!tpu.dma_semaphore, #tpu.memory_space<semaphore_mem>>) src(%arg13 : memref<80x128xf32, #tpu.memory_space<vmem>>) dst(%dma_wait3A_102 : memref<80x128xf32, #tpu.memory_space<vmem_shared>>)
      tpu.yield
    }) : () -> ()
    %add3A_18 = arith.constant 240 : i32
    %add3A_19 = arith.addi %mul3A_11, %add3A_18 : i32
    "tpu.region"() ({
      %run_scoped3A = tpu.sem_alloc : memref<!tpu.dma_semaphore, #tpu.memory_space<semaphore_mem>>
      %dma_start3A_95 = arith.constant 0 : i32
      %dma_start3A_96 = tpu.memref_slice %arg15[%add3A_19, %dma_start3A_95] : memref<10112x128xf32, #tpu.memory_space<vmem_shared>> -> memref<80x128xf32, #tpu.memory_space<vmem_shared>>
      %dma_start3A_97 = arith.constant 0 : i32
      %dma_start3A_98 = tpu.memref_slice %arg15[%add3A_19, %dma_start3A_97] : memref<10112x128xf32, #tpu.memory_space<vmem_shared>> -> memref<80x128xf32, #tpu.memory_space<vmem_shared>>
      tpu.enqueue_dma source(%arg13 : memref<80x128xf32, #tpu.memory_space<vmem>>) target(%dma_start3A_98 : memref<80x128xf32, #tpu.memory_space<vmem_shared>>) target_semaphore(%run_scoped3A : memref<!tpu.dma_semaphore, #tpu.memory_space<semaphore_mem>>)
      %dma_wait3A_99 = arith.constant 0 : i32
      %dma_wait3A_100 = tpu.memref_slice %arg15[%add3A_19, %dma_wait3A_99] : memref<10112x128xf32, #tpu.memory_space<vmem_shared>> -> memref<80x128xf32, #tpu.memory_space<vmem_shared>>
      %dma_wait3A_101 = arith.constant 0 : i32
      %dma_wait3A_102 = tpu.memref_slice %arg15[%add3A_19, %dma_wait3A_101] : memref<10112x128xf32, #tpu.memory_space<vmem_shared>> -> memref<80x128xf32, #tpu.memory_space<vmem_shared>>
      tpu.wait_dma2 semaphore(%run_scoped3A : memref<!tpu.dma_semaphore, #tpu.memory_space<semaphore_mem>>) src(%arg13 : memref<80x128xf32, #tpu.memory_space<vmem>>) dst(%dma_wait3A_102 : memref<80x128xf32, #tpu.memory_space<vmem_shared>>)
      tpu.yield
    }) : () -> ()
    %add3A_20 = arith.constant 320 : i32
    %add3A_21 = arith.addi %mul3A_11, %add3A_20 : i32
    "tpu.region"() ({
      %run_scoped3A = tpu.sem_alloc : memref<!tpu.dma_semaphore, #tpu.memory_space<semaphore_mem>>
      %dma_start3A_95 = arith.constant 0 : i32
      %dma_start3A_96 = tpu.memref_slice %arg15[%add3A_21, %dma_start3A_95] : memref<10112x128xf32, #tpu.memory_space<vmem_shared>> -> memref<80x128xf32, #tpu.memory_space<vmem_shared>>
      %dma_start3A_97 = arith.constant 0 : i32
      %dma_start3A_98 = tpu.memref_slice %arg15[%add3A_21, %dma_start3A_97] : memref<10112x128xf32, #tpu.memory_space<vmem_shared>> -> memref<80x128xf32, #tpu.memory_space<vmem_shared>>
      tpu.enqueue_dma source(%arg13 : memref<80x128xf32, #tpu.memory_space<vmem>>) target(%dma_start3A_98 : memref<80x128xf32, #tpu.memory_space<vmem_shared>>) target_semaphore(%run_scoped3A : memref<!tpu.dma_semaphore, #tpu.memory_space<semaphore_mem>>)
      %dma_wait3A_99 = arith.constant 0 : i32
      %dma_wait3A_100 = tpu.memref_slice %arg15[%add3A_21, %dma_wait3A_99] : memref<10112x128xf32, #tpu.memory_space<vmem_shared>> -> memref<80x128xf32, #tpu.memory_space<vmem_shared>>
      %dma_wait3A_101 = arith.constant 0 : i32
      %dma_wait3A_102 = tpu.memref_slice %arg15[%add3A_21, %dma_wait3A_101] : memref<10112x128xf32, #tpu.memory_space<vmem_shared>> -> memref<80x128xf32, #tpu.memory_space<vmem_shared>>
      tpu.wait_dma2 semaphore(%run_scoped3A : memref<!tpu.dma_semaphore, #tpu.memory_space<semaphore_mem>>) src(%arg13 : memref<80x128xf32, #tpu.memory_space<vmem>>) dst(%dma_wait3A_102 : memref<80x128xf32, #tpu.memory_space<vmem_shared>>)
      tpu.yield
    }) : () -> ()
    %add3A_22 = arith.constant 400 : i32
    %add3A_23 = arith.addi %mul3A_11, %add3A_22 : i32
    "tpu.region"() ({
      %run_scoped3A = tpu.sem_alloc : memref<!tpu.dma_semaphore, #tpu.memory_space<semaphore_mem>>
      %dma_start3A_95 = arith.constant 0 : i32
      %dma_start3A_96 = tpu.memref_slice %arg15[%add3A_23, %dma_start3A_95] : memref<10112x128xf32, #tpu.memory_space<vmem_shared>> -> memref<80x128xf32, #tpu.memory_space<vmem_shared>>
      %dma_start3A_97 = arith.constant 0 : i32
      %dma_start3A_98 = tpu.memref_slice %arg15[%add3A_23, %dma_start3A_97] : memref<10112x128xf32, #tpu.memory_space<vmem_shared>> -> memref<80x128xf32, #tpu.memory_space<vmem_shared>>
      tpu.enqueue_dma source(%arg13 : memref<80x128xf32, #tpu.memory_space<vmem>>) target(%dma_start3A_98 : memref<80x128xf32, #tpu.memory_space<vmem_shared>>) target_semaphore(%run_scoped3A : memref<!tpu.dma_semaphore, #tpu.memory_space<semaphore_mem>>)
      %dma_wait3A_99 = arith.constant 0 : i32
      %dma_wait3A_100 = tpu.memref_slice %arg15[%add3A_23, %dma_wait3A_99] : memref<10112x128xf32, #tpu.memory_space<vmem_shared>> -> memref<80x128xf32, #tpu.memory_space<vmem_shared>>
      %dma_wait3A_101 = arith.constant 0 : i32
      %dma_wait3A_102 = tpu.memref_slice %arg15[%add3A_23, %dma_wait3A_101] : memref<10112x128xf32, #tpu.memory_space<vmem_shared>> -> memref<80x128xf32, #tpu.memory_space<vmem_shared>>
      tpu.wait_dma2 semaphore(%run_scoped3A : memref<!tpu.dma_semaphore, #tpu.memory_space<semaphore_mem>>) src(%arg13 : memref<80x128xf32, #tpu.memory_space<vmem>>) dst(%dma_wait3A_102 : memref<80x128xf32, #tpu.memory_space<vmem_shared>>)
      tpu.yield
    }) : () -> ()
    %add3A_24 = arith.constant 480 : i32
    %add3A_25 = arith.addi %mul3A_11, %add3A_24 : i32
    "tpu.region"() ({
      %run_scoped3A = tpu.sem_alloc : memref<!tpu.dma_semaphore, #tpu.memory_space<semaphore_mem>>
      %dma_start3A_95 = arith.constant 0 : i32
      %dma_start3A_96 = tpu.memref_slice %arg15[%add3A_25, %dma_start3A_95] : memref<10112x128xf32, #tpu.memory_space<vmem_shared>> -> memref<80x128xf32, #tpu.memory_space<vmem_shared>>
      %dma_start3A_97 = arith.constant 0 : i32
      %dma_start3A_98 = tpu.memref_slice %arg15[%add3A_25, %dma_start3A_97] : memref<10112x128xf32, #tpu.memory_space<vmem_shared>> -> memref<80x128xf32, #tpu.memory_space<vmem_shared>>
      tpu.enqueue_dma source(%arg13 : memref<80x128xf32, #tpu.memory_space<vmem>>) target(%dma_start3A_98 : memref<80x128xf32, #tpu.memory_space<vmem_shared>>) target_semaphore(%run_scoped3A : memref<!tpu.dma_semaphore, #tpu.memory_space<semaphore_mem>>)
      %dma_wait3A_99 = arith.constant 0 : i32
      %dma_wait3A_100 = tpu.memref_slice %arg15[%add3A_25, %dma_wait3A_99] : memref<10112x128xf32, #tpu.memory_space<vmem_shared>> -> memref<80x128xf32, #tpu.memory_space<vmem_shared>>
      %dma_wait3A_101 = arith.constant 0 : i32
      %dma_wait3A_102 = tpu.memref_slice %arg15[%add3A_25, %dma_wait3A_101] : memref<10112x128xf32, #tpu.memory_space<vmem_shared>> -> memref<80x128xf32, #tpu.memory_space<vmem_shared>>
      tpu.wait_dma2 semaphore(%run_scoped3A : memref<!tpu.dma_semaphore, #tpu.memory_space<semaphore_mem>>) src(%arg13 : memref<80x128xf32, #tpu.memory_space<vmem>>) dst(%dma_wait3A_102 : memref<80x128xf32, #tpu.memory_space<vmem_shared>>)
      tpu.yield
    }) : () -> ()
    %add3A_26 = arith.constant 560 : i32
    %add3A_27 = arith.addi %mul3A_11, %add3A_26 : i32
    "tpu.region"() ({
      %run_scoped3A = tpu.sem_alloc : memref<!tpu.dma_semaphore, #tpu.memory_space<semaphore_mem>>
      %dma_start3A_95 = arith.constant 0 : i32
      %dma_start3A_96 = arith.constant 0 : i32
      %dma_start3A_97 = tpu.memref_slice %arg13[%dma_start3A_95, %dma_start3A_96] : memref<80x128xf32, #tpu.memory_space<vmem>> -> memref<72x128xf32, #tpu.memory_space<vmem>>
      %dma_start3A_98 = arith.constant 0 : i32
      %dma_start3A_99 = tpu.memref_slice %arg15[%add3A_27, %dma_start3A_98] : memref<10112x128xf32, #tpu.memory_space<vmem_shared>> -> memref<72x128xf32, #tpu.memory_space<vmem_shared>>
      %dma_start3A_100 = arith.constant 0 : i32
      %dma_start3A_101 = tpu.memref_slice %arg15[%add3A_27, %dma_start3A_100] : memref<10112x128xf32, #tpu.memory_space<vmem_shared>> -> memref<72x128xf32, #tpu.memory_space<vmem_shared>>
      %dma_start3A_102 = arith.constant 0 : i32
      %dma_start3A_103 = arith.constant 0 : i32
      %dma_start3A_104 = tpu.memref_slice %arg13[%dma_start3A_102, %dma_start3A_103] : memref<80x128xf32, #tpu.memory_space<vmem>> -> memref<72x128xf32, #tpu.memory_space<vmem>>
      tpu.enqueue_dma source(%dma_start3A_104 : memref<72x128xf32, #tpu.memory_space<vmem>>) target(%dma_start3A_101 : memref<72x128xf32, #tpu.memory_space<vmem_shared>>) target_semaphore(%run_scoped3A : memref<!tpu.dma_semaphore, #tpu.memory_space<semaphore_mem>>)
      %dma_wait3A_105 = arith.constant 0 : i32
      %dma_wait3A_106 = arith.constant 0 : i32
      %dma_wait3A_107 = tpu.memref_slice %arg13[%dma_wait3A_105, %dma_wait3A_106] : memref<80x128xf32, #tpu.memory_space<vmem>> -> memref<72x128xf32, #tpu.memory_space<vmem>>
      %dma_wait3A_108 = arith.constant 0 : i32
      %dma_wait3A_109 = tpu.memref_slice %arg15[%add3A_27, %dma_wait3A_108] : memref<10112x128xf32, #tpu.memory_space<vmem_shared>> -> memref<72x128xf32, #tpu.memory_space<vmem_shared>>
      %dma_wait3A_110 = arith.constant 0 : i32
      %dma_wait3A_111 = tpu.memref_slice %arg15[%add3A_27, %dma_wait3A_110] : memref<10112x128xf32, #tpu.memory_space<vmem_shared>> -> memref<72x128xf32, #tpu.memory_space<vmem_shared>>
      %dma_wait3A_112 = arith.constant 0 : i32
      %dma_wait3A_113 = arith.constant 0 : i32
      %dma_wait3A_114 = tpu.memref_slice %arg13[%dma_wait3A_112, %dma_wait3A_113] : memref<80x128xf32, #tpu.memory_space<vmem>> -> memref<72x128xf32, #tpu.memory_space<vmem>>
      tpu.wait_dma2 semaphore(%run_scoped3A : memref<!tpu.dma_semaphore, #tpu.memory_space<semaphore_mem>>) src(%dma_wait3A_114 : memref<72x128xf32, #tpu.memory_space<vmem>>) dst(%dma_wait3A_111 : memref<72x128xf32, #tpu.memory_space<vmem_shared>>)
      tpu.yield
    }) : () -> ()
    %barrier3A = arith.constant 0 : index
    tpu.barrier barrier_id(%barrier3A)
    %dma_start3A = arith.constant 0 : i32
    %dma_start3A_28 = arith.constant 0 : i32
    %dma_start3A_29 = arith.constant 0 : i32
    %dma_start3A_30 = tpu.memref_slice %arg3[%add3A, %dma_start3A, %dma_start3A_28, %dma_start3A_29] : memref<32x125x3x80xi32, #tpu.memory_space<hbm>> -> memref<1x1x3x80xi32, #tpu.memory_space<hbm>>
    %dma_start3A_31 = tpu.memref_squeeze %dma_start3A_30 : memref<1x1x3x80xi32, #tpu.memory_space<hbm>> -> memref<3x80xi32, #tpu.memory_space<hbm>>
    %dma_start3A_32 = arith.constant 0 : i32
    %dma_start3A_33 = arith.constant 0 : i32
    %dma_start3A_34 = tpu.memref_slice %arg3[%add3A, %dma_start3A, %dma_start3A_32, %dma_start3A_33] : memref<32x125x3x80xi32, #tpu.memory_space<hbm>> -> memref<1x1x3x80xi32, #tpu.memory_space<hbm>>
    %dma_start3A_35 = tpu.memref_squeeze %dma_start3A_34 : memref<1x1x3x80xi32, #tpu.memory_space<hbm>> -> memref<3x80xi32, #tpu.memory_space<hbm>>
    tpu.enqueue_dma source(%dma_start3A_35 : memref<3x80xi32, #tpu.memory_space<hbm>>) target(%arg7 : memref<3x80xi32, #tpu.memory_space<vmem>>) target_semaphore(%arg17 : memref<!tpu.dma_semaphore, #tpu.memory_space<semaphore_mem>>)
    %dma_start3A_36 = arith.constant 1 : i32
    %dma_start3A_37 = arith.constant 0 : i32
    %dma_start3A_38 = arith.constant 0 : i32
    %dma_start3A_39 = tpu.memref_slice %arg3[%add3A, %dma_start3A_36, %dma_start3A_37, %dma_start3A_38] : memref<32x125x3x80xi32, #tpu.memory_space<hbm>> -> memref<1x1x3x80xi32, #tpu.memory_space<hbm>>
    %dma_start3A_40 = tpu.memref_squeeze %dma_start3A_39 : memref<1x1x3x80xi32, #tpu.memory_space<hbm>> -> memref<3x80xi32, #tpu.memory_space<hbm>>
    %dma_start3A_41 = arith.constant 0 : i32
    %dma_start3A_42 = arith.constant 0 : i32
    %dma_start3A_43 = tpu.memref_slice %arg3[%add3A, %dma_start3A_36, %dma_start3A_41, %dma_start3A_42] : memref<32x125x3x80xi32, #tpu.memory_space<hbm>> -> memref<1x1x3x80xi32, #tpu.memory_space<hbm>>
    %dma_start3A_44 = tpu.memref_squeeze %dma_start3A_43 : memref<1x1x3x80xi32, #tpu.memory_space<hbm>> -> memref<3x80xi32, #tpu.memory_space<hbm>>
    tpu.enqueue_dma source(%dma_start3A_44 : memref<3x80xi32, #tpu.memory_space<hbm>>) target(%arg8 : memref<3x80xi32, #tpu.memory_space<vmem>>) target_semaphore(%arg18 : memref<!tpu.dma_semaphore, #tpu.memory_space<semaphore_mem>>)
    %dma_start3A_45 = arith.constant 0 : i32
    %dma_start3A_46 = arith.constant 0 : i32
    %dma_start3A_47 = tpu.memref_slice %arg4[%add3A, %dma_start3A_45, %dma_start3A_46] : memref<32x125x80xi32, #tpu.memory_space<hbm>> -> memref<1x1x80xi32, #tpu.memory_space<hbm>>
    %dma_start3A_48 = tpu.memref_squeeze %dma_start3A_47 : memref<1x1x80xi32, #tpu.memory_space<hbm>> -> memref<80xi32, #tpu.memory_space<hbm>>
    %dma_start3A_49 = arith.constant 0 : i32
    %dma_start3A_50 = tpu.memref_slice %arg4[%add3A, %dma_start3A_45, %dma_start3A_49] : memref<32x125x80xi32, #tpu.memory_space<hbm>> -> memref<1x1x80xi32, #tpu.memory_space<hbm>>
    %dma_start3A_51 = tpu.memref_squeeze %dma_start3A_50 : memref<1x1x80xi32, #tpu.memory_space<hbm>> -> memref<80xi32, #tpu.memory_space<hbm>>
    tpu.enqueue_dma source(%dma_start3A_51 : memref<80xi32, #tpu.memory_space<hbm>>) target(%arg9 : memref<80xi32, #tpu.memory_space<vmem>>) target_semaphore(%arg23 : memref<!tpu.dma_semaphore, #tpu.memory_space<semaphore_mem>>)
    %dma_start3A_52 = arith.constant 1 : i32
    %dma_start3A_53 = arith.constant 0 : i32
    %dma_start3A_54 = tpu.memref_slice %arg4[%add3A, %dma_start3A_52, %dma_start3A_53] : memref<32x125x80xi32, #tpu.memory_space<hbm>> -> memref<1x1x80xi32, #tpu.memory_space<hbm>>
    %dma_start3A_55 = tpu.memref_squeeze %dma_start3A_54 : memref<1x1x80xi32, #tpu.memory_space<hbm>> -> memref<80xi32, #tpu.memory_space<hbm>>
    %dma_start3A_56 = arith.constant 0 : i32
    %dma_start3A_57 = tpu.memref_slice %arg4[%add3A, %dma_start3A_52, %dma_start3A_56] : memref<32x125x80xi32, #tpu.memory_space<hbm>> -> memref<1x1x80xi32, #tpu.memory_space<hbm>>
    %dma_start3A_58 = tpu.memref_squeeze %dma_start3A_57 : memref<1x1x80xi32, #tpu.memory_space<hbm>> -> memref<80xi32, #tpu.memory_space<hbm>>
    tpu.enqueue_dma source(%dma_start3A_58 : memref<80xi32, #tpu.memory_space<hbm>>) target(%arg10 : memref<80xi32, #tpu.memory_space<vmem>>) target_semaphore(%arg24 : memref<!tpu.dma_semaphore, #tpu.memory_space<semaphore_mem>>)
    %dma_wait3A = arith.constant 0 : i32
    %dma_wait3A_59 = arith.constant 0 : i32
    %dma_wait3A_60 = arith.constant 0 : i32
    %dma_wait3A_61 = tpu.memref_slice %arg3[%add3A, %dma_wait3A, %dma_wait3A_59, %dma_wait3A_60] : memref<32x125x3x80xi32, #tpu.memory_space<hbm>> -> memref<1x1x3x80xi32, #tpu.memory_space<hbm>>
    %dma_wait3A_62 = tpu.memref_squeeze %dma_wait3A_61 : memref<1x1x3x80xi32, #tpu.memory_space<hbm>> -> memref<3x80xi32, #tpu.memory_space<hbm>>
    %dma_wait3A_63 = arith.constant 0 : i32
    %dma_wait3A_64 = arith.constant 0 : i32
    %dma_wait3A_65 = tpu.memref_slice %arg3[%add3A, %dma_wait3A, %dma_wait3A_63, %dma_wait3A_64] : memref<32x125x3x80xi32, #tpu.memory_space<hbm>> -> memref<1x1x3x80xi32, #tpu.memory_space<hbm>>
    %dma_wait3A_66 = tpu.memref_squeeze %dma_wait3A_65 : memref<1x1x3x80xi32, #tpu.memory_space<hbm>> -> memref<3x80xi32, #tpu.memory_space<hbm>>
    tpu.wait_dma2 semaphore(%arg17 : memref<!tpu.dma_semaphore, #tpu.memory_space<semaphore_mem>>) src(%dma_wait3A_66 : memref<3x80xi32, #tpu.memory_space<hbm>>) dst(%arg7 : memref<3x80xi32, #tpu.memory_space<vmem>>)
    %dma_start3A_67 = arith.constant 2 : i32
    %dma_start3A_68 = arith.constant 0 : i32
    %dma_start3A_69 = tpu.memref_slice %arg7[%dma_start3A_67, %dma_start3A_68] : memref<3x80xi32, #tpu.memory_space<vmem>> -> memref<1x80xi32, #tpu.memory_space<vmem>>
    %dma_start3A_70 = tpu.memref_squeeze %dma_start3A_69 : memref<1x80xi32, #tpu.memory_space<vmem>> -> memref<80xi32, #tpu.memory_space<vmem>>
    %dma_start3A_71 = arith.constant 0 : i32
    %dma_start3A_72 = arith.constant 0 : i32
    %dma_start3A_73 = tpu.memref_slice %arg16[%dma_start3A_71, %dma_start3A_72] : memref<17x128xf32, #tpu.memory_space<vmem_shared>> -> memref<17x128xf32, #tpu.memory_space<vmem_shared>>
    tpu.enqueue_indirect_dma source(%dma_start3A_73 : memref<17x128xf32, #tpu.memory_space<vmem_shared>>) target(%arg11 : memref<80x128xf32, #tpu.memory_space<vmem>>) offsets(%dma_start3A_70 : memref<80xi32, #tpu.memory_space<vmem>>) semaphore(%arg21 : memref<!tpu.dma_semaphore, #tpu.memory_space<semaphore_mem>>)
    %dma_start3A_74 = arith.constant 0 : i32
    %dma_start3A_75 = arith.constant 0 : i32
    %dma_start3A_76 = tpu.memref_slice %arg7[%dma_start3A_74, %dma_start3A_75] : memref<3x80xi32, #tpu.memory_space<vmem>> -> memref<1x80xi32, #tpu.memory_space<vmem>>
    %dma_start3A_77 = tpu.memref_squeeze %dma_start3A_76 : memref<1x80xi32, #tpu.memory_space<vmem>> -> memref<80xi32, #tpu.memory_space<vmem>>
    %dma_start3A_78 = arith.constant 0 : i32
    %dma_start3A_79 = arith.constant 0 : i32
    %dma_start3A_80 = tpu.memref_slice %arg2[%dma_start3A_78, %dma_start3A_79] : memref<10000x128xf32, #tpu.memory_space<hbm>> -> memref<10000x128xf32, #tpu.memory_space<hbm>>
    tpu.enqueue_indirect_dma source(%dma_start3A_80 : memref<10000x128xf32, #tpu.memory_space<hbm>>) target(%arg13 : memref<80x128xf32, #tpu.memory_space<vmem>>) offsets(%dma_start3A_77 : memref<80xi32, #tpu.memory_space<vmem>>) semaphore(%arg19 : memref<!tpu.dma_semaphore, #tpu.memory_space<semaphore_mem>>)
    %scan3A_81 = arith.constant 0 : i32
    %scan3A_82 = arith.constant 0 : i32
    %scan3A_83 = arith.constant 63 : i32
    %scan3A_84 = arith.addi %scan3A_82, %scan3A_83 : i32
    %scan3A_85 = arith.constant 1 : i32
    %scan3A_86 = scf.for %scan3A_95 = %scan3A_82 to %scan3A_84 step %scan3A_85 iter_args(%scan3A_96 = %scan3A_81) -> (i32)  : i32 {
      %mul3A_97 = arith.constant 2 : i32
      %mul3A_98 = arith.muli %scan3A_95, %mul3A_97 : i32
      %add3A_99 = arith.constant 0 : i32
      %add3A_100 = arith.addi %mul3A_98, %add3A_99 : i32
      %add3A_101 = arith.constant 1 : i32
      %add3A_102 = arith.addi %add3A_100, %add3A_101 : i32
      %lt3A = arith.constant 125 : i32
      %lt3A_103 = arith.cmpi slt, %add3A_102, %lt3A : i32
      %convert_element_type3A_104 = arith.extui %lt3A_103 : i1 to i32
      %cond3A_105 = arith.constant 0 : i32
      %cond3A_106 = arith.cmpi ne, %convert_element_type3A_104, %cond3A_105 : i32
      scf.if %cond3A_106 {
        %add3A_143 = arith.constant 1 : i32
        %add3A_144 = arith.addi %add3A_100, %add3A_143 : i32
        %dma_wait3A_145 = arith.constant 0 : i32
        %dma_wait3A_146 = arith.constant 0 : i32
        %dma_wait3A_147 = tpu.memref_slice %arg3[%add3A, %add3A_144, %dma_wait3A_145, %dma_wait3A_146] : memref<32x125x3x80xi32, #tpu.memory_space<hbm>> -> memref<1x1x3x80xi32, #tpu.memory_space<hbm>>
        %dma_wait3A_148 = tpu.memref_squeeze %dma_wait3A_147 : memref<1x1x3x80xi32, #tpu.memory_space<hbm>> -> memref<3x80xi32, #tpu.memory_space<hbm>>
        %dma_wait3A_149 = arith.constant 0 : i32
        %dma_wait3A_150 = arith.constant 0 : i32
        %dma_wait3A_151 = tpu.memref_slice %arg3[%add3A, %add3A_144, %dma_wait3A_149, %dma_wait3A_150] : memref<32x125x3x80xi32, #tpu.memory_space<hbm>> -> memref<1x1x3x80xi32, #tpu.memory_space<hbm>>
        %dma_wait3A_152 = tpu.memref_squeeze %dma_wait3A_151 : memref<1x1x3x80xi32, #tpu.memory_space<hbm>> -> memref<3x80xi32, #tpu.memory_space<hbm>>
        tpu.wait_dma2 semaphore(%arg18 : memref<!tpu.dma_semaphore, #tpu.memory_space<semaphore_mem>>) src(%dma_wait3A_152 : memref<3x80xi32, #tpu.memory_space<hbm>>) dst(%arg8 : memref<3x80xi32, #tpu.memory_space<vmem>>)
        %ge3A = arith.constant 1 : i32
        %ge3A_153 = arith.cmpi sge, %add3A_100, %ge3A : i32
        %convert_element_type3A_154 = arith.extui %ge3A_153 : i1 to i32
        %cond3A_155 = arith.constant 0 : i32
        %cond3A_156 = arith.cmpi ne, %convert_element_type3A_154, %cond3A_155 : i32
        scf.if %cond3A_156 {
          %dma_wait3A_171 = arith.constant 0 : i32
          %dma_wait3A_172 = arith.constant 0 : i32
          %dma_wait3A_173 = tpu.memref_slice %arg15[%dma_wait3A_171, %dma_wait3A_172] : memref<10112x128xf32, #tpu.memory_space<vmem_shared>> -> memref<10112x128xf32, #tpu.memory_space<vmem_shared>>
          tpu.wait_indirect_dma semaphore(%arg26 : memref<!tpu.dma_semaphore, #tpu.memory_space<semaphore_mem>>) src(%arg14 : memref<80x128xf32, #tpu.memory_space<vmem>>) dst(%dma_wait3A_173 : memref<10112x128xf32, #tpu.memory_space<vmem_shared>>)
          %add3A_174 = arith.constant 1 : i32
          %add3A_175 = arith.addi %add3A_100, %add3A_174 : i32
          %dma_start3A_176 = arith.constant 0 : i32
          %dma_start3A_177 = tpu.memref_slice %arg4[%add3A, %add3A_175, %dma_start3A_176] : memref<32x125x80xi32, #tpu.memory_space<hbm>> -> memref<1x1x80xi32, #tpu.memory_space<hbm>>
          %dma_start3A_178 = tpu.memref_squeeze %dma_start3A_177 : memref<1x1x80xi32, #tpu.memory_space<hbm>> -> memref<80xi32, #tpu.memory_space<hbm>>
          %dma_start3A_179 = arith.constant 0 : i32
          %dma_start3A_180 = tpu.memref_slice %arg4[%add3A, %add3A_175, %dma_start3A_179] : memref<32x125x80xi32, #tpu.memory_space<hbm>> -> memref<1x1x80xi32, #tpu.memory_space<hbm>>
          %dma_start3A_181 = tpu.memref_squeeze %dma_start3A_180 : memref<1x1x80xi32, #tpu.memory_space<hbm>> -> memref<80xi32, #tpu.memory_space<hbm>>
          tpu.enqueue_dma source(%dma_start3A_181 : memref<80xi32, #tpu.memory_space<hbm>>) target(%arg10 : memref<80xi32, #tpu.memory_space<vmem>>) target_semaphore(%arg24 : memref<!tpu.dma_semaphore, #tpu.memory_space<semaphore_mem>>)
        } else {
        }
        %dma_start3A_157 = arith.constant 2 : i32
        %dma_start3A_158 = arith.constant 0 : i32
        %dma_start3A_159 = tpu.memref_slice %arg8[%dma_start3A_157, %dma_start3A_158] : memref<3x80xi32, #tpu.memory_space<vmem>> -> memref<1x80xi32, #tpu.memory_space<vmem>>
        %dma_start3A_160 = tpu.memref_squeeze %dma_start3A_159 : memref<1x80xi32, #tpu.memory_space<vmem>> -> memref<80xi32, #tpu.memory_space<vmem>>
        %dma_start3A_161 = arith.constant 0 : i32
        %dma_start3A_162 = arith.constant 0 : i32
        %dma_start3A_163 = tpu.memref_slice %arg16[%dma_start3A_161, %dma_start3A_162] : memref<17x128xf32, #tpu.memory_space<vmem_shared>> -> memref<17x128xf32, #tpu.memory_space<vmem_shared>>
        tpu.enqueue_indirect_dma source(%dma_start3A_163 : memref<17x128xf32, #tpu.memory_space<vmem_shared>>) target(%arg12 : memref<80x128xf32, #tpu.memory_space<vmem>>) offsets(%dma_start3A_160 : memref<80xi32, #tpu.memory_space<vmem>>) semaphore(%arg22 : memref<!tpu.dma_semaphore, #tpu.memory_space<semaphore_mem>>)
        %dma_start3A_164 = arith.constant 0 : i32
        %dma_start3A_165 = arith.constant 0 : i32
        %dma_start3A_166 = tpu.memref_slice %arg8[%dma_start3A_164, %dma_start3A_165] : memref<3x80xi32, #tpu.memory_space<vmem>> -> memref<1x80xi32, #tpu.memory_space<vmem>>
        %dma_start3A_167 = tpu.memref_squeeze %dma_start3A_166 : memref<1x80xi32, #tpu.memory_space<vmem>> -> memref<80xi32, #tpu.memory_space<vmem>>
        %dma_start3A_168 = arith.constant 0 : i32
        %dma_start3A_169 = arith.constant 0 : i32
        %dma_start3A_170 = tpu.memref_slice %arg2[%dma_start3A_168, %dma_start3A_169] : memref<10000x128xf32, #tpu.memory_space<hbm>> -> memref<10000x128xf32, #tpu.memory_space<hbm>>
        tpu.enqueue_indirect_dma source(%dma_start3A_170 : memref<10000x128xf32, #tpu.memory_space<hbm>>) target(%arg14 : memref<80x128xf32, #tpu.memory_space<vmem>>) offsets(%dma_start3A_167 : memref<80xi32, #tpu.memory_space<vmem>>) semaphore(%arg20 : memref<!tpu.dma_semaphore, #tpu.memory_space<semaphore_mem>>)
      } else {
      }
      %lt3A_107 = arith.constant 125 : i32
      %lt3A_108 = arith.cmpi slt, %add3A_100, %lt3A_107 : i32
      %convert_element_type3A_109 = arith.extui %lt3A_108 : i1 to i32
      %cond3A_110 = arith.constant 0 : i32
      %cond3A_111 = arith.cmpi ne, %convert_element_type3A_109, %cond3A_110 : i32
      scf.if %cond3A_111 {
        %dma_wait3A_143 = arith.constant 0 : i32
        %dma_wait3A_144 = arith.constant 0 : i32
        %dma_wait3A_145 = tpu.memref_slice %arg7[%dma_wait3A_143, %dma_wait3A_144] : memref<3x80xi32, #tpu.memory_space<vmem>> -> memref<1x80xi32, #tpu.memory_space<vmem>>
        %dma_wait3A_146 = tpu.memref_squeeze %dma_wait3A_145 : memref<1x80xi32, #tpu.memory_space<vmem>> -> memref<80xi32, #tpu.memory_space<vmem>>
        %dma_wait3A_147 = arith.constant 0 : i32
        %dma_wait3A_148 = arith.constant 0 : i32
        %dma_wait3A_149 = tpu.memref_slice %arg2[%dma_wait3A_147, %dma_wait3A_148] : memref<10000x128xf32, #tpu.memory_space<hbm>> -> memref<10000x128xf32, #tpu.memory_space<hbm>>
        tpu.wait_indirect_dma semaphore(%arg19 : memref<!tpu.dma_semaphore, #tpu.memory_space<semaphore_mem>>) src(%dma_wait3A_149 : memref<10000x128xf32, #tpu.memory_space<hbm>>) dst(%arg13 : memref<80x128xf32, #tpu.memory_space<vmem>>)
        %dma_wait3A_150 = arith.constant 2 : i32
        %dma_wait3A_151 = arith.constant 0 : i32
        %dma_wait3A_152 = tpu.memref_slice %arg7[%dma_wait3A_150, %dma_wait3A_151] : memref<3x80xi32, #tpu.memory_space<vmem>> -> memref<1x80xi32, #tpu.memory_space<vmem>>
        %dma_wait3A_153 = tpu.memref_squeeze %dma_wait3A_152 : memref<1x80xi32, #tpu.memory_space<vmem>> -> memref<80xi32, #tpu.memory_space<vmem>>
        %dma_wait3A_154 = arith.constant 0 : i32
        %dma_wait3A_155 = arith.constant 0 : i32
        %dma_wait3A_156 = tpu.memref_slice %arg16[%dma_wait3A_154, %dma_wait3A_155] : memref<17x128xf32, #tpu.memory_space<vmem_shared>> -> memref<17x128xf32, #tpu.memory_space<vmem_shared>>
        tpu.wait_indirect_dma semaphore(%arg21 : memref<!tpu.dma_semaphore, #tpu.memory_space<semaphore_mem>>) src(%dma_wait3A_156 : memref<17x128xf32, #tpu.memory_space<vmem_shared>>) dst(%arg11 : memref<80x128xf32, #tpu.memory_space<vmem>>)
        %dma_wait3A_157 = arith.constant 0 : i32
        %dma_wait3A_158 = tpu.memref_slice %arg4[%add3A, %add3A_100, %dma_wait3A_157] : memref<32x125x80xi32, #tpu.memory_space<hbm>> -> memref<1x1x80xi32, #tpu.memory_space<hbm>>
        %dma_wait3A_159 = tpu.memref_squeeze %dma_wait3A_158 : memref<1x1x80xi32, #tpu.memory_space<hbm>> -> memref<80xi32, #tpu.memory_space<hbm>>
        %dma_wait3A_160 = arith.constant 0 : i32
        %dma_wait3A_161 = tpu.memref_slice %arg4[%add3A, %add3A_100, %dma_wait3A_160] : memref<32x125x80xi32, #tpu.memory_space<hbm>> -> memref<1x1x80xi32, #tpu.memory_space<hbm>>
        %dma_wait3A_162 = tpu.memref_squeeze %dma_wait3A_161 : memref<1x1x80xi32, #tpu.memory_space<hbm>> -> memref<80xi32, #tpu.memory_space<hbm>>
        tpu.wait_dma2 semaphore(%arg23 : memref<!tpu.dma_semaphore, #tpu.memory_space<semaphore_mem>>) src(%dma_wait3A_162 : memref<80xi32, #tpu.memory_space<hbm>>) dst(%arg9 : memref<80xi32, #tpu.memory_space<vmem>>)
        %scan3A_163 = arith.constant 0 : i32
        %scan3A_164 = arith.constant 0 : i32
        %scan3A_165 = arith.constant 80 : i32
        %scan3A_166 = arith.addi %scan3A_164, %scan3A_165 : i32
        %scan3A_167 = arith.constant 1 : i32
        %scan3A_168 = scf.for %scan3A_173 = %scan3A_164 to %scan3A_166 step %scan3A_167 iter_args(%scan3A_174 = %scan3A_163) -> (i32)  : i32 {
          %get3A = arith.index_cast %scan3A_173 : i32 to index
          %get3A_175 = arith.constant 0 : index
          %get3A_176 = tpu.vector_load %arg13[%get3A, %get3A_175] {strides = array<i32>} : memref<80x128xf32, #tpu.memory_space<vmem>>, vector<1x16xf32>,
          %get3A_177 = vector.shape_cast %get3A_176 : vector<1x16xf32> to vector<16xf32>
          %get3A_178 = arith.index_cast %scan3A_173 : i32 to index
          %get3A_179 = arith.constant 0 : index
          %get3A_180 = tpu.vector_load %arg11[%get3A_178, %get3A_179] {strides = array<i32>} : memref<80x128xf32, #tpu.memory_space<vmem>>, vector<1x16xf32>,
          %get3A_181 = vector.shape_cast %get3A_180 : vector<1x16xf32> to vector<16xf32>
          %add3A_182 = arith.addf %get3A_177, %get3A_181 : vector<16xf32>
          %max3A = arith.constant 0.000000e+00 : f32
          %max3A_183 = vector.broadcast %max3A : f32 to vector<16xf32>
          %max3A_184 = arith.maximumf %add3A_182, %max3A_183 : vector<16xf32>
          %swap3A = arith.index_cast %scan3A_173 : i32 to index
          %swap3A_185 = arith.constant 0 : index
          %swap3A_186 = tpu.vector_load %arg13[%swap3A, %swap3A_185] {strides = array<i32>} : memref<80x128xf32, #tpu.memory_space<vmem>>, vector<1x16xf32>,
          %swap3A_187 = vector.shape_cast %swap3A_186 : vector<1x16xf32> to vector<16xf32>
          %swap3A_188 = vector.shape_cast %max3A_184 : vector<16xf32> to vector<1x16xf32>
          tpu.vector_store %arg13[%swap3A, %swap3A_185], %swap3A_188 {strides = array<i32>} : memref<80x128xf32, #tpu.memory_space<vmem>>, vector<1x16xf32>,
          %get3A_189 = arith.index_cast %scan3A_173 : i32 to index
          %get3A_190 = arith.constant 16 : index
          %get3A_191 = tpu.vector_load %arg13[%get3A_189, %get3A_190] {strides = array<i32>} : memref<80x128xf32, #tpu.memory_space<vmem>>, vector<1x16xf32>,
          %get3A_192 = vector.shape_cast %get3A_191 : vector<1x16xf32> to vector<16xf32>
          %get3A_193 = arith.index_cast %scan3A_173 : i32 to index
          %get3A_194 = arith.constant 16 : index
          %get3A_195 = tpu.vector_load %arg11[%get3A_193, %get3A_194] {strides = array<i32>} : memref<80x128xf32, #tpu.memory_space<vmem>>, vector<1x16xf32>,
          %get3A_196 = vector.shape_cast %get3A_195 : vector<1x16xf32> to vector<16xf32>
          %add3A_197 = arith.addf %get3A_192, %get3A_196 : vector<16xf32>
          %max3A_198 = arith.constant 0.000000e+00 : f32
          %max3A_199 = vector.broadcast %max3A_198 : f32 to vector<16xf32>
          %max3A_200 = arith.maximumf %add3A_197, %max3A_199 : vector<16xf32>
          %swap3A_201 = arith.index_cast %scan3A_173 : i32 to index
          %swap3A_202 = arith.constant 16 : index
          %swap3A_203 = tpu.vector_load %arg13[%swap3A_201, %swap3A_202] {strides = array<i32>} : memref<80x128xf32, #tpu.memory_space<vmem>>, vector<1x16xf32>,
          %swap3A_204 = vector.shape_cast %swap3A_203 : vector<1x16xf32> to vector<16xf32>
          %swap3A_205 = vector.shape_cast %max3A_200 : vector<16xf32> to vector<1x16xf32>
          tpu.vector_store %arg13[%swap3A_201, %swap3A_202], %swap3A_205 {strides = array<i32>} : memref<80x128xf32, #tpu.memory_space<vmem>>, vector<1x16xf32>,
          %get3A_206 = arith.index_cast %scan3A_173 : i32 to index
          %get3A_207 = arith.constant 32 : index
          %get3A_208 = tpu.vector_load %arg13[%get3A_206, %get3A_207] {strides = array<i32>} : memref<80x128xf32, #tpu.memory_space<vmem>>, vector<1x16xf32>,
          %get3A_209 = vector.shape_cast %get3A_208 : vector<1x16xf32> to vector<16xf32>
          %get3A_210 = arith.index_cast %scan3A_173 : i32 to index
          %get3A_211 = arith.constant 32 : index
          %get3A_212 = tpu.vector_load %arg11[%get3A_210, %get3A_211] {strides = array<i32>} : memref<80x128xf32, #tpu.memory_space<vmem>>, vector<1x16xf32>,
          %get3A_213 = vector.shape_cast %get3A_212 : vector<1x16xf32> to vector<16xf32>
          %add3A_214 = arith.addf %get3A_209, %get3A_213 : vector<16xf32>
          %max3A_215 = arith.constant 0.000000e+00 : f32
          %max3A_216 = vector.broadcast %max3A_215 : f32 to vector<16xf32>
          %max3A_217 = arith.maximumf %add3A_214, %max3A_216 : vector<16xf32>
          %swap3A_218 = arith.index_cast %scan3A_173 : i32 to index
          %swap3A_219 = arith.constant 32 : index
          %swap3A_220 = tpu.vector_load %arg13[%swap3A_218, %swap3A_219] {strides = array<i32>} : memref<80x128xf32, #tpu.memory_space<vmem>>, vector<1x16xf32>,
          %swap3A_221 = vector.shape_cast %swap3A_220 : vector<1x16xf32> to vector<16xf32>
          %swap3A_222 = vector.shape_cast %max3A_217 : vector<16xf32> to vector<1x16xf32>
          tpu.vector_store %arg13[%swap3A_218, %swap3A_219], %swap3A_222 {strides = array<i32>} : memref<80x128xf32, #tpu.memory_space<vmem>>, vector<1x16xf32>,
          %get3A_223 = arith.index_cast %scan3A_173 : i32 to index
          %get3A_224 = arith.constant 48 : index
          %get3A_225 = tpu.vector_load %arg13[%get3A_223, %get3A_224] {strides = array<i32>} : memref<80x128xf32, #tpu.memory_space<vmem>>, vector<1x16xf32>,
          %get3A_226 = vector.shape_cast %get3A_225 : vector<1x16xf32> to vector<16xf32>
          %get3A_227 = arith.index_cast %scan3A_173 : i32 to index
          %get3A_228 = arith.constant 48 : index
          %get3A_229 = tpu.vector_load %arg11[%get3A_227, %get3A_228] {strides = array<i32>} : memref<80x128xf32, #tpu.memory_space<vmem>>, vector<1x16xf32>,
          %get3A_230 = vector.shape_cast %get3A_229 : vector<1x16xf32> to vector<16xf32>
          %add3A_231 = arith.addf %get3A_226, %get3A_230 : vector<16xf32>
          %max3A_232 = arith.constant 0.000000e+00 : f32
          %max3A_233 = vector.broadcast %max3A_232 : f32 to vector<16xf32>
          %max3A_234 = arith.maximumf %add3A_231, %max3A_233 : vector<16xf32>
          %swap3A_235 = arith.index_cast %scan3A_173 : i32 to index
          %swap3A_236 = arith.constant 48 : index
          %swap3A_237 = tpu.vector_load %arg13[%swap3A_235, %swap3A_236] {strides = array<i32>} : memref<80x128xf32, #tpu.memory_space<vmem>>, vector<1x16xf32>,
          %swap3A_238 = vector.shape_cast %swap3A_237 : vector<1x16xf32> to vector<16xf32>
          %swap3A_239 = vector.shape_cast %max3A_234 : vector<16xf32> to vector<1x16xf32>
          tpu.vector_store %arg13[%swap3A_235, %swap3A_236], %swap3A_239 {strides = array<i32>} : memref<80x128xf32, #tpu.memory_space<vmem>>, vector<1x16xf32>,
          %get3A_240 = arith.index_cast %scan3A_173 : i32 to index
          %get3A_241 = arith.constant 64 : index
          %get3A_242 = tpu.vector_load %arg13[%get3A_240, %get3A_241] {strides = array<i32>} : memref<80x128xf32, #tpu.memory_space<vmem>>, vector<1x16xf32>,
          %get3A_243 = vector.shape_cast %get3A_242 : vector<1x16xf32> to vector<16xf32>
          %get3A_244 = arith.index_cast %scan3A_173 : i32 to index
          %get3A_245 = arith.constant 64 : index
          %get3A_246 = tpu.vector_load %arg11[%get3A_244, %get3A_245] {strides = array<i32>} : memref<80x128xf32, #tpu.memory_space<vmem>>, vector<1x16xf32>,
          %get3A_247 = vector.shape_cast %get3A_246 : vector<1x16xf32> to vector<16xf32>
          %add3A_248 = arith.addf %get3A_243, %get3A_247 : vector<16xf32>
          %max3A_249 = arith.constant 0.000000e+00 : f32
          %max3A_250 = vector.broadcast %max3A_249 : f32 to vector<16xf32>
          %max3A_251 = arith.maximumf %add3A_248, %max3A_250 : vector<16xf32>
          %swap3A_252 = arith.index_cast %scan3A_173 : i32 to index
          %swap3A_253 = arith.constant 64 : index
          %swap3A_254 = tpu.vector_load %arg13[%swap3A_252, %swap3A_253] {strides = array<i32>} : memref<80x128xf32, #tpu.memory_space<vmem>>, vector<1x16xf32>,
          %swap3A_255 = vector.shape_cast %swap3A_254 : vector<1x16xf32> to vector<16xf32>
          %swap3A_256 = vector.shape_cast %max3A_251 : vector<16xf32> to vector<1x16xf32>
          tpu.vector_store %arg13[%swap3A_252, %swap3A_253], %swap3A_256 {strides = array<i32>} : memref<80x128xf32, #tpu.memory_space<vmem>>, vector<1x16xf32>,
          %get3A_257 = arith.index_cast %scan3A_173 : i32 to index
          %get3A_258 = arith.constant 80 : index
          %get3A_259 = tpu.vector_load %arg13[%get3A_257, %get3A_258] {strides = array<i32>} : memref<80x128xf32, #tpu.memory_space<vmem>>, vector<1x16xf32>,
          %get3A_260 = vector.shape_cast %get3A_259 : vector<1x16xf32> to vector<16xf32>
          %get3A_261 = arith.index_cast %scan3A_173 : i32 to index
          %get3A_262 = arith.constant 80 : index
          %get3A_263 = tpu.vector_load %arg11[%get3A_261, %get3A_262] {strides = array<i32>} : memref<80x128xf32, #tpu.memory_space<vmem>>, vector<1x16xf32>,
          %get3A_264 = vector.shape_cast %get3A_263 : vector<1x16xf32> to vector<16xf32>
          %add3A_265 = arith.addf %get3A_260, %get3A_264 : vector<16xf32>
          %max3A_266 = arith.constant 0.000000e+00 : f32
          %max3A_267 = vector.broadcast %max3A_266 : f32 to vector<16xf32>
          %max3A_268 = arith.maximumf %add3A_265, %max3A_267 : vector<16xf32>
          %swap3A_269 = arith.index_cast %scan3A_173 : i32 to index
          %swap3A_270 = arith.constant 80 : index
          %swap3A_271 = tpu.vector_load %arg13[%swap3A_269, %swap3A_270] {strides = array<i32>} : memref<80x128xf32, #tpu.memory_space<vmem>>, vector<1x16xf32>,
          %swap3A_272 = vector.shape_cast %swap3A_271 : vector<1x16xf32> to vector<16xf32>
          %swap3A_273 = vector.shape_cast %max3A_268 : vector<16xf32> to vector<1x16xf32>
          tpu.vector_store %arg13[%swap3A_269, %swap3A_270], %swap3A_273 {strides = array<i32>} : memref<80x128xf32, #tpu.memory_space<vmem>>, vector<1x16xf32>,
          %get3A_274 = arith.index_cast %scan3A_173 : i32 to index
          %get3A_275 = arith.constant 96 : index
          %get3A_276 = tpu.vector_load %arg13[%get3A_274, %get3A_275] {strides = array<i32>} : memref<80x128xf32, #tpu.memory_space<vmem>>, vector<1x16xf32>,
          %get3A_277 = vector.shape_cast %get3A_276 : vector<1x16xf32> to vector<16xf32>
          %get3A_278 = arith.index_cast %scan3A_173 : i32 to index
          %get3A_279 = arith.constant 96 : index
          %get3A_280 = tpu.vector_load %arg11[%get3A_278, %get3A_279] {strides = array<i32>} : memref<80x128xf32, #tpu.memory_space<vmem>>, vector<1x16xf32>,
          %get3A_281 = vector.shape_cast %get3A_280 : vector<1x16xf32> to vector<16xf32>
          %add3A_282 = arith.addf %get3A_277, %get3A_281 : vector<16xf32>
          %max3A_283 = arith.constant 0.000000e+00 : f32
          %max3A_284 = vector.broadcast %max3A_283 : f32 to vector<16xf32>
          %max3A_285 = arith.maximumf %add3A_282, %max3A_284 : vector<16xf32>
          %swap3A_286 = arith.index_cast %scan3A_173 : i32 to index
          %swap3A_287 = arith.constant 96 : index
          %swap3A_288 = tpu.vector_load %arg13[%swap3A_286, %swap3A_287] {strides = array<i32>} : memref<80x128xf32, #tpu.memory_space<vmem>>, vector<1x16xf32>,
          %swap3A_289 = vector.shape_cast %swap3A_288 : vector<1x16xf32> to vector<16xf32>
          %swap3A_290 = vector.shape_cast %max3A_285 : vector<16xf32> to vector<1x16xf32>
          tpu.vector_store %arg13[%swap3A_286, %swap3A_287], %swap3A_290 {strides = array<i32>} : memref<80x128xf32, #tpu.memory_space<vmem>>, vector<1x16xf32>,
          %get3A_291 = arith.index_cast %scan3A_173 : i32 to index
          %get3A_292 = arith.constant 112 : index
          %get3A_293 = tpu.vector_load %arg13[%get3A_291, %get3A_292] {strides = array<i32>} : memref<80x128xf32, #tpu.memory_space<vmem>>, vector<1x16xf32>,
          %get3A_294 = vector.shape_cast %get3A_293 : vector<1x16xf32> to vector<16xf32>
          %get3A_295 = arith.index_cast %scan3A_173 : i32 to index
          %get3A_296 = arith.constant 112 : index
          %get3A_297 = tpu.vector_load %arg11[%get3A_295, %get3A_296] {strides = array<i32>} : memref<80x128xf32, #tpu.memory_space<vmem>>, vector<1x16xf32>,
          %get3A_298 = vector.shape_cast %get3A_297 : vector<1x16xf32> to vector<16xf32>
          %add3A_299 = arith.addf %get3A_294, %get3A_298 : vector<16xf32>
          %max3A_300 = arith.constant 0.000000e+00 : f32
          %max3A_301 = vector.broadcast %max3A_300 : f32 to vector<16xf32>
          %max3A_302 = arith.maximumf %add3A_299, %max3A_301 : vector<16xf32>
          %swap3A_303 = arith.index_cast %scan3A_173 : i32 to index
          %swap3A_304 = arith.constant 112 : index
          %swap3A_305 = tpu.vector_load %arg13[%swap3A_303, %swap3A_304] {strides = array<i32>} : memref<80x128xf32, #tpu.memory_space<vmem>>, vector<1x16xf32>,
          %swap3A_306 = vector.shape_cast %swap3A_305 : vector<1x16xf32> to vector<16xf32>
          %swap3A_307 = vector.shape_cast %max3A_302 : vector<16xf32> to vector<1x16xf32>
          tpu.vector_store %arg13[%swap3A_303, %swap3A_304], %swap3A_307 {strides = array<i32>} : memref<80x128xf32, #tpu.memory_space<vmem>>, vector<1x16xf32>,
          %scan3A_308 = arith.constant 0 : i32
          scf.yield %scan3A_308 : i32
        }
        %scan3A_169 = arith.constant 80 : i32
        %dma_start3A_170 = arith.constant 0 : i32
        %dma_start3A_171 = arith.constant 0 : i32
        %dma_start3A_172 = tpu.memref_slice %arg15[%dma_start3A_170, %dma_start3A_171] : memref<10112x128xf32, #tpu.memory_space<vmem_shared>> -> memref<10112x128xf32, #tpu.memory_space<vmem_shared>>
        tpu.enqueue_indirect_dma source(%arg13 : memref<80x128xf32, #tpu.memory_space<vmem>>) target(%dma_start3A_172 : memref<10112x128xf32, #tpu.memory_space<vmem_shared>>) offsets(%arg9 : memref<80xi32, #tpu.memory_space<vmem>>) semaphore(%arg25 : memref<!tpu.dma_semaphore, #tpu.memory_space<semaphore_mem>>) {add = true}
      } else {
      }
      %add3A_112 = arith.constant 2 : i32
      %add3A_113 = arith.addi %add3A_100, %add3A_112 : i32
      %lt3A_114 = arith.constant 125 : i32
      %lt3A_115 = arith.cmpi slt, %add3A_113, %lt3A_114 : i32
      %convert_element_type3A_116 = arith.extui %lt3A_115 : i1 to i32
      %cond3A_117 = arith.constant 0 : i32
      %cond3A_118 = arith.cmpi ne, %convert_element_type3A_116, %cond3A_117 : i32
      scf.if %cond3A_118 {
        %add3A_143 = arith.constant 2 : i32
        %add3A_144 = arith.addi %add3A_100, %add3A_143 : i32
        %dma_start3A_145 = arith.constant 0 : i32
        %dma_start3A_146 = arith.constant 0 : i32
        %dma_start3A_147 = tpu.memref_slice %arg3[%add3A, %add3A_144, %dma_start3A_145, %dma_start3A_146] : memref<32x125x3x80xi32, #tpu.memory_space<hbm>> -> memref<1x1x3x80xi32, #tpu.memory_space<hbm>>
        %dma_start3A_148 = tpu.memref_squeeze %dma_start3A_147 : memref<1x1x3x80xi32, #tpu.memory_space<hbm>> -> memref<3x80xi32, #tpu.memory_space<hbm>>
        %dma_start3A_149 = arith.constant 0 : i32
        %dma_start3A_150 = arith.constant 0 : i32
        %dma_start3A_151 = tpu.memref_slice %arg3[%add3A, %add3A_144, %dma_start3A_149, %dma_start3A_150] : memref<32x125x3x80xi32, #tpu.memory_space<hbm>> -> memref<1x1x3x80xi32, #tpu.memory_space<hbm>>
        %dma_start3A_152 = tpu.memref_squeeze %dma_start3A_151 : memref<1x1x3x80xi32, #tpu.memory_space<hbm>> -> memref<3x80xi32, #tpu.memory_space<hbm>>
        tpu.enqueue_dma source(%dma_start3A_152 : memref<3x80xi32, #tpu.memory_space<hbm>>) target(%arg7 : memref<3x80xi32, #tpu.memory_space<vmem>>) target_semaphore(%arg17 : memref<!tpu.dma_semaphore, #tpu.memory_space<semaphore_mem>>)
      } else {
      }
      %mul3A_119 = arith.constant 2 : i32
      %mul3A_120 = arith.muli %scan3A_95, %mul3A_119 : i32
      %add3A_121 = arith.constant 1 : i32
      %add3A_122 = arith.addi %mul3A_120, %add3A_121 : i32
      %add3A_123 = arith.constant 1 : i32
      %add3A_124 = arith.addi %add3A_122, %add3A_123 : i32
      %lt3A_125 = arith.constant 125 : i32
      %lt3A_126 = arith.cmpi slt, %add3A_124, %lt3A_125 : i32
      %convert_element_type3A_127 = arith.extui %lt3A_126 : i1 to i32
      %cond3A_128 = arith.constant 0 : i32
      %cond3A_129 = arith.cmpi ne, %convert_element_type3A_127, %cond3A_128 : i32
      scf.if %cond3A_129 {
        %add3A_143 = arith.constant 1 : i32
        %add3A_144 = arith.addi %add3A_122, %add3A_143 : i32
        %dma_wait3A_145 = arith.constant 0 : i32
        %dma_wait3A_146 = arith.constant 0 : i32
        %dma_wait3A_147 = tpu.memref_slice %arg3[%add3A, %add3A_144, %dma_wait3A_145, %dma_wait3A_146] : memref<32x125x3x80xi32, #tpu.memory_space<hbm>> -> memref<1x1x3x80xi32, #tpu.memory_space<hbm>>
        %dma_wait3A_148 = tpu.memref_squeeze %dma_wait3A_147 : memref<1x1x3x80xi32, #tpu.memory_space<hbm>> -> memref<3x80xi32, #tpu.memory_space<hbm>>
        %dma_wait3A_149 = arith.constant 0 : i32
        %dma_wait3A_150 = arith.constant 0 : i32
        %dma_wait3A_151 = tpu.memref_slice %arg3[%add3A, %add3A_144, %dma_wait3A_149, %dma_wait3A_150] : memref<32x125x3x80xi32, #tpu.memory_space<hbm>> -> memref<1x1x3x80xi32, #tpu.memory_space<hbm>>
        %dma_wait3A_152 = tpu.memref_squeeze %dma_wait3A_151 : memref<1x1x3x80xi32, #tpu.memory_space<hbm>> -> memref<3x80xi32, #tpu.memory_space<hbm>>
        tpu.wait_dma2 semaphore(%arg17 : memref<!tpu.dma_semaphore, #tpu.memory_space<semaphore_mem>>) src(%dma_wait3A_152 : memref<3x80xi32, #tpu.memory_space<hbm>>) dst(%arg7 : memref<3x80xi32, #tpu.memory_space<vmem>>)
        %ge3A = arith.constant 1 : i32
        %ge3A_153 = arith.cmpi sge, %add3A_122, %ge3A : i32
        %convert_element_type3A_154 = arith.extui %ge3A_153 : i1 to i32
        %cond3A_155 = arith.constant 0 : i32
        %cond3A_156 = arith.cmpi ne, %convert_element_type3A_154, %cond3A_155 : i32
        scf.if %cond3A_156 {
          %dma_wait3A_171 = arith.constant 0 : i32
          %dma_wait3A_172 = arith.constant 0 : i32
          %dma_wait3A_173 = tpu.memref_slice %arg15[%dma_wait3A_171, %dma_wait3A_172] : memref<10112x128xf32, #tpu.memory_space<vmem_shared>> -> memref<10112x128xf32, #tpu.memory_space<vmem_shared>>
          tpu.wait_indirect_dma semaphore(%arg25 : memref<!tpu.dma_semaphore, #tpu.memory_space<semaphore_mem>>) src(%arg13 : memref<80x128xf32, #tpu.memory_space<vmem>>) dst(%dma_wait3A_173 : memref<10112x128xf32, #tpu.memory_space<vmem_shared>>)
          %add3A_174 = arith.constant 1 : i32
          %add3A_175 = arith.addi %add3A_122, %add3A_174 : i32
          %dma_start3A_176 = arith.constant 0 : i32
          %dma_start3A_177 = tpu.memref_slice %arg4[%add3A, %add3A_175, %dma_start3A_176] : memref<32x125x80xi32, #tpu.memory_space<hbm>> -> memref<1x1x80xi32, #tpu.memory_space<hbm>>
          %dma_start3A_178 = tpu.memref_squeeze %dma_start3A_177 : memref<1x1x80xi32, #tpu.memory_space<hbm>> -> memref<80xi32, #tpu.memory_space<hbm>>
          %dma_start3A_179 = arith.constant 0 : i32
          %dma_start3A_180 = tpu.memref_slice %arg4[%add3A, %add3A_175, %dma_start3A_179] : memref<32x125x80xi32, #tpu.memory_space<hbm>> -> memref<1x1x80xi32, #tpu.memory_space<hbm>>
          %dma_start3A_181 = tpu.memref_squeeze %dma_start3A_180 : memref<1x1x80xi32, #tpu.memory_space<hbm>> -> memref<80xi32, #tpu.memory_space<hbm>>
          tpu.enqueue_dma source(%dma_start3A_181 : memref<80xi32, #tpu.memory_space<hbm>>) target(%arg9 : memref<80xi32, #tpu.memory_space<vmem>>) target_semaphore(%arg23 : memref<!tpu.dma_semaphore, #tpu.memory_space<semaphore_mem>>)
        } else {
        }
        %dma_start3A_157 = arith.constant 2 : i32
        %dma_start3A_158 = arith.constant 0 : i32
        %dma_start3A_159 = tpu.memref_slice %arg7[%dma_start3A_157, %dma_start3A_158] : memref<3x80xi32, #tpu.memory_space<vmem>> -> memref<1x80xi32, #tpu.memory_space<vmem>>
        %dma_start3A_160 = tpu.memref_squeeze %dma_start3A_159 : memref<1x80xi32, #tpu.memory_space<vmem>> -> memref<80xi32, #tpu.memory_space<vmem>>
        %dma_start3A_161 = arith.constant 0 : i32
        %dma_start3A_162 = arith.constant 0 : i32
        %dma_start3A_163 = tpu.memref_slice %arg16[%dma_start3A_161, %dma_start3A_162] : memref<17x128xf32, #tpu.memory_space<vmem_shared>> -> memref<17x128xf32, #tpu.memory_space<vmem_shared>>
        tpu.enqueue_indirect_dma source(%dma_start3A_163 : memref<17x128xf32, #tpu.memory_space<vmem_shared>>) target(%arg11 : memref<80x128xf32, #tpu.memory_space<vmem>>) offsets(%dma_start3A_160 : memref<80xi32, #tpu.memory_space<vmem>>) semaphore(%arg21 : memref<!tpu.dma_semaphore, #tpu.memory_space<semaphore_mem>>)
        %dma_start3A_164 = arith.constant 0 : i32
        %dma_start3A_165 = arith.constant 0 : i32
        %dma_start3A_166 = tpu.memref_slice %arg7[%dma_start3A_164, %dma_start3A_165] : memref<3x80xi32, #tpu.memory_space<vmem>> -> memref<1x80xi32, #tpu.memory_space<vmem>>
        %dma_start3A_167 = tpu.memref_squeeze %dma_start3A_166 : memref<1x80xi32, #tpu.memory_space<vmem>> -> memref<80xi32, #tpu.memory_space<vmem>>
        %dma_start3A_168 = arith.constant 0 : i32
        %dma_start3A_169 = arith.constant 0 : i32
        %dma_start3A_170 = tpu.memref_slice %arg2[%dma_start3A_168, %dma_start3A_169] : memref<10000x128xf32, #tpu.memory_space<hbm>> -> memref<10000x128xf32, #tpu.memory_space<hbm>>
        tpu.enqueue_indirect_dma source(%dma_start3A_170 : memref<10000x128xf32, #tpu.memory_space<hbm>>) target(%arg13 : memref<80x128xf32, #tpu.memory_space<vmem>>) offsets(%dma_start3A_167 : memref<80xi32, #tpu.memory_space<vmem>>) semaphore(%arg19 : memref<!tpu.dma_semaphore, #tpu.memory_space<semaphore_mem>>)
      } else {
      }
      %lt3A_130 = arith.constant 125 : i32
      %lt3A_131 = arith.cmpi slt, %add3A_122, %lt3A_130 : i32
      %convert_element_type3A_132 = arith.extui %lt3A_131 : i1 to i32
      %cond3A_133 = arith.constant 0 : i32
      %cond3A_134 = arith.cmpi ne, %convert_element_type3A_132, %cond3A_133 : i32
      scf.if %cond3A_134 {
        %dma_wait3A_143 = arith.constant 0 : i32
        %dma_wait3A_144 = arith.constant 0 : i32
        %dma_wait3A_145 = tpu.memref_slice %arg8[%dma_wait3A_143, %dma_wait3A_144] : memref<3x80xi32, #tpu.memory_space<vmem>> -> memref<1x80xi32, #tpu.memory_space<vmem>>
        %dma_wait3A_146 = tpu.memref_squeeze %dma_wait3A_145 : memref<1x80xi32, #tpu.memory_space<vmem>> -> memref<80xi32, #tpu.memory_space<vmem>>
        %dma_wait3A_147 = arith.constant 0 : i32
        %dma_wait3A_148 = arith.constant 0 : i32
        %dma_wait3A_149 = tpu.memref_slice %arg2[%dma_wait3A_147, %dma_wait3A_148] : memref<10000x128xf32, #tpu.memory_space<hbm>> -> memref<10000x128xf32, #tpu.memory_space<hbm>>
        tpu.wait_indirect_dma semaphore(%arg20 : memref<!tpu.dma_semaphore, #tpu.memory_space<semaphore_mem>>) src(%dma_wait3A_149 : memref<10000x128xf32, #tpu.memory_space<hbm>>) dst(%arg14 : memref<80x128xf32, #tpu.memory_space<vmem>>)
        %dma_wait3A_150 = arith.constant 2 : i32
        %dma_wait3A_151 = arith.constant 0 : i32
        %dma_wait3A_152 = tpu.memref_slice %arg8[%dma_wait3A_150, %dma_wait3A_151] : memref<3x80xi32, #tpu.memory_space<vmem>> -> memref<1x80xi32, #tpu.memory_space<vmem>>
        %dma_wait3A_153 = tpu.memref_squeeze %dma_wait3A_152 : memref<1x80xi32, #tpu.memory_space<vmem>> -> memref<80xi32, #tpu.memory_space<vmem>>
        %dma_wait3A_154 = arith.constant 0 : i32
        %dma_wait3A_155 = arith.constant 0 : i32
        %dma_wait3A_156 = tpu.memref_slice %arg16[%dma_wait3A_154, %dma_wait3A_155] : memref<17x128xf32, #tpu.memory_space<vmem_shared>> -> memref<17x128xf32, #tpu.memory_space<vmem_shared>>
        tpu.wait_indirect_dma semaphore(%arg22 : memref<!tpu.dma_semaphore, #tpu.memory_space<semaphore_mem>>) src(%dma_wait3A_156 : memref<17x128xf32, #tpu.memory_space<vmem_shared>>) dst(%arg12 : memref<80x128xf32, #tpu.memory_space<vmem>>)
        %dma_wait3A_157 = arith.constant 0 : i32
        %dma_wait3A_158 = tpu.memref_slice %arg4[%add3A, %add3A_122, %dma_wait3A_157] : memref<32x125x80xi32, #tpu.memory_space<hbm>> -> memref<1x1x80xi32, #tpu.memory_space<hbm>>
        %dma_wait3A_159 = tpu.memref_squeeze %dma_wait3A_158 : memref<1x1x80xi32, #tpu.memory_space<hbm>> -> memref<80xi32, #tpu.memory_space<hbm>>
        %dma_wait3A_160 = arith.constant 0 : i32
        %dma_wait3A_161 = tpu.memref_slice %arg4[%add3A, %add3A_122, %dma_wait3A_160] : memref<32x125x80xi32, #tpu.memory_space<hbm>> -> memref<1x1x80xi32, #tpu.memory_space<hbm>>
        %dma_wait3A_162 = tpu.memref_squeeze %dma_wait3A_161 : memref<1x1x80xi32, #tpu.memory_space<hbm>> -> memref<80xi32, #tpu.memory_space<hbm>>
        tpu.wait_dma2 semaphore(%arg24 : memref<!tpu.dma_semaphore, #tpu.memory_space<semaphore_mem>>) src(%dma_wait3A_162 : memref<80xi32, #tpu.memory_space<hbm>>) dst(%arg10 : memref<80xi32, #tpu.memory_space<vmem>>)
        %scan3A_163 = arith.constant 0 : i32
        %scan3A_164 = arith.constant 0 : i32
        %scan3A_165 = arith.constant 80 : i32
        %scan3A_166 = arith.addi %scan3A_164, %scan3A_165 : i32
        %scan3A_167 = arith.constant 1 : i32
        %scan3A_168 = scf.for %scan3A_173 = %scan3A_164 to %scan3A_166 step %scan3A_167 iter_args(%scan3A_174 = %scan3A_163) -> (i32)  : i32 {
          %get3A = arith.index_cast %scan3A_173 : i32 to index
          %get3A_175 = arith.constant 0 : index
          %get3A_176 = tpu.vector_load %arg14[%get3A, %get3A_175] {strides = array<i32>} : memref<80x128xf32, #tpu.memory_space<vmem>>, vector<1x16xf32>,
          %get3A_177 = vector.shape_cast %get3A_176 : vector<1x16xf32> to vector<16xf32>
          %get3A_178 = arith.index_cast %scan3A_173 : i32 to index
          %get3A_179 = arith.constant 0 : index
          %get3A_180 = tpu.vector_load %arg12[%get3A_178, %get3A_179] {strides = array<i32>} : memref<80x128xf32, #tpu.memory_space<vmem>>, vector<1x16xf32>,
          %get3A_181 = vector.shape_cast %get3A_180 : vector<1x16xf32> to vector<16xf32>
          %add3A_182 = arith.addf %get3A_177, %get3A_181 : vector<16xf32>
          %max3A = arith.constant 0.000000e+00 : f32
          %max3A_183 = vector.broadcast %max3A : f32 to vector<16xf32>
          %max3A_184 = arith.maximumf %add3A_182, %max3A_183 : vector<16xf32>
          %swap3A = arith.index_cast %scan3A_173 : i32 to index
          %swap3A_185 = arith.constant 0 : index
          %swap3A_186 = tpu.vector_load %arg14[%swap3A, %swap3A_185] {strides = array<i32>} : memref<80x128xf32, #tpu.memory_space<vmem>>, vector<1x16xf32>,
          %swap3A_187 = vector.shape_cast %swap3A_186 : vector<1x16xf32> to vector<16xf32>
          %swap3A_188 = vector.shape_cast %max3A_184 : vector<16xf32> to vector<1x16xf32>
          tpu.vector_store %arg14[%swap3A, %swap3A_185], %swap3A_188 {strides = array<i32>} : memref<80x128xf32, #tpu.memory_space<vmem>>, vector<1x16xf32>,
          %get3A_189 = arith.index_cast %scan3A_173 : i32 to index
          %get3A_190 = arith.constant 16 : index
          %get3A_191 = tpu.vector_load %arg14[%get3A_189, %get3A_190] {strides = array<i32>} : memref<80x128xf32, #tpu.memory_space<vmem>>, vector<1x16xf32>,
          %get3A_192 = vector.shape_cast %get3A_191 : vector<1x16xf32> to vector<16xf32>
          %get3A_193 = arith.index_cast %scan3A_173 : i32 to index
          %get3A_194 = arith.constant 16 : index
          %get3A_195 = tpu.vector_load %arg12[%get3A_193, %get3A_194] {strides = array<i32>} : memref<80x128xf32, #tpu.memory_space<vmem>>, vector<1x16xf32>,
          %get3A_196 = vector.shape_cast %get3A_195 : vector<1x16xf32> to vector<16xf32>
          %add3A_197 = arith.addf %get3A_192, %get3A_196 : vector<16xf32>
          %max3A_198 = arith.constant 0.000000e+00 : f32
          %max3A_199 = vector.broadcast %max3A_198 : f32 to vector<16xf32>
          %max3A_200 = arith.maximumf %add3A_197, %max3A_199 : vector<16xf32>
          %swap3A_201 = arith.index_cast %scan3A_173 : i32 to index
          %swap3A_202 = arith.constant 16 : index
          %swap3A_203 = tpu.vector_load %arg14[%swap3A_201, %swap3A_202] {strides = array<i32>} : memref<80x128xf32, #tpu.memory_space<vmem>>, vector<1x16xf32>,
          %swap3A_204 = vector.shape_cast %swap3A_203 : vector<1x16xf32> to vector<16xf32>
          %swap3A_205 = vector.shape_cast %max3A_200 : vector<16xf32> to vector<1x16xf32>
          tpu.vector_store %arg14[%swap3A_201, %swap3A_202], %swap3A_205 {strides = array<i32>} : memref<80x128xf32, #tpu.memory_space<vmem>>, vector<1x16xf32>,
          %get3A_206 = arith.index_cast %scan3A_173 : i32 to index
          %get3A_207 = arith.constant 32 : index
          %get3A_208 = tpu.vector_load %arg14[%get3A_206, %get3A_207] {strides = array<i32>} : memref<80x128xf32, #tpu.memory_space<vmem>>, vector<1x16xf32>,
          %get3A_209 = vector.shape_cast %get3A_208 : vector<1x16xf32> to vector<16xf32>
          %get3A_210 = arith.index_cast %scan3A_173 : i32 to index
          %get3A_211 = arith.constant 32 : index
          %get3A_212 = tpu.vector_load %arg12[%get3A_210, %get3A_211] {strides = array<i32>} : memref<80x128xf32, #tpu.memory_space<vmem>>, vector<1x16xf32>,
          %get3A_213 = vector.shape_cast %get3A_212 : vector<1x16xf32> to vector<16xf32>
          %add3A_214 = arith.addf %get3A_209, %get3A_213 : vector<16xf32>
          %max3A_215 = arith.constant 0.000000e+00 : f32
          %max3A_216 = vector.broadcast %max3A_215 : f32 to vector<16xf32>
          %max3A_217 = arith.maximumf %add3A_214, %max3A_216 : vector<16xf32>
          %swap3A_218 = arith.index_cast %scan3A_173 : i32 to index
          %swap3A_219 = arith.constant 32 : index
          %swap3A_220 = tpu.vector_load %arg14[%swap3A_218, %swap3A_219] {strides = array<i32>} : memref<80x128xf32, #tpu.memory_space<vmem>>, vector<1x16xf32>,
          %swap3A_221 = vector.shape_cast %swap3A_220 : vector<1x16xf32> to vector<16xf32>
          %swap3A_222 = vector.shape_cast %max3A_217 : vector<16xf32> to vector<1x16xf32>
          tpu.vector_store %arg14[%swap3A_218, %swap3A_219], %swap3A_222 {strides = array<i32>} : memref<80x128xf32, #tpu.memory_space<vmem>>, vector<1x16xf32>,
          %get3A_223 = arith.index_cast %scan3A_173 : i32 to index
          %get3A_224 = arith.constant 48 : index
          %get3A_225 = tpu.vector_load %arg14[%get3A_223, %get3A_224] {strides = array<i32>} : memref<80x128xf32, #tpu.memory_space<vmem>>, vector<1x16xf32>,
          %get3A_226 = vector.shape_cast %get3A_225 : vector<1x16xf32> to vector<16xf32>
          %get3A_227 = arith.index_cast %scan3A_173 : i32 to index
          %get3A_228 = arith.constant 48 : index
          %get3A_229 = tpu.vector_load %arg12[%get3A_227, %get3A_228] {strides = array<i32>} : memref<80x128xf32, #tpu.memory_space<vmem>>, vector<1x16xf32>,
          %get3A_230 = vector.shape_cast %get3A_229 : vector<1x16xf32> to vector<16xf32>
          %add3A_231 = arith.addf %get3A_226, %get3A_230 : vector<16xf32>
          %max3A_232 = arith.constant 0.000000e+00 : f32
          %max3A_233 = vector.broadcast %max3A_232 : f32 to vector<16xf32>
          %max3A_234 = arith.maximumf %add3A_231, %max3A_233 : vector<16xf32>
          %swap3A_235 = arith.index_cast %scan3A_173 : i32 to index
          %swap3A_236 = arith.constant 48 : index
          %swap3A_237 = tpu.vector_load %arg14[%swap3A_235, %swap3A_236] {strides = array<i32>} : memref<80x128xf32, #tpu.memory_space<vmem>>, vector<1x16xf32>,
          %swap3A_238 = vector.shape_cast %swap3A_237 : vector<1x16xf32> to vector<16xf32>
          %swap3A_239 = vector.shape_cast %max3A_234 : vector<16xf32> to vector<1x16xf32>
          tpu.vector_store %arg14[%swap3A_235, %swap3A_236], %swap3A_239 {strides = array<i32>} : memref<80x128xf32, #tpu.memory_space<vmem>>, vector<1x16xf32>,
          %get3A_240 = arith.index_cast %scan3A_173 : i32 to index
          %get3A_241 = arith.constant 64 : index
          %get3A_242 = tpu.vector_load %arg14[%get3A_240, %get3A_241] {strides = array<i32>} : memref<80x128xf32, #tpu.memory_space<vmem>>, vector<1x16xf32>,
          %get3A_243 = vector.shape_cast %get3A_242 : vector<1x16xf32> to vector<16xf32>
          %get3A_244 = arith.index_cast %scan3A_173 : i32 to index
          %get3A_245 = arith.constant 64 : index
          %get3A_246 = tpu.vector_load %arg12[%get3A_244, %get3A_245] {strides = array<i32>} : memref<80x128xf32, #tpu.memory_space<vmem>>, vector<1x16xf32>,
          %get3A_247 = vector.shape_cast %get3A_246 : vector<1x16xf32> to vector<16xf32>
          %add3A_248 = arith.addf %get3A_243, %get3A_247 : vector<16xf32>
          %max3A_249 = arith.constant 0.000000e+00 : f32
          %max3A_250 = vector.broadcast %max3A_249 : f32 to vector<16xf32>
          %max3A_251 = arith.maximumf %add3A_248, %max3A_250 : vector<16xf32>
          %swap3A_252 = arith.index_cast %scan3A_173 : i32 to index
          %swap3A_253 = arith.constant 64 : index
          %swap3A_254 = tpu.vector_load %arg14[%swap3A_252, %swap3A_253] {strides = array<i32>} : memref<80x128xf32, #tpu.memory_space<vmem>>, vector<1x16xf32>,
          %swap3A_255 = vector.shape_cast %swap3A_254 : vector<1x16xf32> to vector<16xf32>
          %swap3A_256 = vector.shape_cast %max3A_251 : vector<16xf32> to vector<1x16xf32>
          tpu.vector_store %arg14[%swap3A_252, %swap3A_253], %swap3A_256 {strides = array<i32>} : memref<80x128xf32, #tpu.memory_space<vmem>>, vector<1x16xf32>,
          %get3A_257 = arith.index_cast %scan3A_173 : i32 to index
          %get3A_258 = arith.constant 80 : index
          %get3A_259 = tpu.vector_load %arg14[%get3A_257, %get3A_258] {strides = array<i32>} : memref<80x128xf32, #tpu.memory_space<vmem>>, vector<1x16xf32>,
          %get3A_260 = vector.shape_cast %get3A_259 : vector<1x16xf32> to vector<16xf32>
          %get3A_261 = arith.index_cast %scan3A_173 : i32 to index
          %get3A_262 = arith.constant 80 : index
          %get3A_263 = tpu.vector_load %arg12[%get3A_261, %get3A_262] {strides = array<i32>} : memref<80x128xf32, #tpu.memory_space<vmem>>, vector<1x16xf32>,
          %get3A_264 = vector.shape_cast %get3A_263 : vector<1x16xf32> to vector<16xf32>
          %add3A_265 = arith.addf %get3A_260, %get3A_264 : vector<16xf32>
          %max3A_266 = arith.constant 0.000000e+00 : f32
          %max3A_267 = vector.broadcast %max3A_266 : f32 to vector<16xf32>
          %max3A_268 = arith.maximumf %add3A_265, %max3A_267 : vector<16xf32>
          %swap3A_269 = arith.index_cast %scan3A_173 : i32 to index
          %swap3A_270 = arith.constant 80 : index
          %swap3A_271 = tpu.vector_load %arg14[%swap3A_269, %swap3A_270] {strides = array<i32>} : memref<80x128xf32, #tpu.memory_space<vmem>>, vector<1x16xf32>,
          %swap3A_272 = vector.shape_cast %swap3A_271 : vector<1x16xf32> to vector<16xf32>
          %swap3A_273 = vector.shape_cast %max3A_268 : vector<16xf32> to vector<1x16xf32>
          tpu.vector_store %arg14[%swap3A_269, %swap3A_270], %swap3A_273 {strides = array<i32>} : memref<80x128xf32, #tpu.memory_space<vmem>>, vector<1x16xf32>,
          %get3A_274 = arith.index_cast %scan3A_173 : i32 to index
          %get3A_275 = arith.constant 96 : index
          %get3A_276 = tpu.vector_load %arg14[%get3A_274, %get3A_275] {strides = array<i32>} : memref<80x128xf32, #tpu.memory_space<vmem>>, vector<1x16xf32>,
          %get3A_277 = vector.shape_cast %get3A_276 : vector<1x16xf32> to vector<16xf32>
          %get3A_278 = arith.index_cast %scan3A_173 : i32 to index
          %get3A_279 = arith.constant 96 : index
          %get3A_280 = tpu.vector_load %arg12[%get3A_278, %get3A_279] {strides = array<i32>} : memref<80x128xf32, #tpu.memory_space<vmem>>, vector<1x16xf32>,
          %get3A_281 = vector.shape_cast %get3A_280 : vector<1x16xf32> to vector<16xf32>
          %add3A_282 = arith.addf %get3A_277, %get3A_281 : vector<16xf32>
          %max3A_283 = arith.constant 0.000000e+00 : f32
          %max3A_284 = vector.broadcast %max3A_283 : f32 to vector<16xf32>
          %max3A_285 = arith.maximumf %add3A_282, %max3A_284 : vector<16xf32>
          %swap3A_286 = arith.index_cast %scan3A_173 : i32 to index
          %swap3A_287 = arith.constant 96 : index
          %swap3A_288 = tpu.vector_load %arg14[%swap3A_286, %swap3A_287] {strides = array<i32>} : memref<80x128xf32, #tpu.memory_space<vmem>>, vector<1x16xf32>,
          %swap3A_289 = vector.shape_cast %swap3A_288 : vector<1x16xf32> to vector<16xf32>
          %swap3A_290 = vector.shape_cast %max3A_285 : vector<16xf32> to vector<1x16xf32>
          tpu.vector_store %arg14[%swap3A_286, %swap3A_287], %swap3A_290 {strides = array<i32>} : memref<80x128xf32, #tpu.memory_space<vmem>>, vector<1x16xf32>,
          %get3A_291 = arith.index_cast %scan3A_173 : i32 to index
          %get3A_292 = arith.constant 112 : index
          %get3A_293 = tpu.vector_load %arg14[%get3A_291, %get3A_292] {strides = array<i32>} : memref<80x128xf32, #tpu.memory_space<vmem>>, vector<1x16xf32>,
          %get3A_294 = vector.shape_cast %get3A_293 : vector<1x16xf32> to vector<16xf32>
          %get3A_295 = arith.index_cast %scan3A_173 : i32 to index
          %get3A_296 = arith.constant 112 : index
          %get3A_297 = tpu.vector_load %arg12[%get3A_295, %get3A_296] {strides = array<i32>} : memref<80x128xf32, #tpu.memory_space<vmem>>, vector<1x16xf32>,
          %get3A_298 = vector.shape_cast %get3A_297 : vector<1x16xf32> to vector<16xf32>
          %add3A_299 = arith.addf %get3A_294, %get3A_298 : vector<16xf32>
          %max3A_300 = arith.constant 0.000000e+00 : f32
          %max3A_301 = vector.broadcast %max3A_300 : f32 to vector<16xf32>
          %max3A_302 = arith.maximumf %add3A_299, %max3A_301 : vector<16xf32>
          %swap3A_303 = arith.index_cast %scan3A_173 : i32 to index
          %swap3A_304 = arith.constant 112 : index
          %swap3A_305 = tpu.vector_load %arg14[%swap3A_303, %swap3A_304] {strides = array<i32>} : memref<80x128xf32, #tpu.memory_space<vmem>>, vector<1x16xf32>,
          %swap3A_306 = vector.shape_cast %swap3A_305 : vector<1x16xf32> to vector<16xf32>
          %swap3A_307 = vector.shape_cast %max3A_302 : vector<16xf32> to vector<1x16xf32>
          tpu.vector_store %arg14[%swap3A_303, %swap3A_304], %swap3A_307 {strides = array<i32>} : memref<80x128xf32, #tpu.memory_space<vmem>>, vector<1x16xf32>,
          %scan3A_308 = arith.constant 0 : i32
          scf.yield %scan3A_308 : i32
        }
        %scan3A_169 = arith.constant 80 : i32
        %dma_start3A_170 = arith.constant 0 : i32
        %dma_start3A_171 = arith.constant 0 : i32
        %dma_start3A_172 = tpu.memref_slice %arg15[%dma_start3A_170, %dma_start3A_171] : memref<10112x128xf32, #tpu.memory_space<vmem_shared>> -> memref<10112x128xf32, #tpu.memory_space<vmem_shared>>
        tpu.enqueue_indirect_dma source(%arg14 : memref<80x128xf32, #tpu.memory_space<vmem>>) target(%dma_start3A_172 : memref<10112x128xf32, #tpu.memory_space<vmem_shared>>) offsets(%arg10 : memref<80xi32, #tpu.memory_space<vmem>>) semaphore(%arg26 : memref<!tpu.dma_semaphore, #tpu.memory_space<semaphore_mem>>) {add = true}
      } else {
      }
      %add3A_135 = arith.constant 2 : i32
      %add3A_136 = arith.addi %add3A_122, %add3A_135 : i32
      %lt3A_137 = arith.constant 125 : i32
      %lt3A_138 = arith.cmpi slt, %add3A_136, %lt3A_137 : i32
      %convert_element_type3A_139 = arith.extui %lt3A_138 : i1 to i32
      %cond3A_140 = arith.constant 0 : i32
      %cond3A_141 = arith.cmpi ne, %convert_element_type3A_139, %cond3A_140 : i32
      scf.if %cond3A_141 {
        %add3A_143 = arith.constant 2 : i32
        %add3A_144 = arith.addi %add3A_122, %add3A_143 : i32
        %dma_start3A_145 = arith.constant 0 : i32
        %dma_start3A_146 = arith.constant 0 : i32
        %dma_start3A_147 = tpu.memref_slice %arg3[%add3A, %add3A_144, %dma_start3A_145, %dma_start3A_146] : memref<32x125x3x80xi32, #tpu.memory_space<hbm>> -> memref<1x1x3x80xi32, #tpu.memory_space<hbm>>
        %dma_start3A_148 = tpu.memref_squeeze %dma_start3A_147 : memref<1x1x3x80xi32, #tpu.memory_space<hbm>> -> memref<3x80xi32, #tpu.memory_space<hbm>>
        %dma_start3A_149 = arith.constant 0 : i32
        %dma_start3A_150 = arith.constant 0 : i32
        %dma_start3A_151 = tpu.memref_slice %arg3[%add3A, %add3A_144, %dma_start3A_149, %dma_start3A_150] : memref<32x125x3x80xi32, #tpu.memory_space<hbm>> -> memref<1x1x3x80xi32, #tpu.memory_space<hbm>>
        %dma_start3A_152 = tpu.memref_squeeze %dma_start3A_151 : memref<1x1x3x80xi32, #tpu.memory_space<hbm>> -> memref<3x80xi32, #tpu.memory_space<hbm>>
        tpu.enqueue_dma source(%dma_start3A_152 : memref<3x80xi32, #tpu.memory_space<hbm>>) target(%arg8 : memref<3x80xi32, #tpu.memory_space<vmem>>) target_semaphore(%arg18 : memref<!tpu.dma_semaphore, #tpu.memory_space<semaphore_mem>>)
      } else {
      }
      %scan3A_142 = arith.constant 0 : i32
      scf.yield %scan3A_142 : i32
    }
    %scan3A_87 = arith.constant 63 : i32
    %dma_wait3A_88 = arith.constant 0 : i32
    %dma_wait3A_89 = arith.constant 0 : i32
    %dma_wait3A_90 = tpu.memref_slice %arg15[%dma_wait3A_88, %dma_wait3A_89] : memref<10112x128xf32, #tpu.memory_space<vmem_shared>> -> memref<10112x128xf32, #tpu.memory_space<vmem_shared>>
    tpu.wait_indirect_dma semaphore(%arg25 : memref<!tpu.dma_semaphore, #tpu.memory_space<semaphore_mem>>) src(%arg13 : memref<80x128xf32, #tpu.memory_space<vmem>>) dst(%dma_wait3A_90 : memref<10112x128xf32, #tpu.memory_space<vmem_shared>>)
    %dma_wait3A_91 = arith.constant 0 : i32
    %dma_wait3A_92 = arith.constant 0 : i32
    %dma_wait3A_93 = tpu.memref_slice %arg15[%dma_wait3A_91, %dma_wait3A_92] : memref<10112x128xf32, #tpu.memory_space<vmem_shared>> -> memref<10112x128xf32, #tpu.memory_space<vmem_shared>>
    tpu.wait_indirect_dma semaphore(%arg26 : memref<!tpu.dma_semaphore, #tpu.memory_space<semaphore_mem>>) src(%arg14 : memref<80x128xf32, #tpu.memory_space<vmem>>) dst(%dma_wait3A_93 : memref<10112x128xf32, #tpu.memory_space<vmem_shared>>)
    %barrier3A_94 = arith.constant 0 : index
    tpu.barrier barrier_id(%barrier3A_94)
    "tpu.region"() ({
      %run_scoped3A = tpu.sem_alloc : memref<!tpu.dma_semaphore, #tpu.memory_space<semaphore_mem>>
      %dma_start3A_95 = arith.constant 0 : i32
      %dma_start3A_96 = tpu.memref_slice %arg6[%arg0, %mul3A_11, %dma_start3A_95] : memref<2x10112x128xf32, #tpu.memory_space<hbm>> -> memref<1x632x128xf32, #tpu.memory_space<hbm>>
      %dma_start3A_97 = tpu.memref_squeeze %dma_start3A_96 : memref<1x632x128xf32, #tpu.memory_space<hbm>> -> memref<632x128xf32, #tpu.memory_space<hbm>>
      %dma_start3A_98 = arith.constant 0 : i32
      %dma_start3A_99 = tpu.memref_slice %arg15[%mul3A_11, %dma_start3A_98] : memref<10112x128xf32, #tpu.memory_space<vmem_shared>> -> memref<632x128xf32, #tpu.memory_space<vmem_shared>>
      tpu.enqueue_dma source(%dma_start3A_99 : memref<632x128xf32, #tpu.memory_space<vmem_shared>>) target(%dma_start3A_97 : memref<632x128xf32, #tpu.memory_space<hbm>>) target_semaphore(%run_scoped3A : memref<!tpu.dma_semaphore, #tpu.memory_space<semaphore_mem>>)
      %dma_wait3A_100 = arith.constant 0 : i32
      %dma_wait3A_101 = tpu.memref_slice %arg6[%arg0, %mul3A_11, %dma_wait3A_100] : memref<2x10112x128xf32, #tpu.memory_space<hbm>> -> memref<1x632x128xf32, #tpu.memory_space<hbm>>
      %dma_wait3A_102 = tpu.memref_squeeze %dma_wait3A_101 : memref<1x632x128xf32, #tpu.memory_space<hbm>> -> memref<632x128xf32, #tpu.memory_space<hbm>>
      %dma_wait3A_103 = arith.constant 0 : i32
      %dma_wait3A_104 = tpu.memref_slice %arg15[%mul3A_11, %dma_wait3A_103] : memref<10112x128xf32, #tpu.memory_space<vmem_shared>> -> memref<632x128xf32, #tpu.memory_space<vmem_shared>>
      tpu.wait_dma2 semaphore(%run_scoped3A : memref<!tpu.dma_semaphore, #tpu.memory_space<semaphore_mem>>) src(%dma_wait3A_104 : memref<632x128xf32, #tpu.memory_space<vmem_shared>>) dst(%dma_wait3A_102 : memref<632x128xf32, #tpu.memory_space<hbm>>)
      tpu.yield
    }) : () -> ()
    return
  }
}

module attributes {stable_mosaic.version = 14 : i64} {
  func.func @body(%arg0: i32, %arg1: memref<2000x128xf32, #tpu.memory_space<vmem>>, %arg2: memref<2000x64xf32, #tpu.memory_space<vmem>>, %arg3: memref<64x128xf32, #tpu.memory_space<vmem>>, %arg4: memref<1x128xf32, #tpu.memory_space<vmem>>, %arg5: memref<2000x128xf32, #tpu.memory_space<vmem>>) attributes {dimension_semantics = [#tpu.dimension_semantics<arbitrary>], iteration_bounds = array<i64: 5>, scalar_prefetch = 0 : i64, scratch_operands = 0 : i64, tpu.core_type = #tpu.core_type<tc>, window_params = [{transform_indices = @transform_0, window_bounds = array<i64: 2000, 128>}, {transform_indices = @transform_1, window_bounds = array<i64: 2000, 64>}, {pipeline_mode = #tpu.pipeline_mode<synchronous>, transform_indices = @transform_2, window_bounds = array<i64: 64, 128>}, {pipeline_mode = #tpu.pipeline_mode<synchronous>, transform_indices = @transform_3, window_bounds = array<i64: 1, 128>}, {transform_indices = @transform_4, window_bounds = array<i64: 2000, 128>}]} {
    %get3A = arith.constant 0 : index
    %get3A_0 = arith.constant 0 : index
    %get3A_1 = vector.load %arg1[%get3A, %get3A_0] : memref<2000x128xf32, #tpu.memory_space<vmem>>, vector<2000x128xf32>
    %get3A_2 = arith.constant 0 : index
    %get3A_3 = arith.constant 0 : index
    %get3A_4 = vector.load %arg2[%get3A_2, %get3A_3] : memref<2000x64xf32, #tpu.memory_space<vmem>>, vector<2000x64xf32>
    %get3A_5 = arith.constant 0 : index
    %get3A_6 = arith.constant 0 : index
    %get3A_7 = vector.load %arg3[%get3A_5, %get3A_6] : memref<64x128xf32, #tpu.memory_space<vmem>>, vector<64x128xf32>
    %dot_general3A = arith.constant dense<0.000000e+00> : vector<2000x128xf32>
    %dot_general3A_8 = tpu.matmul %get3A_4, %get3A_7, %dot_general3A {dimension_numbers = #tpu.dot_dimension_numbers<[1], [0], [0], [1], [0, 0, 1, 1], [], []>, transpose_lhs_hint = false} : vector<2000x64xf32>, vector<64x128xf32>, vector<2000x128xf32> -> vector<2000x128xf32>
    %add3A = arith.addf %get3A_1, %dot_general3A_8 : vector<2000x128xf32>
    %get3A_9 = arith.constant 0 : index
    %get3A_10 = arith.constant 0 : index
    %get3A_11 = vector.load %arg4[%get3A_9, %get3A_10] : memref<1x128xf32, #tpu.memory_space<vmem>>, vector<1x128xf32>
    %add3A_12 = vector.broadcast %get3A_11 : vector<1x128xf32> to vector<2000x128xf32>
    %add3A_13 = arith.addf %add3A, %add3A_12 : vector<2000x128xf32>
    %swap3A = arith.constant 0 : index
    %swap3A_14 = arith.constant 0 : index
    %swap3A_15 = vector.load %arg5[%swap3A, %swap3A_14] : memref<2000x128xf32, #tpu.memory_space<vmem>>, vector<2000x128xf32>
    tpu.vector_store %arg5[%swap3A, %swap3A_14], %add3A_13 {strides = array<i32>} : memref<2000x128xf32, #tpu.memory_space<vmem>>, vector<2000x128xf32>,
    return
  }
  func.func @transform_0(%arg0: i32) -> (i32, i32) {
    %c0_i32 = arith.constant 0 : i32
    %c0_i32_0 = arith.constant 0 : i32
    return %arg0, %c0_i32 : i32, i32
  }
  func.func @transform_1(%arg0: i32) -> (i32, i32) {
    %c0_i32 = arith.constant 0 : i32
    %c0_i32_0 = arith.constant 0 : i32
    return %arg0, %c0_i32 : i32, i32
  }
  func.func @transform_2(%arg0: i32) -> (i32, i32) {
    %c0_i32 = arith.constant 0 : i32
    %c0_i32_0 = arith.constant 0 : i32
    %c0_i32_1 = arith.constant 0 : i32
    return %c0_i32, %c0_i32_0 : i32, i32
  }
  func.func @transform_3(%arg0: i32) -> (i32, i32) {
    %c0_i32 = arith.constant 0 : i32
    %c0_i32_0 = arith.constant 0 : i32
    %c0_i32_1 = arith.constant 0 : i32
    return %c0_i32, %c0_i32_0 : i32, i32
  }
  func.func @transform_4(%arg0: i32) -> (i32, i32) {
    %c0_i32 = arith.constant 0 : i32
    %c0_i32_0 = arith.constant 0 : i32
    return %arg0, %c0_i32 : i32, i32
  }
}

module attributes {stable_mosaic.version = 14 : i64} {
  func.func @body(%arg0: i32, %arg1: memref<2000x128xf32, #tpu.memory_space<vmem>>, %arg2: memref<2x2000x128xf32, #tpu.memory_space<vmem>>, %arg3: memref<1x128xf32, #tpu.memory_space<vmem>>, %arg4: memref<128x128xf32, #tpu.memory_space<vmem>>, %arg5: memref<1x128xf32, #tpu.memory_space<vmem>>, %arg6: memref<2000x64xf32, #tpu.memory_space<vmem>>, %arg7: memref<64x128xf32, #tpu.memory_space<vmem>>, %arg8: memref<1x128xf32, #tpu.memory_space<vmem>>, %arg9: memref<2000x128xf32, #tpu.memory_space<vmem>>) attributes {dimension_semantics = [#tpu.dimension_semantics<arbitrary>], iteration_bounds = array<i64: 5>, scalar_prefetch = 0 : i64, scratch_operands = 0 : i64, tpu.core_type = #tpu.core_type<tc>, window_params = [{transform_indices = @transform_0, window_bounds = array<i64: 2000, 128>}, {transform_indices = @transform_1, window_bounds = array<i64: 2, 2000, 128>}, {pipeline_mode = #tpu.pipeline_mode<synchronous>, transform_indices = @transform_2, window_bounds = array<i64: 1, 128>}, {pipeline_mode = #tpu.pipeline_mode<synchronous>, transform_indices = @transform_3, window_bounds = array<i64: 128, 128>}, {pipeline_mode = #tpu.pipeline_mode<synchronous>, transform_indices = @transform_4, window_bounds = array<i64: 1, 128>}, {transform_indices = @transform_5, window_bounds = array<i64: 2000, 64>}, {pipeline_mode = #tpu.pipeline_mode<synchronous>, transform_indices = @transform_6, window_bounds = array<i64: 64, 128>}, {pipeline_mode = #tpu.pipeline_mode<synchronous>, transform_indices = @transform_7, window_bounds = array<i64: 1, 128>}, {transform_indices = @transform_8, window_bounds = array<i64: 2000, 128>}]} {
    %get3A = arith.constant 0 : index
    %get3A_0 = arith.constant 0 : index
    %get3A_1 = vector.load %arg3[%get3A, %get3A_0] : memref<1x128xf32, #tpu.memory_space<vmem>>, vector<1x128xf32>
    %get3A_2 = arith.constant 0 : index
    %get3A_3 = arith.constant 0 : index
    %get3A_4 = vector.load %arg1[%get3A_2, %get3A_3] : memref<2000x128xf32, #tpu.memory_space<vmem>>, vector<2000x128xf32>
    %mul3A = vector.broadcast %get3A_1 : vector<1x128xf32> to vector<2000x128xf32>
    %mul3A_5 = arith.mulf %mul3A, %get3A_4 : vector<2000x128xf32>
    %get3A_6 = arith.constant 0 : index
    %get3A_7 = arith.constant 0 : index
    %get3A_8 = arith.constant 0 : index
    %get3A_9 = vector.load %arg2[%get3A_6, %get3A_7, %get3A_8] : memref<2x2000x128xf32, #tpu.memory_space<vmem>>, vector<1x2000x128xf32>
    %get3A_10 = vector.shape_cast %get3A_9 : vector<1x2000x128xf32> to vector<2000x128xf32>
    %add3A = arith.addf %mul3A_5, %get3A_10 : vector<2000x128xf32>
    %get3A_11 = arith.constant 1 : index
    %get3A_12 = arith.constant 0 : index
    %get3A_13 = arith.constant 0 : index
    %get3A_14 = vector.load %arg2[%get3A_11, %get3A_12, %get3A_13] : memref<2x2000x128xf32, #tpu.memory_space<vmem>>, vector<1x2000x128xf32>
    %get3A_15 = vector.shape_cast %get3A_14 : vector<1x2000x128xf32> to vector<2000x128xf32>
    %add3A_16 = arith.addf %add3A, %get3A_15 : vector<2000x128xf32>
    %get3A_17 = arith.constant 0 : index
    %get3A_18 = arith.constant 0 : index
    %get3A_19 = vector.load %arg4[%get3A_17, %get3A_18] : memref<128x128xf32, #tpu.memory_space<vmem>>, vector<128x128xf32>
    %dot_general3A = arith.constant dense<0.000000e+00> : vector<2000x128xf32>
    %dot_general3A_20 = tpu.matmul %add3A_16, %get3A_19, %dot_general3A {dimension_numbers = #tpu.dot_dimension_numbers<[1], [0], [0], [1], [0, 0, 1, 1], [], []>, transpose_lhs_hint = false} : vector<2000x128xf32>, vector<128x128xf32>, vector<2000x128xf32> -> vector<2000x128xf32>
    %get3A_21 = arith.constant 0 : index
    %get3A_22 = arith.constant 0 : index
    %get3A_23 = vector.load %arg5[%get3A_21, %get3A_22] : memref<1x128xf32, #tpu.memory_space<vmem>>, vector<1x128xf32>
    %add3A_24 = vector.broadcast %get3A_23 : vector<1x128xf32> to vector<2000x128xf32>
    %add3A_25 = arith.addf %dot_general3A_20, %add3A_24 : vector<2000x128xf32>
    %get3A_26 = arith.constant 0 : index
    %get3A_27 = arith.constant 0 : index
    %get3A_28 = vector.load %arg6[%get3A_26, %get3A_27] : memref<2000x64xf32, #tpu.memory_space<vmem>>, vector<2000x64xf32>
    %get3A_29 = arith.constant 0 : index
    %get3A_30 = arith.constant 0 : index
    %get3A_31 = vector.load %arg7[%get3A_29, %get3A_30] : memref<64x128xf32, #tpu.memory_space<vmem>>, vector<64x128xf32>
    %dot_general3A_32 = arith.constant dense<0.000000e+00> : vector<2000x128xf32>
    %dot_general3A_33 = tpu.matmul %get3A_28, %get3A_31, %dot_general3A_32 {dimension_numbers = #tpu.dot_dimension_numbers<[1], [0], [0], [1], [0, 0, 1, 1], [], []>, transpose_lhs_hint = false} : vector<2000x64xf32>, vector<64x128xf32>, vector<2000x128xf32> -> vector<2000x128xf32>
    %add3A_34 = arith.addf %add3A_25, %dot_general3A_33 : vector<2000x128xf32>
    %get3A_35 = arith.constant 0 : index
    %get3A_36 = arith.constant 0 : index
    %get3A_37 = vector.load %arg8[%get3A_35, %get3A_36] : memref<1x128xf32, #tpu.memory_space<vmem>>, vector<1x128xf32>
    %add3A_38 = vector.broadcast %get3A_37 : vector<1x128xf32> to vector<2000x128xf32>
    %add3A_39 = arith.addf %add3A_34, %add3A_38 : vector<2000x128xf32>
    %swap3A = arith.constant 0 : index
    %swap3A_40 = arith.constant 0 : index
    %swap3A_41 = vector.load %arg9[%swap3A, %swap3A_40] : memref<2000x128xf32, #tpu.memory_space<vmem>>, vector<2000x128xf32>
    tpu.vector_store %arg9[%swap3A, %swap3A_40], %add3A_39 {strides = array<i32>} : memref<2000x128xf32, #tpu.memory_space<vmem>>, vector<2000x128xf32>,
    return
  }
  func.func @transform_0(%arg0: i32) -> (i32, i32) {
    %c0_i32 = arith.constant 0 : i32
    %c0_i32_0 = arith.constant 0 : i32
    return %arg0, %c0_i32 : i32, i32
  }
  func.func @transform_1(%arg0: i32) -> (i32, i32, i32) {
    %c0_i32 = arith.constant 0 : i32
    %c0_i32_0 = arith.constant 0 : i32
    %c0_i32_1 = arith.constant 0 : i32
    return %c0_i32, %arg0, %c0_i32_0 : i32, i32, i32
  }
  func.func @transform_2(%arg0: i32) -> (i32, i32) {
    %c0_i32 = arith.constant 0 : i32
    %c0_i32_0 = arith.constant 0 : i32
    %c0_i32_1 = arith.constant 0 : i32
    return %c0_i32, %c0_i32_0 : i32, i32
  }
  func.func @transform_3(%arg0: i32) -> (i32, i32) {
    %c0_i32 = arith.constant 0 : i32
    %c0_i32_0 = arith.constant 0 : i32
    %c0_i32_1 = arith.constant 0 : i32
    return %c0_i32, %c0_i32_0 : i32, i32
  }
  func.func @transform_4(%arg0: i32) -> (i32, i32) {
    %c0_i32 = arith.constant 0 : i32
    %c0_i32_0 = arith.constant 0 : i32
    %c0_i32_1 = arith.constant 0 : i32
    return %c0_i32, %c0_i32_0 : i32, i32
  }
  func.func @transform_5(%arg0: i32) -> (i32, i32) {
    %c0_i32 = arith.constant 0 : i32
    %c0_i32_0 = arith.constant 0 : i32
    return %arg0, %c0_i32 : i32, i32
  }
  func.func @transform_6(%arg0: i32) -> (i32, i32) {
    %c0_i32 = arith.constant 0 : i32
    %c0_i32_0 = arith.constant 0 : i32
    %c0_i32_1 = arith.constant 0 : i32
    return %c0_i32, %c0_i32_0 : i32, i32
  }
  func.func @transform_7(%arg0: i32) -> (i32, i32) {
    %c0_i32 = arith.constant 0 : i32
    %c0_i32_0 = arith.constant 0 : i32
    %c0_i32_1 = arith.constant 0 : i32
    return %c0_i32, %c0_i32_0 : i32, i32
  }
  func.func @transform_8(%arg0: i32) -> (i32, i32) {
    %c0_i32 = arith.constant 0 : i32
    %c0_i32_0 = arith.constant 0 : i32
    return %arg0, %c0_i32 : i32, i32
  }
}

module attributes {stable_mosaic.version = 14 : i64} {
  func.func @body(%arg0: i32, %arg1: memref<2000x128xf32, #tpu.memory_space<vmem>>, %arg2: memref<2x2000x128xf32, #tpu.memory_space<vmem>>, %arg3: memref<1x128xf32, #tpu.memory_space<vmem>>, %arg4: memref<128x128xf32, #tpu.memory_space<vmem>>, %arg5: memref<1x128xf32, #tpu.memory_space<vmem>>, %arg6: memref<2000x128xf32, #tpu.memory_space<vmem>>) attributes {dimension_semantics = [#tpu.dimension_semantics<arbitrary>], iteration_bounds = array<i64: 5>, scalar_prefetch = 0 : i64, scratch_operands = 0 : i64, tpu.core_type = #tpu.core_type<tc>, window_params = [{transform_indices = @transform_0, window_bounds = array<i64: 2000, 128>}, {transform_indices = @transform_1, window_bounds = array<i64: 2, 2000, 128>}, {pipeline_mode = #tpu.pipeline_mode<synchronous>, transform_indices = @transform_2, window_bounds = array<i64: 1, 128>}, {pipeline_mode = #tpu.pipeline_mode<synchronous>, transform_indices = @transform_3, window_bounds = array<i64: 128, 128>}, {pipeline_mode = #tpu.pipeline_mode<synchronous>, transform_indices = @transform_4, window_bounds = array<i64: 1, 128>}, {transform_indices = @transform_5, window_bounds = array<i64: 2000, 128>}]} {
    %get3A = arith.constant 0 : index
    %get3A_0 = arith.constant 0 : index
    %get3A_1 = vector.load %arg3[%get3A, %get3A_0] : memref<1x128xf32, #tpu.memory_space<vmem>>, vector<1x128xf32>
    %get3A_2 = arith.constant 0 : index
    %get3A_3 = arith.constant 0 : index
    %get3A_4 = vector.load %arg1[%get3A_2, %get3A_3] : memref<2000x128xf32, #tpu.memory_space<vmem>>, vector<2000x128xf32>
    %mul3A = vector.broadcast %get3A_1 : vector<1x128xf32> to vector<2000x128xf32>
    %mul3A_5 = arith.mulf %mul3A, %get3A_4 : vector<2000x128xf32>
    %get3A_6 = arith.constant 0 : index
    %get3A_7 = arith.constant 0 : index
    %get3A_8 = arith.constant 0 : index
    %get3A_9 = vector.load %arg2[%get3A_6, %get3A_7, %get3A_8] : memref<2x2000x128xf32, #tpu.memory_space<vmem>>, vector<1x2000x128xf32>
    %get3A_10 = vector.shape_cast %get3A_9 : vector<1x2000x128xf32> to vector<2000x128xf32>
    %add3A = arith.addf %mul3A_5, %get3A_10 : vector<2000x128xf32>
    %get3A_11 = arith.constant 1 : index
    %get3A_12 = arith.constant 0 : index
    %get3A_13 = arith.constant 0 : index
    %get3A_14 = vector.load %arg2[%get3A_11, %get3A_12, %get3A_13] : memref<2x2000x128xf32, #tpu.memory_space<vmem>>, vector<1x2000x128xf32>
    %get3A_15 = vector.shape_cast %get3A_14 : vector<1x2000x128xf32> to vector<2000x128xf32>
    %add3A_16 = arith.addf %add3A, %get3A_15 : vector<2000x128xf32>
    %get3A_17 = arith.constant 0 : index
    %get3A_18 = arith.constant 0 : index
    %get3A_19 = vector.load %arg4[%get3A_17, %get3A_18] : memref<128x128xf32, #tpu.memory_space<vmem>>, vector<128x128xf32>
    %dot_general3A = arith.constant dense<0.000000e+00> : vector<2000x128xf32>
    %dot_general3A_20 = tpu.matmul %add3A_16, %get3A_19, %dot_general3A {dimension_numbers = #tpu.dot_dimension_numbers<[1], [0], [0], [1], [0, 0, 1, 1], [], []>, transpose_lhs_hint = false} : vector<2000x128xf32>, vector<128x128xf32>, vector<2000x128xf32> -> vector<2000x128xf32>
    %get3A_21 = arith.constant 0 : index
    %get3A_22 = arith.constant 0 : index
    %get3A_23 = vector.load %arg5[%get3A_21, %get3A_22] : memref<1x128xf32, #tpu.memory_space<vmem>>, vector<1x128xf32>
    %add3A_24 = vector.broadcast %get3A_23 : vector<1x128xf32> to vector<2000x128xf32>
    %add3A_25 = arith.addf %dot_general3A_20, %add3A_24 : vector<2000x128xf32>
    %swap3A = arith.constant 0 : index
    %swap3A_26 = arith.constant 0 : index
    %swap3A_27 = vector.load %arg6[%swap3A, %swap3A_26] : memref<2000x128xf32, #tpu.memory_space<vmem>>, vector<2000x128xf32>
    tpu.vector_store %arg6[%swap3A, %swap3A_26], %add3A_25 {strides = array<i32>} : memref<2000x128xf32, #tpu.memory_space<vmem>>, vector<2000x128xf32>,
    return
  }
  func.func @transform_0(%arg0: i32) -> (i32, i32) {
    %c0_i32 = arith.constant 0 : i32
    %c0_i32_0 = arith.constant 0 : i32
    return %arg0, %c0_i32 : i32, i32
  }
  func.func @transform_1(%arg0: i32) -> (i32, i32, i32) {
    %c0_i32 = arith.constant 0 : i32
    %c0_i32_0 = arith.constant 0 : i32
    %c0_i32_1 = arith.constant 0 : i32
    return %c0_i32, %arg0, %c0_i32_0 : i32, i32, i32
  }
  func.func @transform_2(%arg0: i32) -> (i32, i32) {
    %c0_i32 = arith.constant 0 : i32
    %c0_i32_0 = arith.constant 0 : i32
    %c0_i32_1 = arith.constant 0 : i32
    return %c0_i32, %c0_i32_0 : i32, i32
  }
  func.func @transform_3(%arg0: i32) -> (i32, i32) {
    %c0_i32 = arith.constant 0 : i32
    %c0_i32_0 = arith.constant 0 : i32
    %c0_i32_1 = arith.constant 0 : i32
    return %c0_i32, %c0_i32_0 : i32, i32
  }
  func.func @transform_4(%arg0: i32) -> (i32, i32) {
    %c0_i32 = arith.constant 0 : i32
    %c0_i32_0 = arith.constant 0 : i32
    %c0_i32_1 = arith.constant 0 : i32
    return %c0_i32, %c0_i32_0 : i32, i32
  }
  func.func @transform_5(%arg0: i32) -> (i32, i32) {
    %c0_i32 = arith.constant 0 : i32
    %c0_i32_0 = arith.constant 0 : i32
    return %arg0, %c0_i32 : i32, i32
  }
}

</mosaic_0001>

<sc_bundles>
// kernel: kernel.10.cloned.1.call-start
scs
__scs_entry_jumppad:
0x0: {  	(pc) =	sbr.rel $0x88, $3  }
0x1: {  	(tag) =	ssettag $0x0;
	lr =	simm.s32 $0x1  }
0x2: {  	[smem:$0x3F91] =	sst lr;
	_ =	strace $0xD0000000  }
0x3: {  	_ = 	snop  }
0x4: {  	_ = 	snop  }
0x5: {  	_ = 	snop  }
0x6: {  	_ = 	snop  }
0x7: {  	_ = 	snop  }
__scs_overlays_trampoline_lowered:
0x8: {  	[smem:$0x3FA0] =	sst s0  }
0x9: {  	[smem:$0x3FA1] =	sst s1  }
0xa: {  	[smem:$0x3FA2] =	sst s2  }
0xb: {  	[smem:$0x3FA3] =	sst s3  }
0xc: {  	[smem:$0x3FA4] =	sst s4  }
0xd: {  	[smem:$0x3FA5] =	sst s5  }
0xe: {  	[smem:$0x3FA6] =	sst s6  }
0xf: {  	[smem:$0x3FA7] =	sst s7  }
0x10: {  	[smem:$0x3FA8] =	sst s8  }
0x11: {  	[smem:$0x3FA9] =	sst s9;
	s0 =	simm.s32 @!p0 $0x0  }
0x12: {  	s1 =	sld [smem:$0x3F8F];
	s0 =	simm.s32 @p0 $0x1  }
0x13: {  	[smem:$0x3FAA] =	sst s0;
	s0 =	simm.s32 @!p1 $0x0  }
0x14: {  	s2 =	sld [smem:$0x3F8E];
	s0 =	simm.s32 @p1 $0x1  }
0x15: {  	[smem:$0x3FAB] =	sst s0;
	s0 =	simm.s32 @!p2 $0x0  }
0x16: {  	s3 =	sld [smem:$0x3FDB];
	s0 =	simm.s32 @p2 $0x1  }
0x17: {  	s4 =	simm.s32 $0x1BF5;
	[smem:$0x3FAD] =	sst s0  }
0x18: {  	s0 =	sld [smem:$0x3F90];
	_ =	swait.ge [sflag:s4], $0x0  }
0x19: {  	s7 =	sld [smem:$0x3F91]  }
0x1a: {  	s8 =	sadd.s32 $0xFFFFE003, lr  }
0x1b: {  	s9 =	sadd.s32 $0xFFFFFEF7, lr;
	s5 =	simm.s32 $0xFFFFFFFF;
	p2 =	slt.u32 s8, $0xFFFFF086  }
0x1c: {  	p1 =	slt.u32 s9, $0xF7A;
	s5 =	simm.s32 @!p2 $0x0  }
0x1d: {  	s5 =	simm.s32 @p1 $0x1;
	p0 =	seq.s32 s7, s2  }
0x1e: {  	s7 =	smul.u32 @!p0 $0xF7A, s2;
	p2 =	seq.s32 @!p0 s5, $0x0  }
0x1f: {  	s9 =	smul.u32 $0xF7A, s1;
	s8 =	simm.s32 @!p0 $0x1BF5;
	p2 =	por !p2, p0  }
0x20: {  	[sflag:s8] =	ssyncset.s32 @!p0 $0xFFFFF086;
	s6 =	sadd.s32 @!p0 s3, s7;
	s7 =	simm.s32 @!p0 $0x108  }
0x21: {  	s3 =	sadd.s32 s3, s9;
	s6 =	sadd.s32 @!p0 $0x88, s6;
	s7 =	simm.s32 @p2 $0x1082  }
0x22: {  	[simem:s7], [sflag:s8] =	dma.local @!p0 [hbm:s6], $0xF7A  }
0x23: {  	s9 =	sor.u32 $0xD0000000, s2;
	s6 =	simm.s32 $0x108;
	_ =	swait.ge @!p0 [sflag:s8], $0x0  }
0x24: {  	s3 =	sadd.s32 $0x88, s3;
	s6 =	simm.s32 @!p1 $0x1082;
	[sflag:s4] =	ssyncset.s32 $0xFFFFF086  }
0x25: {  	[simem:s6], [sflag:s4] =	dma.local [hbm:s3], $0xF7A  }
0x26: {  	[smem:$0x3F91] =	sst s1;
	(tag) =	ssettag s2;
	_ =	strace s9  }
0x27: {  	s1 =	sld [smem:$0x3FA1]  }
0x28: {  	s2 =	sld [smem:$0x3FA2]  }
0x29: {  	s4 =	sld [smem:$0x3FA4]  }
0x2a: {  	p0 =	seq.s32 s5, $0x0;
	s5 =	sld [smem:$0x3FA5]  }
0x2b: {  	s6 =	sld [smem:$0x3FA6]  }
0x2c: {  	s7 =	sld [smem:$0x3FA7]  }
0x2d: {  	s3 =	simm.s32 $0x108;
	s8 =	sld [smem:$0x3FA8]  }
0x2e: {  	s3 =	simm.s32 @!p0 $0x1082;
	s9 =	sld [smem:$0x3FA9]  }
0x2f: {  	lr =	sadd.s32 s0, s3;
	s0 =	sld [smem:$0x3FA0]  }
0x30: {  	s3 =	sld [smem:$0x3FA3]  }
0x31: {  	[smem:$0x3FAC] =	sst s10  }
0x32: {  	s10 =	sld [smem:$0x3FAA];
	_ =	sdelay $0x3  }
0x33: {  	p0 =	seq.s32 s10, $0x1;
	s10 =	sld [smem:$0x3FAC];
	_ =	sdelay $0x3  }
0x34: {  	[smem:$0x3FAC] =	sst s10  }
0x35: {  	s10 =	sld [smem:$0x3FAB];
	_ =	sdelay $0x3  }
0x36: {  	p1 =	seq.s32 s10, $0x1;
	s10 =	sld [smem:$0x3FAC];
	_ =	sdelay $0x3  }
0x37: {  	[smem:$0x3FAC] =	sst s10  }
0x38: {  	s10 =	sld [smem:$0x3FAD]  }
0x39: {  	_ = 	snop;
	(pc) =	sbr.ind lr, $3  }
0x3a: {  	_ = 	snop  }
0x3b: {  	_ = 	snop  }
0x3c: {  	p2 =	seq.s32 s10, $0x1;
	s10 =	sld [smem:$0x3FAC]  }
0x3d: {  	_ =	shalt  }
0x3e: {  	_ =	shalt  }
0x3f: {  	_ =	shalt  }
0x40: {  	_ =	shalt  }
0x41: {  	_ =	shalt  }
0x42: {  	_ =	shalt  }
0x43: {  	_ =	shalt  }
0x44: {  	_ =	shalt  }
0x45: {  	_ =	shalt  }
0x46: {  	_ =	shalt  }
0x47: {  	_ =	shalt  }
0x48: {  	_ =	shalt  }
0x49: {  	_ =	shalt  }
0x4a: {  	_ =	shalt  }
0x4b: {  	_ =	shalt  }
0x4c: {  	_ =	shalt  }
0x4d: {  	_ =	shalt  }
0x4e: {  	_ =	shalt  }
0x4f: {  	_ =	shalt  }
0x50: {  	_ =	shalt  }
0x51: {  	_ =	shalt  }
0x52: {  	_ =	shalt  }
0x53: {  	_ =	shalt  }
0x54: {  	_ =	shalt  }
0x55: {  	_ =	shalt  }
0x56: {  	_ =	shalt  }
0x57: {  	_ =	shalt  }
0x58: {  	_ =	shalt  }
0x59: {  	_ =	shalt  }
0x5a: {  	_ =	shalt  }
0x5b: {  	_ =	shalt  }
0x5c: {  	_ =	shalt  }
0x5d: {  	_ =	shalt  }
0x5e: {  	_ =	shalt  }
0x5f: {  	_ =	shalt  }
0x60: {  	_ =	shalt  }
0x61: {  	_ =	shalt  }
0x62: {  	_ =	shalt  }
0x63: {  	_ =	shalt  }
0x64: {  	_ =	shalt  }
0x65: {  	_ =	shalt  }
0x66: {  	_ =	shalt  }
0x67: {  	_ =	shalt  }
0x68: {  	_ =	shalt  }
0x69: {  	_ =	shalt  }
0x6a: {  	_ =	shalt  }
0x6b: {  	_ =	shalt  }
0x6c: {  	_ =	shalt  }
0x6d: {  	_ =	shalt  }
0x6e: {  	_ =	shalt  }
0x6f: {  	_ =	shalt  }
0x70: {  	_ =	shalt  }
0x71: {  	_ =	shalt  }
0x72: {  	_ =	shalt  }
0x73: {  	_ =	shalt  }
0x74: {  	_ =	shalt  }
0x75: {  	_ =	shalt  }
0x76: {  	_ =	shalt  }
0x77: {  	_ =	shalt  }
0x78: {  	_ =	shalt  }
0x79: {  	_ =	shalt  }
0x7a: {  	_ =	shalt  }
0x7b: {  	_ =	shalt  }
0x7c: {  	_ =	shalt  }
0x7d: {  	_ =	shalt  }
0x7e: {  	_ =	shalt  }
0x7f: {  	_ =	shalt  }
0x80: {  	_ =	shalt  }
0x81: {  	_ =	shalt  }
0x82: {  	_ =	shalt  }
0x83: {  	_ =	shalt  }
0x84: {  	_ =	shalt  }
0x85: {  	_ =	shalt  }
0x86: {  	_ =	shalt  }
0x87: {  	_ =	shalt  }
.Lfunc_end0:
.L_simem_size_0:
called_computation.1_lowered:
.L_overlay_start_0:
0x88: {  	s2 =	sld [smem:$0x3FD9]  }
0x89: {  	s3 =	sld [smem:$0x3FFE];
	_ =	sdelay $0x1  }
0x8a: {  	s1 =	srdreg.scid  }
0x8b: {  	s0 =	sand.u32 $0x1, s1  }
0x8c: {  	s17 =	sshll.u32 s0, $0xA;
	s2 =	sadd.s32 s3, s2  }
0x8d: {  	s2 =	sadd.s32 s2, s17  }
0x8e: {  	[smem:$0x3FB8] =	sst s2  }
0x8f: {  	_ = 	snop  }
0x90: {  	s2 =	sld [smem:$0x3FBF]  }
0x91: {  	s18 =	sld [smem:$0x3FD0];
	(tm) =	ssettm $0x1  }
0x92: {  	s4 =	sld [smem:$0x3FFB];
	_ =	sdelay $0x3  }
0x93: {  	_ =	strace s4  }
0x94: {  	s4 =	sld [smem:$0x3FFC];
	_ =	sdelay $0x3  }
0x95: {  	_ =	strace s4  }
0x96: {  	s4 =	sld [smem:$0x3FFD];
	_ =	sdelay $0x3  }
0x97: {  	_ =	strace s4  }
0x98: {  	_ =	strace $0x8FFFFFFF  }
0x99: {  	s19 =	sld [smem:$0x3FDB];
	_ =	sdelay $0x1  }
0x9a: {  	s5 =	simm.s32 $_scs_section_size  }
0x9b: {  	s6 =	simm.s32 $_size__tile_overlayer_lowered;
	s7 =	simm.s32 $_tile_overlayer_lowered  }
0x9c: {  	s22 =	simm.s32 $0x1BFF;
	s21 =	sshll.u32 s7, $0x1;
	s4 =	sadd.s32 s5, s19  }
0x9d: {  	s8 =	simm.s32 $0x0;
	s20 =	sshll.u32 s6, $0x1;
	s6 =	sadd.s32 s21, s4  }
0x9e: {  	[timem:s8], [sflag:s22] =	dma.local [hbm:s6], s20  }
0x9f: {  	_ =	swait.ge [sflag:s22], s20  }
0xa0: {  	s5 =	ssub.s32 $0x0, s20;
	[sflag:s22] =	ssyncset.done $0x0  }
0xa1: {  	[sflag:s22] =	ssyncadd.s32 s5;
	_ =	sdelay $0x1  }
0xa2: {  	s23 =	simm.s32 $0x1B8B  }
0xa3: {  	_ =	swait.ge [sflag:s23], $0x1  }
0xa4: {  	[sflag:s23] =	ssyncset.done $0x0  }
0xa5: {  	s25 =	simm.s32 $0x1B8E;
	s24 =	sld [smem:$0x3FFE];
	[sflag:s23] =	ssyncadd.s32 $0xFFFFFFFF  }
0xa6: {  	s26 =	simm.s32 $execute0_lowered;
	[smem:$0x3FD2] =	sst s25  }
0xa7: {  	s6 =	sshll.u32 s26, $0x1;
	_ =	strace $0x80000049;
	[dreg:$0x1] =	wrdreg $0xFFFFFFFF  }
0xa8: {  	s28 =	simm.s32 $_size_execute0_lowered;
	s4 =	sadd.s32 s4, s6;
	[dreg:$0x0] =	wrdreg $0x0  }
0xa9: {  	s6 =	sshll.u32 s28, $0x1;
	[dreg:$0x2] =	wrdreg s4  }
0xaa: {  	[dreg:$0x3] =	wrdreg s6  }
0xab: {  	[dreg:$0x4] =	wrdreg $0xC0  }
0xac: {  	_ =	task [dreg:s8], $0x5FFFF  }
0xad: {  	[dreg:$0x1] =	wrdreg $0xFFFFFFFF  }
0xae: {  	[dreg:$0x0] =	wrdreg $0x60  }
0xaf: {  	[dreg:$0x2] =	wrdreg s18  }
0xb0: {  	[dreg:$0x3] =	wrdreg s24  }
0xb1: {  	[dreg:$0x4] =	wrdreg s2  }
0xb2: {  	[dreg:$0x5] =	wrdreg $0xA5000  }
0xb3: {  	[dreg:$0x6] =	wrdreg $0x1E1000  }
0xb4: {  	[dreg:$0x7] =	wrdreg $0x9  }
0xb5: {  	_ =	task.clear_ibuf [dreg:s8], $0x8FFFF;
	_ =	strace $0x90000049  }
0xb6: {  	s29 =	simm.s32 $0x9;
	_ =	strace $0x8000004B  }
0xb7: {  	_ =	swait.ge [sflag:s29], $0x1  }
0xb8: {  	[sflag:s29] =	ssyncadd.s32 $0xFFFFFFFF  }
0xb9: {  	_ =	strace $0x9000004B  }
0xba: {  	_ =	sfence  }
0xbb: {  	s30 =	sld [smem:$0x0];
	_ =	sdelay $0x2  }
0xbc: {  	s31 =	sshll.u32 s1, $0xD;
	s1 =	sshrl.u32 s1, $0x2  }
0xbd: {  	s3 =	sand.u32 $0x4000, s31;
	s1 =	sadd.s32 s1, s30  }
0xbe: {  	s0 =	sor.u32 s3, s0;
	s1 =	sshll.u32 s1, $0x11  }
0xbf: {  	s0 =	sor.u32 s1, s0  }
0xc0: {  	s0 =	sadd.s32 $0x8F2B, s0  }
0xc1: {  	[sflag:s0] =	ssyncadd.remote.s32 $0x1  }
0xc2: {  	_ =	sfence.sel $0xFFFF  }
0xc3: {  	[dreg:$0x0] =	wrdreg $0xFFFFFFFF;
	(pc) =	sbr.abs _section_cstart, $3  }
0xc4: {  	[dreg:$0x1] =	wrdreg $0xFFFFFFFF  }
0xc5: {  	_ =	task.clear_ibuf [dreg:s8], $0x2FFFF;
	_ =	strace $0x9FFFFFFF  }
0xc6: {  	(tm) =	ssettm $0x7FFFFFFF  }
0xc7: {  	_ =	shalt  }
tec
execute0_lowered:
.L_overlay_start_1:
0x0: {  	(tag) =	ssettag $0x1  }
0x1: {  	s0 =	rddreg [dreg:$0x0]  }
0x2: {  	s1 =	rddreg [dreg:$0x1];
	s3 =	srdreg.scid  }
0x3: {  	s2 =	rddreg [dreg:$0x3];
	s12 =	stileid.u32  }
0x4: {  	s5 =	rddreg [dreg:$0x4];
	s6 =	simm.s32 $0x0;
	s28 =	simm.s32 $0x5500  }
0x5: {  	s29 =	simm.s32 $0xB;
	s31 =	simm.s32 $0x400;
	s30 =	simm.s32 $0x50  }
0x6: {  	s14 =	simm.s32 $0x6;
	s3 =	sand.u32 $0x1, s3;
	s7 =	smul.u32 $0x13C00, s12  }
0x7: {  	[smem:$0x7FF] =	sst s6;
	s9 =	smul.u32 $0x4F000, s12;
	s8 =	sadd.s32 $0x2600, s1  }
0x8: {  	s10 =	sshll.u32 s12, $0x1;
	p0 =	sne.s32 s12, $0x0;
	s12 =	simm.s32 $0x7  }
0x9: {  	s4 =	smul.u32 $0x13C000, s3;
	_ =	strace $0x8000004A;
	s9 =	sshrl.u32 s9, $0x2  }
0xa: {  	s15 =	ssub.s32 $0x2, s3;
	s3 =	sor.u32 s3, s10;
	s9 =	sadd.s32 s9, s2  }
0xb: {  	s10 =	simm.s32 $0x5;
	s11 =	sshrl.u32 s15, $0x1;
	s16 =	sadd.s32 $0x2800, s9  }
0xc: {  	s24 =	sshll.u32 s3, $0xB;
	s17 =	sadd.s32 $0x5000, s9;
	[dreg:$0x6] =	wrdreg s16  }
0xd: {  	s4 =	sadd.s32 s7, s4;
	s18 =	sadd.s32 $0x7800, s9;
	[dreg:$0x7] =	wrdreg s17  }
0xe: {  	s7 =	sadd.s32 $0x12600, s1;
	s19 =	sadd.s32 $0xA000, s9;
	[dreg:$0x8] =	wrdreg s18  }
0xf: {  	s4 =	sshrl.u32 s4, $0x3;
	s20 =	sadd.s32 $0xC800, s9;
	[dreg:$0x9] =	wrdreg s19  }
0x10: {  	s21 =	sadd.s32 $0xF000, s9;
	s13 =	sadd.s32 $0x11800, s9;
	[dreg:$0xa] =	wrdreg s20  }
0x11: {  	s1 =	sadd.s32 s4, s1;
	s4 =	ssub.s32 s15, s11;
	[dreg:$0xb] =	wrdreg s21  }
0x12: {  	s11 =	smul.u32 $0xFA00, s3;
	[dreg:$0xc] =	wrdreg s13;
	s20 =	sshll.u32 s3, $0xE  }
0x13: {  	s21 =	sadd.s32 s8, s24;
	s3 =	simm.s32 $0x480;
	s15 =	simm.s32 $0x8  }
0x14: {  	s16 =	simm.s32 $0x7D00;
	s17 =	simm.s32 $0x9;
	s25 =	sadd.s32 $0x10, s21  }
0x15: {  	s19 =	simm.s32 $0xA;
	s1 =	sadd.s32 $0x50E00, s1;
	[dreg:$0xf] =	wrdreg s25  }
.Ltmp0:
0x16: {  	s26 =	smax.u32 s4, $0x1;
	[dreg:$0x10] =	wrdreg s1;
	(pc) =	sbr.rel .LBB2_1-.Ltmp0, $4  }
0x17: {  	s22 =	sshrl.u32 s11, $0x3;
	[dreg:$0x11] =	wrdreg s26;
	s1 =	sshrl.u32 @!p0 s5, $0x3  }
0x18: {  	s4 =	simm.s32 $0x3;
	s23 =	sadd.s32 s7, s22;
	[dreg:$0x12] =	wrdreg s1  }
0x19: {  	s1 =	simm.s32 $0x1;
	[dreg:$0xd] =	wrdreg s23;
	s13 =	sadd.s32 $0x40, s23  }
0x1a: {  	v0 =	vimm.f32 $0.0e+00;
	s23 =	sadd.s32 $0x600, s11;
	[dreg:$0xe] =	wrdreg s13;
	s13 =	simm.s32 $0x4  }
.LBB2_11:
0x1b: {  	_ =	swait.ge [sflag:s17], $0x2800  }
0x1c: {  	[sflag:s17] =	ssyncset.done $0x0  }
0x1d: {  	[sflag:s17] =	ssyncadd.s32 $0xFFFFD800  }
0x1e: {  	_ =	swait.ge [sflag:s19], $0x2800  }
0x1f: {  	[sflag:s19] =	ssyncset.done $0x0  }
0x20: {  	s18 =	stileid.u32;
	[sflag:s19] =	ssyncadd.s32 $0xFFFFD800  }
0x21: {  	s18 =	sshll.u32 s18, $0x6;
	[bflag:$0x0] =	sbarrier.arrive $0xFFFF  }
0x22: {  	s22 =	sshrl.u32 s9, $0x3;
	s18 =	sor.u32 $0x1C0B, s18;
	s24 =	rddreg [dreg:$0x10]  }
0x23: {  	[hbm:s24], [sflag:s18] =	dma.local [spmem:s22], $0x2780  }
0x24: {  	_ =	swait.ge [sflag:s29], $0x2780  }
0x25: {  	s6 =	sadd.s32 $0x1, s6;
	s26 =	rddreg [dreg:$0x11]  }
0x26: {  	p1 =	sne.s32 s6, s26  }
.Ltmp1:
0x27: {  	_ = 	snop;
	(pc) =	sbr.rel @!p1 .LBB2_12-.Ltmp1, $3  }
0x28: {  	_ =	sdelay $0x1  }
0x29: {  	[sflag:s29] =	ssyncset.done $0x0  }
0x2a: {  	[sflag:s29] =	ssyncadd.s32 $0xFFFFD880  }
.LBB2_1:
0x2b: {  	s18 =	rddreg [dreg:$0x2]  }
0x2c: {  	s22 =	simm.s32 @!p0 $0x1C0B;
	s24 =	rddreg [dreg:$0x12]  }
0x2d: {  	[spmem:s24], [sflag:s22] =	dma.local @!p0 [hbm:s18], $0x110  }
0x2e: {  	s22 =	simm.s32 @!p0 $0xB  }
0x2f: {  	_ =	swait.ge @!p0 [sflag:s22], $0x110  }
0x30: {  	[sflag:s22] =	ssyncset.done @!p0 $0x0  }
0x31: {  	s24 =	simm.s32 $0x200;
	[sflag:s22] =	ssyncadd.s32 @!p0 $0xFFFFFEF0;
	s22 =	simm.s32 $0x0  }
.LBB2_2:
0x32: {  	p1 =	sne.s32 s24, $0x9E00;
	[tilespmem:s22+$0x5570] =	vst v0  }
0x33: {  	[tilespmem:s22+$0x5500] =	vst v0  }
0x34: {  	[tilespmem:s22+$0x5510] =	vst v0  }
.Ltmp2:
0x35: {  	[tilespmem:s22+$0x5520] =	vst v0;
	(pc) =	sbr.rel @p1 .LBB2_2-.Ltmp2, $4  }
0x36: {  	[tilespmem:s22+$0x5530] =	vst v0  }
0x37: {  	[tilespmem:s22+$0x5540] =	vst v0  }
0x38: {  	[tilespmem:s22+$0x5550] =	vst v0  }
0x39: {  	[tilespmem:s22+$0x5560] =	vst v0;
	s22 =	sshra.s32 s24, $0x2;
	s24 =	sadd.s32 $0x200, s24  }
0x3a: {  	[tilespmem:s22+$0x5570] =	vst v0  }
0x3b: {  	[tilespmem:s22+$0x5500] =	vst v0  }
0x3c: {  	[tilespmem:s22+$0x5510] =	vst v0  }
0x3d: {  	[tilespmem:s22+$0x5520] =	vst v0  }
0x3e: {  	[tilespmem:s22+$0x5530] =	vst v0  }
0x3f: {  	[tilespmem:s22+$0x5540] =	vst v0  }
0x40: {  	[tilespmem:s22+$0x5550] =	vst v0  }
0x41: {  	[tilespmem:s22+$0x5560] =	vst v0  }
0x42: {  	[spmem:s9] =	stream.linear.scatter [tilespmem:s28], [sflag:$0xB], $0x2800, $0x38;
	[tilespmem:$0x1E188] =	vst v63  }
0x43: {  	_ =	swait.ge [sflag:s29], $0x2800  }
0x44: {  	[sflag:s29] =	ssyncset.done $0x0  }
0x45: {  	s18 =	rddreg [dreg:$0x6];
	[sflag:s29] =	ssyncadd.s32 $0xFFFFD800  }
0x46: {  	[spmem:s18] =	stream.linear.scatter [tilespmem:s28], [sflag:$0xB], $0x2800, $0x38;
	[tilespmem:$0x1E188] =	vst v63  }
0x47: {  	_ =	swait.ge [sflag:s29], $0x2800  }
0x48: {  	[sflag:s29] =	ssyncset.done $0x0  }
0x49: {  	s22 =	rddreg [dreg:$0x7];
	[sflag:s29] =	ssyncadd.s32 $0xFFFFD800  }
0x4a: {  	[spmem:s22] =	stream.linear.scatter [tilespmem:s28], [sflag:$0xB], $0x2800, $0x38;
	[tilespmem:$0x1E188] =	vst v63  }
0x4b: {  	_ =	swait.ge [sflag:s29], $0x2800  }
0x4c: {  	[sflag:s29] =	ssyncset.done $0x0  }
0x4d: {  	s24 =	rddreg [dreg:$0x8];
	[sflag:s29] =	ssyncadd.s32 $0xFFFFD800  }
0x4e: {  	[spmem:s24] =	stream.linear.scatter [tilespmem:s28], [sflag:$0xB], $0x2800, $0x38;
	[tilespmem:$0x1E188] =	vst v63  }
0x4f: {  	_ =	swait.ge [sflag:s29], $0x2800  }
0x50: {  	[sflag:s29] =	ssyncset.done $0x0  }
0x51: {  	s25 =	rddreg [dreg:$0x9];
	[sflag:s29] =	ssyncadd.s32 $0xFFFFD800  }
0x52: {  	[spmem:s25] =	stream.linear.scatter [tilespmem:s28], [sflag:$0xB], $0x2800, $0x38;
	[tilespmem:$0x1E188] =	vst v63  }
0x53: {  	_ =	swait.ge [sflag:s29], $0x2800  }
0x54: {  	[sflag:s29] =	ssyncset.done $0x0  }
0x55: {  	s26 =	rddreg [dreg:$0xa];
	[sflag:s29] =	ssyncadd.s32 $0xFFFFD800  }
0x56: {  	[spmem:s26] =	stream.linear.scatter [tilespmem:s28], [sflag:$0xB], $0x2800, $0x38;
	[tilespmem:$0x1E188] =	vst v63  }
0x57: {  	_ =	swait.ge [sflag:s29], $0x2800  }
0x58: {  	[sflag:s29] =	ssyncset.done $0x0  }
0x59: {  	s22 =	rddreg [dreg:$0xb];
	[sflag:s29] =	ssyncadd.s32 $0xFFFFD800  }
0x5a: {  	[spmem:s22] =	stream.linear.scatter [tilespmem:s28], [sflag:$0xB], $0x2800, $0x38;
	[tilespmem:$0x1E188] =	vst v63  }
0x5b: {  	_ =	swait.ge [sflag:s29], $0x2800  }
0x5c: {  	[sflag:s29] =	ssyncset.done $0x0  }
0x5d: {  	s24 =	rddreg [dreg:$0xc];
	[sflag:s29] =	ssyncadd.s32 $0xFFFFD800  }
0x5e: {  	[spmem:s24] =	stream.linear.scatter [tilespmem:s28], [sflag:$0xB], $0x2400, $0x38;
	[tilespmem:$0x1E188] =	vst v63  }
0x5f: {  	_ =	swait.ge [sflag:s29], $0x2400  }
0x60: {  	[sflag:s29] =	ssyncset.done $0x0  }
0x61: {  	[sflag:s29] =	ssyncadd.s32 $0xFFFFDC00  }
0x62: {  	[bflag:$0x0] =	sbarrier.arrive $0xFFFF  }
0x63: {  	s22 =	simm.s32 $0x0;
	s25 =	rddreg [dreg:$0xd]  }
0x64: {  	[tilespmem:s22], [sflag:$0x1] =	stream.linear.gather [hbm4b:s25+s22], $0x180, $0x38;
	[tilespmem:$0x1E188] =	vst v63  }
0x65: {  	s24 =	simm.s32 $0x200;
	s26 =	rddreg [dreg:$0xe]  }
0x66: {  	[tilespmem:s24], [sflag:$0x2] =	stream.linear.gather [hbm4b:s26+s22], $0x180, $0x38;
	[tilespmem:$0x1E188] =	vst v63  }
0x67: {  	_ = 	snop  }
0x68: {  	[tilespmem:s31], [sflag:$0x7] =	stream.linear.gather [hbm4b:s21+s22], $0x80, $0x38;
	[tilespmem:$0x1E188] =	vst v63  }
0x69: {  	s24 =	rddreg [dreg:$0xf]  }
0x6a: {  	[tilespmem:s3], [sflag:$0x8] =	stream.linear.gather [hbm4b:s24+s22], $0x80, $0x38;
	[tilespmem:$0x1E188] =	vst v63  }
0x6b: {  	_ =	swait.ge [sflag:s1], $0x180  }
.Ltmp3:
0x6c: {  	[sflag:s1] =	ssyncset.done $0x0;
	(pc) =	sbr.rel .LBB2_4-.Ltmp3, $4  }
0x6d: {  	s25 =	simm.s32 $0x100;
	s26 =	simm.s32 $0x500;
	[sflag:s1] =	ssyncadd.s32 $0xFFFFFE80  }
0x6e: {  	[tilespmem:s26], [sflag:$0x5] =	stream.indirect.gather [spmem:s5], $0x80, s25, s30, $0xb8;
	[tilespmem:$0x1E188] =	vst v63  }
0x6f: {  	_ = 	snop  }
0x70: {  	[tilespmem:s28], [sflag:$0x3] =	stream.indirect.gather [hbm4b:s0+s30], $0x80, s22, s30, $0xb8;
	[tilespmem:$0x1E188] =	vst v63  }
.LBB2_10:
0x71: {  	p1 =	sgt.u32 s22, $0x3C  }
0x72: {  	s18 =	sshll.u32 @!p1 s22, $0xA  }
0x73: {  	s18 =	sadd.s32 @!p1 s18, s23  }
0x74: {  	s24 =	simm.s32 @!p1 $0x0;
	s18 =	sshrl.u32 @!p1 s18, $0x3  }
0x75: {  	s25 =	simm.s32 @!p1 $0x200;
	s22 =	sadd.s32 $0x1, s22;
	s18 =	sadd.s32 @!p1 s7, s18  }
0x76: {  	[tilespmem:s25], [sflag:$0x2] =	stream.linear.gather @!p1 [hbm4b:s18+s24], $0x180, $0x38;
	[tilespmem:$0x1E188] =	vst v63  }
0x77: {  	p1 =	sne.s32 s22, $0x3F  }
.Ltmp4:
0x78: {  	_ = 	snop;
	(pc) =	sbr.rel @!p1 .LBB2_11-.Ltmp4, $1  }
0x79: {  	_ =	sdelay $0x3  }
.LBB2_4:
0x7a: {  	s24 =	sshllo.u32 s22, $0x1  }
0x7b: {  	p1 =	sgt.u32 s24, $0x7C  }
0x7c: {  	s25 =	simm.s32 @!p1 $0x2  }
0x7d: {  	p2 =	seq.s32 @!p1 s22, $0x0;
	_ =	swait.ge @!p1 [sflag:s25], $0x180  }
0x7e: {  	p2 =	por p2, p1;
	[sflag:s25] =	ssyncset.done @!p1 $0x0  }
0x7f: {  	s24 =	sshll.u32 @!p2 s24, $0x7;
	[sflag:s25] =	ssyncadd.s32 @!p1 $0xFFFFFE80;
	s25 =	sshll.u32 @!p2 s22, $0x8  }
0x80: {  	s24 =	sand.u32 @!p2 $0x380, s24;
	s25 =	sand.u32 @!p2 $0x3C00, s25  }
0x81: {  	s26 =	simm.s32 @!p2 $0xA;
	s24 =	sor.u32 @!p2 s24, s25  }
0x82: {  	_ =	swait.ge @!p2 [sflag:s26], $0x2800;
	s24 =	sor.u32 @!p2 s20, s24  }
0x83: {  	[sflag:s26] =	ssyncset.done @!p2 $0x0;
	s25 =	simm.s32 @!p2 $0x0;
	s24 =	sshrl.u32 @!p2 s24, $0x3  }
0x84: {  	[sflag:s26] =	ssyncadd.s32 @!p2 $0xFFFFD800;
	s26 =	simm.s32 @!p2 $0x480;
	s24 =	sadd.s32 @!p2 s8, s24  }
0x85: {  	[tilespmem:s26], [sflag:$0x8] =	stream.linear.gather @!p2 [hbm4b:s24+s25], $0x80, $0x38;
	[tilespmem:$0x1E188] =	vst v63  }
0x86: {  	s24 =	simm.s32 @!p1 $0x50;
	s25 =	simm.s32 @!p1 $0x300;
	s26 =	simm.s32 @!p1 $0x2D00  }
0x87: {  	[tilespmem:s26], [sflag:$0x6] =	stream.indirect.gather @!p1 [spmem:s5], $0x80, s25, s24, $0xb8;
	[tilespmem:$0x1E188] =	vst v63  }
0x88: {  	s25 =	simm.s32 @!p1 $0x200;
	s26 =	simm.s32 @!p1 $0x7D00  }
0x89: {  	[tilespmem:s26], [sflag:$0x4] =	stream.indirect.gather @!p1 [hbm4b:s0+s24], $0x80, s25, s24, $0xb8;
	[tilespmem:$0x1E188] =	vst v63  }
0x8a: {  	_ =	swait.ge [sflag:s4], $0x2800  }
0x8b: {  	[sflag:s4] =	ssyncset.done $0x0  }
0x8c: {  	[sflag:s4] =	ssyncadd.s32 $0xFFFFD800  }
0x8d: {  	_ =	swait.ge [sflag:s10], $0x2800  }
0x8e: {  	[sflag:s10] =	ssyncset.done $0x0  }
0x8f: {  	[sflag:s10] =	ssyncadd.s32 $0xFFFFD800  }
0x90: {  	_ =	swait.ge [sflag:s12], $0x80  }
0x91: {  	[sflag:s12] =	ssyncset.done $0x0  }
0x92: {  	s24 =	simm.s32 $0x0;
	[sflag:s12] =	ssyncadd.s32 $0xFFFFFF80  }
0x93: {  	v7 =	vld [tilespmem:s24+$0x500]  }
0x94: {  	v12 =	vld [tilespmem:s24+$0x510]  }
0x95: {  	v6 =	vld [tilespmem:s24+$0x520]  }
0x96: {  	v5 =	vld [tilespmem:s24+$0x530]  }
0x97: {  	v4 =	vld [tilespmem:s24+$0x540]  }
0x98: {  	v3 =	vld [tilespmem:s24+$0x550]  }
0x99: {  	v2 =	vld [tilespmem:s24+$0x560]  }
0x9a: {  	v1 =	vld [tilespmem:s24+$0x570]  }
0x9b: {  	v13 =	vld [tilespmem:s24+$0x5500]  }
0x9c: {  	v14 =	vld [tilespmem:s24+$0x5510]  }
0x9d: {  	v11 =	vld [tilespmem:s24+$0x5520]  }
0x9e: {  	v10 =	vld [tilespmem:s24+$0x5530]  }
0x9f: {  	v9 =	vld [tilespmem:s24+$0x5540]  }
0xa0: {  	v8 =	vld [tilespmem:s24+$0x5550];
	v13 =	vadd.f32 v7, v13  }
0xa1: {  	s25 =	sshll.u32 s22, $0x1;
	s26 =	simm.s32 $0x200;
	v12 =	vadd.f32 v12, v14;
	v7 =	vld [tilespmem:s24+$0x5560]  }
.LBB2_5:
0xa2: {  	s18 =	sshra.s32 s26, $0x2;
	p2 =	sne.s32 s26, $0x9E00;
	v13 =	vmax.f32 v13, $0.0e+00;
	v6 =	vadd.f32 v6, v11;
	v11 =	vld [tilespmem:s24+$0x5570]  }
0xa3: {  	v14 =	vld [tilespmem:s18+$0x500];
	[tilespmem:s24+$0x5500] =	vst v13;
	v12 =	vmax.f32 v12, $0.0e+00;
	v5 =	vadd.f32 v5, v10  }
0xa4: {  	v15 =	vld [tilespmem:s18+$0x510];
	[tilespmem:s24+$0x5510] =	vst v12;
	v10 =	vmax.f32 v6, $0.0e+00;
	v4 =	vadd.f32 v4, v9  }
0xa5: {  	v6 =	vld [tilespmem:s18+$0x520];
	[tilespmem:s24+$0x5520] =	vst v10;
	v9 =	vmax.f32 v5, $0.0e+00;
	v3 =	vadd.f32 v3, v8  }
0xa6: {  	v5 =	vld [tilespmem:s18+$0x530];
	[tilespmem:s24+$0x5530] =	vst v9;
	v8 =	vmax.f32 v4, $0.0e+00;
	v2 =	vadd.f32 v2, v7  }
0xa7: {  	v4 =	vld [tilespmem:s18+$0x540];
	[tilespmem:s24+$0x5540] =	vst v8;
	v7 =	vmax.f32 v3, $0.0e+00;
	v1 =	vadd.f32 v1, v11  }
0xa8: {  	v3 =	vld [tilespmem:s18+$0x550];
	[tilespmem:s24+$0x5550] =	vst v7;
	v7 =	vmax.f32 v2, $0.0e+00  }
0xa9: {  	v2 =	vld [tilespmem:s18+$0x560];
	[tilespmem:s24+$0x5560] =	vst v7;
	v7 =	vmax.f32 v1, $0.0e+00  }
0xaa: {  	v1 =	vld [tilespmem:s18+$0x570];
	[tilespmem:s24+$0x5570] =	vst v7;
	s24 =	smov.u32 s18  }
0xab: {  	v7 =	vld [tilespmem:s24+$0x5500]  }
0xac: {  	v12 =	vld [tilespmem:s24+$0x5510]  }
.Ltmp5:
0xad: {  	v11 =	vld [tilespmem:s24+$0x5520];
	(pc) =	sbr.rel @p2 .LBB2_5-.Ltmp5, $4  }
0xae: {  	v10 =	vld [tilespmem:s24+$0x5530]  }
0xaf: {  	v9 =	vld [tilespmem:s24+$0x5540]  }
0xb0: {  	v13 =	vadd.f32 v14, v7;
	v8 =	vld [tilespmem:s24+$0x5550]  }
0xb1: {  	s26 =	sadd.s32 $0x200, s26;
	v12 =	vadd.f32 v15, v12;
	v7 =	vld [tilespmem:s24+$0x5560]  }
0xb2: {  	v13 =	vmax.f32 v13, $0.0e+00;
	v6 =	vadd.f32 v6, v11;
	v63 =	vld [tilespmem:s24+$0x5570]  }
0xb3: {  	[tilespmem:s24+$0x5500] =	vst v13;
	v12 =	vmax.f32 v12, $0.0e+00;
	v5 =	vadd.f32 v5, v10  }
0xb4: {  	[tilespmem:s24+$0x5510] =	vst v12;
	v6 =	vmax.f32 v6, $0.0e+00;
	v4 =	vadd.f32 v4, v9  }
0xb5: {  	[tilespmem:s24+$0x5520] =	vst v6;
	v5 =	vmax.f32 v5, $0.0e+00;
	v3 =	vadd.f32 v3, v8  }
0xb6: {  	[tilespmem:s24+$0x5530] =	vst v5;
	v4 =	vmax.f32 v4, $0.0e+00;
	v2 =	vadd.f32 v2, v7  }
0xb7: {  	[tilespmem:s24+$0x5540] =	vst v4;
	v3 =	vmax.f32 v3, $0.0e+00;
	v1 =	vadd.f32 v1, v63  }
0xb8: {  	p2 =	seq.s32 s22, $0x3E;
	[tilespmem:s24+$0x5550] =	vst v3;
	v2 =	vmax.f32 v2, $0.0e+00  }
0xb9: {  	s18 =	sadd.s32 @!p2 $0x2, s25;
	[tilespmem:s24+$0x5560] =	vst v2;
	v1 =	vmax.f32 v1, $0.0e+00  }
0xba: {  	[tilespmem:s24+$0x5570] =	vst v1;
	s24 =	sshll.u32 @!p2 s18, $0x9  }
0xbb: {  	[spmem:s2] =	stream.indirect.scatter.add.f32 [tilespmem:s28], [sflag:$0x9], $0x80, s31, s30, $0xb8;
	[tilespmem:$0x1E188] =	vst v63  }
0xbc: {  	s24 =	sadd.s32 @!p2 s11, s24  }
0xbd: {  	s24 =	sshrl.u32 @!p2 s24, $0x3  }
0xbe: {  	s25 =	simm.s32 @!p2 $0x0;
	s24 =	sadd.s32 @!p2 s7, s24  }
0xbf: {  	[tilespmem:s25], [sflag:$0x1] =	stream.linear.gather @!p2 [hbm4b:s24+s25], $0x180, $0x38;
	[tilespmem:$0x1E188] =	vst v63  }
0xc0: {  	s24 =	simm.s32 @!p2 $0x1  }
0xc1: {  	_ =	swait.ge @!p2 [sflag:s24], $0x180  }
0xc2: {  	s18 =	sshll.u32 @!p2 s18, $0x7;
	[sflag:s24] =	ssyncset.done @!p2 $0x0  }
0xc3: {  	[sflag:s24] =	ssyncadd.s32 @!p2 $0xFFFFFE80;
	s24 =	sand.u32 @!p2 $0x7C00, s18  }
0xc4: {  	s26 =	simm.s32 @!p2 $0x9;
	s18 =	sand.u32 @!p2 $0x300, s18;
	s24 =	sadd.s32 @!p2 s20, s24  }
0xc5: {  	_ =	swait.ge @!p2 [sflag:s26], $0x2800;
	s18 =	sor.u32 @!p2 s18, s24  }
0xc6: {  	[sflag:s26] =	ssyncset.done @!p2 $0x0;
	s18 =	sshrl.u32 @!p2 s18, $0x3  }
0xc7: {  	s24 =	simm.s32 @!p2 $0x400;
	[sflag:s26] =	ssyncadd.s32 @!p2 $0xFFFFD800;
	s18 =	sadd.s32 @!p2 s8, s18  }
0xc8: {  	[tilespmem:s24], [sflag:$0x7] =	stream.linear.gather @!p2 [hbm4b:s18+s25], $0x80, $0x38;
	[tilespmem:$0x1E188] =	vst v63  }
.Ltmp6:
0xc9: {  	_ = 	snop;
	(pc) =	sbr.rel @p1 .LBB2_10-.Ltmp6, $4  }
0xca: {  	s26 =	simm.s32 @!p2 $0x500;
	s18 =	simm.s32 @!p2 $0x50;
	s24 =	simm.s32 @!p2 $0x100  }
0xcb: {  	[tilespmem:s26], [sflag:$0x5] =	stream.indirect.gather @!p2 [spmem:s5], $0x80, s24, s18, $0xb8;
	[tilespmem:$0x1E188] =	vst v63  }
0xcc: {  	s24 =	simm.s32 @!p2 $0x5500  }
0xcd: {  	[tilespmem:s24], [sflag:$0x3] =	stream.indirect.gather @!p2 [hbm4b:s0+s18], $0x80, s25, s18, $0xb8;
	[tilespmem:$0x1E188] =	vst v63  }
0xce: {  	_ =	swait.ge [sflag:s13], $0x2800  }
0xcf: {  	[sflag:s13] =	ssyncset.done $0x0  }
0xd0: {  	[sflag:s13] =	ssyncadd.s32 $0xFFFFD800  }
0xd1: {  	_ =	swait.ge [sflag:s14], $0x2800  }
0xd2: {  	[sflag:s14] =	ssyncset.done $0x0  }
0xd3: {  	[sflag:s14] =	ssyncadd.s32 $0xFFFFD800  }
0xd4: {  	_ =	swait.ge [sflag:s15], $0x80  }
0xd5: {  	[sflag:s15] =	ssyncset.done $0x0  }
0xd6: {  	s24 =	simm.s32 $0x0;
	[sflag:s15] =	ssyncadd.s32 $0xFFFFFF80  }
0xd7: {  	v7 =	vld [tilespmem:s24+$0x2D00]  }
0xd8: {  	v12 =	vld [tilespmem:s24+$0x2D10]  }
0xd9: {  	v6 =	vld [tilespmem:s24+$0x2D20]  }
0xda: {  	v5 =	vld [tilespmem:s24+$0x2D30]  }
0xdb: {  	v4 =	vld [tilespmem:s24+$0x2D40]  }
0xdc: {  	v3 =	vld [tilespmem:s24+$0x2D50]  }
0xdd: {  	v2 =	vld [tilespmem:s24+$0x2D60]  }
0xde: {  	v1 =	vld [tilespmem:s24+$0x2D70]  }
0xdf: {  	v13 =	vld [tilespmem:s24+$0x7D00]  }
0xe0: {  	v14 =	vld [tilespmem:s24+$0x7D10]  }
0xe1: {  	v11 =	vld [tilespmem:s24+$0x7D20]  }
0xe2: {  	v10 =	vld [tilespmem:s24+$0x7D30]  }
0xe3: {  	v9 =	vld [tilespmem:s24+$0x7D40]  }
0xe4: {  	v8 =	vld [tilespmem:s24+$0x7D50];
	v13 =	vadd.f32 v7, v13  }
0xe5: {  	s25 =	simm.s32 $0x200;
	v12 =	vadd.f32 v12, v14;
	v7 =	vld [tilespmem:s24+$0x7D60]  }
.LBB2_8:
0xe6: {  	s18 =	sshra.s32 s25, $0x2;
	p1 =	sne.s32 s25, $0x9E00;
	v13 =	vmax.f32 v13, $0.0e+00;
	v6 =	vadd.f32 v6, v11;
	v11 =	vld [tilespmem:s24+$0x7D70]  }
0xe7: {  	v14 =	vld [tilespmem:s18+$0x2D00];
	[tilespmem:s24+$0x7D00] =	vst v13;
	v12 =	vmax.f32 v12, $0.0e+00;
	v5 =	vadd.f32 v5, v10  }
0xe8: {  	v15 =	vld [tilespmem:s18+$0x2D10];
	[tilespmem:s24+$0x7D10] =	vst v12;
	v10 =	vmax.f32 v6, $0.0e+00;
	v4 =	vadd.f32 v4, v9  }
0xe9: {  	v6 =	vld [tilespmem:s18+$0x2D20];
	[tilespmem:s24+$0x7D20] =	vst v10;
	v9 =	vmax.f32 v5, $0.0e+00;
	v3 =	vadd.f32 v3, v8  }
0xea: {  	v5 =	vld [tilespmem:s18+$0x2D30];
	[tilespmem:s24+$0x7D30] =	vst v9;
	v8 =	vmax.f32 v4, $0.0e+00;
	v2 =	vadd.f32 v2, v7  }
0xeb: {  	v4 =	vld [tilespmem:s18+$0x2D40];
	[tilespmem:s24+$0x7D40] =	vst v8;
	v7 =	vmax.f32 v3, $0.0e+00;
	v1 =	vadd.f32 v1, v11  }
0xec: {  	v3 =	vld [tilespmem:s18+$0x2D50];
	[tilespmem:s24+$0x7D50] =	vst v7;
	v7 =	vmax.f32 v2, $0.0e+00  }
0xed: {  	v2 =	vld [tilespmem:s18+$0x2D60];
	[tilespmem:s24+$0x7D60] =	vst v7;
	v7 =	vmax.f32 v1, $0.0e+00  }
0xee: {  	v1 =	vld [tilespmem:s18+$0x2D70];
	[tilespmem:s24+$0x7D70] =	vst v7;
	s24 =	smov.u32 s18  }
0xef: {  	v7 =	vld [tilespmem:s24+$0x7D00]  }
0xf0: {  	v12 =	vld [tilespmem:s24+$0x7D10]  }
.Ltmp7:
0xf1: {  	v11 =	vld [tilespmem:s24+$0x7D20];
	(pc) =	sbr.rel @p1 .LBB2_8-.Ltmp7, $4  }
0xf2: {  	v10 =	vld [tilespmem:s24+$0x7D30]  }
0xf3: {  	v9 =	vld [tilespmem:s24+$0x7D40]  }
0xf4: {  	v13 =	vadd.f32 v14, v7;
	v8 =	vld [tilespmem:s24+$0x7D50]  }
0xf5: {  	s25 =	sadd.s32 $0x200, s25;
	v12 =	vadd.f32 v15, v12;
	v7 =	vld [tilespmem:s24+$0x7D60]  }
0xf6: {  	v13 =	vmax.f32 v13, $0.0e+00;
	v6 =	vadd.f32 v6, v11;
	v63 =	vld [tilespmem:s24+$0x7D70]  }
0xf7: {  	[tilespmem:s24+$0x7D00] =	vst v13;
	v12 =	vmax.f32 v12, $0.0e+00;
	v5 =	vadd.f32 v5, v10  }
0xf8: {  	[tilespmem:s24+$0x7D10] =	vst v12;
	v6 =	vmax.f32 v6, $0.0e+00;
	v4 =	vadd.f32 v4, v9  }
0xf9: {  	[tilespmem:s24+$0x7D20] =	vst v6;
	v5 =	vmax.f32 v5, $0.0e+00;
	v3 =	vadd.f32 v3, v8  }
0xfa: {  	[tilespmem:s24+$0x7D30] =	vst v5;
	v4 =	vmax.f32 v4, $0.0e+00;
	v2 =	vadd.f32 v2, v7  }
.Ltmp8:
0xfb: {  	[tilespmem:s24+$0x7D40] =	vst v4;
	v3 =	vmax.f32 v3, $0.0e+00;
	v1 =	vadd.f32 v1, v63;
	(pc) =	sbr.rel .LBB2_10-.Ltmp8, $4  }
0xfc: {  	[tilespmem:s24+$0x7D50] =	vst v3;
	v2 =	vmax.f32 v2, $0.0e+00  }
0xfd: {  	[tilespmem:s24+$0x7D60] =	vst v2;
	v1 =	vmax.f32 v1, $0.0e+00  }
0xfe: {  	[tilespmem:s24+$0x7D70] =	vst v1  }
0xff: {  	[spmem:s2] =	stream.indirect.scatter.add.f32 [tilespmem:s16], [sflag:$0xA], $0x80, s3, s30, $0xb8;
	[tilespmem:$0x1E188] =	vst v63  }
.LBB2_12:
0x100: {  	_ =	sfence.sel $0x180000  }
0x101: {  	[bflag:$0x0] =	sbarrier.arrive $0xFFFF  }
0x102: {  	_ =	strace $0x9000004A  }
0x103: {  	[bflag:$0x2] =	sbarrier.arrive $0xFFFF  }
0x104: {  	s0 =	rddreg [dreg:$0x5]  }
0x105: {  	s0 =	sadd.s32 @!p0 $0x100000, s0  }
0x106: {  	[sflag:s0] =	ssyncadd.tile.s32 @!p0 $0x1;
	_ =	shalt  }
.Lfunc_end2:
_tile_overlayer_lowered:
.L_overlay_start_2:
0x107: {  	(tag) =	ssettag $0x2  }
0x108: {  	s0 =	rddreg [dreg:$0x0];
	s2 =	stileid.u32  }
0x109: {  	s1 =	rddreg [dreg:$0x1];
	p0 =	sne.s32 s2, $0x0  }
0x10a: {  	s3 =	rddreg [dreg:$0x2];
	[bflag:$0x3] =	sbarrier.arrive $0xFFFF;
	s2 =	simm.s32 @!p0 $0x1C0B  }
0x10b: {  	[timem:s3], [sflag:s2] =	dma.local @!p0 [hbm:s0], s1  }
0x10c: {  	s0 =	simm.s32 @!p0 $0xB  }
0x10d: {  	_ =	swait.ge @!p0 [sflag:s0], s1  }
0x10e: {  	s1 =	ssub.s32 @!p0 $0x0, s1;
	[sflag:s0] =	ssyncset.done @!p0 $0x0  }
0x10f: {  	[sflag:s0] =	ssyncadd.s32 @!p0 s1  }
0x110: {  	[bflag:$0x3] =	sbarrier.arrive $0xFFFF  }
0x111: {  	_ =	shalt  }

// kernel: kernel.7.cloned.1.call-start
scs
__scs_entry_jumppad:
0x0: {  	(pc) =	sbr.rel $0x88, $3  }
0x1: {  	(tag) =	ssettag $0x0;
	lr =	simm.s32 $0x1  }
0x2: {  	[smem:$0x3F91] =	sst lr;
	_ =	strace $0xD0000000  }
0x3: {  	_ = 	snop  }
0x4: {  	_ = 	snop  }
0x5: {  	_ = 	snop  }
0x6: {  	_ = 	snop  }
0x7: {  	_ = 	snop  }
__scs_overlays_trampoline_lowered:
0x8: {  	[smem:$0x3FA0] =	sst s0  }
0x9: {  	[smem:$0x3FA1] =	sst s1  }
0xa: {  	[smem:$0x3FA2] =	sst s2  }
0xb: {  	[smem:$0x3FA3] =	sst s3  }
0xc: {  	[smem:$0x3FA4] =	sst s4  }
0xd: {  	[smem:$0x3FA5] =	sst s5  }
0xe: {  	[smem:$0x3FA6] =	sst s6  }
0xf: {  	[smem:$0x3FA7] =	sst s7  }
0x10: {  	[smem:$0x3FA8] =	sst s8  }
0x11: {  	[smem:$0x3FA9] =	sst s9;
	s0 =	simm.s32 @!p0 $0x0  }
0x12: {  	s1 =	sld [smem:$0x3F8F];
	s0 =	simm.s32 @p0 $0x1  }
0x13: {  	[smem:$0x3FAA] =	sst s0;
	s0 =	simm.s32 @!p1 $0x0  }
0x14: {  	s2 =	sld [smem:$0x3F8E];
	s0 =	simm.s32 @p1 $0x1  }
0x15: {  	[smem:$0x3FAB] =	sst s0;
	s0 =	simm.s32 @!p2 $0x0  }
0x16: {  	s3 =	sld [smem:$0x3FDB];
	s0 =	simm.s32 @p2 $0x1  }
0x17: {  	s4 =	simm.s32 $0x1BF5;
	[smem:$0x3FAD] =	sst s0  }
0x18: {  	s0 =	sld [smem:$0x3F90];
	_ =	swait.ge [sflag:s4], $0x0  }
0x19: {  	s7 =	sld [smem:$0x3F91]  }
0x1a: {  	s8 =	sadd.s32 $0xFFFFE003, lr  }
0x1b: {  	s9 =	sadd.s32 $0xFFFFFEF7, lr;
	s5 =	simm.s32 $0xFFFFFFFF;
	p2 =	slt.u32 s8, $0xFFFFF086  }
0x1c: {  	p1 =	slt.u32 s9, $0xF7A;
	s5 =	simm.s32 @!p2 $0x0  }
0x1d: {  	s5 =	simm.s32 @p1 $0x1;
	p0 =	seq.s32 s7, s2  }
0x1e: {  	s7 =	smul.u32 @!p0 $0xF7A, s2;
	p2 =	seq.s32 @!p0 s5, $0x0  }
0x1f: {  	s9 =	smul.u32 $0xF7A, s1;
	s8 =	simm.s32 @!p0 $0x1BF5;
	p2 =	por !p2, p0  }
0x20: {  	[sflag:s8] =	ssyncset.s32 @!p0 $0xFFFFF086;
	s6 =	sadd.s32 @!p0 s3, s7;
	s7 =	simm.s32 @!p0 $0x108  }
0x21: {  	s3 =	sadd.s32 s3, s9;
	s6 =	sadd.s32 @!p0 $0x88, s6;
	s7 =	simm.s32 @p2 $0x1082  }
0x22: {  	[simem:s7], [sflag:s8] =	dma.local @!p0 [hbm:s6], $0xF7A  }
0x23: {  	s9 =	sor.u32 $0xD0000000, s2;
	s6 =	simm.s32 $0x108;
	_ =	swait.ge @!p0 [sflag:s8], $0x0  }
0x24: {  	s3 =	sadd.s32 $0x88, s3;
	s6 =	simm.s32 @!p1 $0x1082;
	[sflag:s4] =	ssyncset.s32 $0xFFFFF086  }
0x25: {  	[simem:s6], [sflag:s4] =	dma.local [hbm:s3], $0xF7A  }
0x26: {  	[smem:$0x3F91] =	sst s1;
	(tag) =	ssettag s2;
	_ =	strace s9  }
0x27: {  	s1 =	sld [smem:$0x3FA1]  }
0x28: {  	s2 =	sld [smem:$0x3FA2]  }
0x29: {  	s4 =	sld [smem:$0x3FA4]  }
0x2a: {  	p0 =	seq.s32 s5, $0x0;
	s5 =	sld [smem:$0x3FA5]  }
0x2b: {  	s6 =	sld [smem:$0x3FA6]  }
0x2c: {  	s7 =	sld [smem:$0x3FA7]  }
0x2d: {  	s3 =	simm.s32 $0x108;
	s8 =	sld [smem:$0x3FA8]  }
0x2e: {  	s3 =	simm.s32 @!p0 $0x1082;
	s9 =	sld [smem:$0x3FA9]  }
0x2f: {  	lr =	sadd.s32 s0, s3;
	s0 =	sld [smem:$0x3FA0]  }
0x30: {  	s3 =	sld [smem:$0x3FA3]  }
0x31: {  	[smem:$0x3FAC] =	sst s10  }
0x32: {  	s10 =	sld [smem:$0x3FAA];
	_ =	sdelay $0x3  }
0x33: {  	p0 =	seq.s32 s10, $0x1;
	s10 =	sld [smem:$0x3FAC];
	_ =	sdelay $0x3  }
0x34: {  	[smem:$0x3FAC] =	sst s10  }
0x35: {  	s10 =	sld [smem:$0x3FAB];
	_ =	sdelay $0x3  }
0x36: {  	p1 =	seq.s32 s10, $0x1;
	s10 =	sld [smem:$0x3FAC];
	_ =	sdelay $0x3  }
0x37: {  	[smem:$0x3FAC] =	sst s10  }
0x38: {  	s10 =	sld [smem:$0x3FAD]  }
0x39: {  	_ = 	snop;
	(pc) =	sbr.ind lr, $3  }
0x3a: {  	_ = 	snop  }
0x3b: {  	_ = 	snop  }
0x3c: {  	p2 =	seq.s32 s10, $0x1;
	s10 =	sld [smem:$0x3FAC]  }
0x3d: {  	_ =	shalt  }
0x3e: {  	_ =	shalt  }
0x3f: {  	_ =	shalt  }
0x40: {  	_ =	shalt  }
0x41: {  	_ =	shalt  }
0x42: {  	_ =	shalt  }
0x43: {  	_ =	shalt  }
0x44: {  	_ =	shalt  }
0x45: {  	_ =	shalt  }
0x46: {  	_ =	shalt  }
0x47: {  	_ =	shalt  }
0x48: {  	_ =	shalt  }
0x49: {  	_ =	shalt  }
0x4a: {  	_ =	shalt  }
0x4b: {  	_ =	shalt  }
0x4c: {  	_ =	shalt  }
0x4d: {  	_ =	shalt  }
0x4e: {  	_ =	shalt  }
0x4f: {  	_ =	shalt  }
0x50: {  	_ =	shalt  }
0x51: {  	_ =	shalt  }
0x52: {  	_ =	shalt  }
0x53: {  	_ =	shalt  }
0x54: {  	_ =	shalt  }
0x55: {  	_ =	shalt  }
0x56: {  	_ =	shalt  }
0x57: {  	_ =	shalt  }
0x58: {  	_ =	shalt  }
0x59: {  	_ =	shalt  }
0x5a: {  	_ =	shalt  }
0x5b: {  	_ =	shalt  }
0x5c: {  	_ =	shalt  }
0x5d: {  	_ =	shalt  }
0x5e: {  	_ =	shalt  }
0x5f: {  	_ =	shalt  }
0x60: {  	_ =	shalt  }
0x61: {  	_ =	shalt  }
0x62: {  	_ =	shalt  }
0x63: {  	_ =	shalt  }
0x64: {  	_ =	shalt  }
0x65: {  	_ =	shalt  }
0x66: {  	_ =	shalt  }
0x67: {  	_ =	shalt  }
0x68: {  	_ =	shalt  }
0x69: {  	_ =	shalt  }
0x6a: {  	_ =	shalt  }
0x6b: {  	_ =	shalt  }
0x6c: {  	_ =	shalt  }
0x6d: {  	_ =	shalt  }
0x6e: {  	_ =	shalt  }
0x6f: {  	_ =	shalt  }
0x70: {  	_ =	shalt  }
0x71: {  	_ =	shalt  }
0x72: {  	_ =	shalt  }
0x73: {  	_ =	shalt  }
0x74: {  	_ =	shalt  }
0x75: {  	_ =	shalt  }
0x76: {  	_ =	shalt  }
0x77: {  	_ =	shalt  }
0x78: {  	_ =	shalt  }
0x79: {  	_ =	shalt  }
0x7a: {  	_ =	shalt  }
0x7b: {  	_ =	shalt  }
0x7c: {  	_ =	shalt  }
0x7d: {  	_ =	shalt  }
0x7e: {  	_ =	shalt  }
0x7f: {  	_ =	shalt  }
0x80: {  	_ =	shalt  }
0x81: {  	_ =	shalt  }
0x82: {  	_ =	shalt  }
0x83: {  	_ =	shalt  }
0x84: {  	_ =	shalt  }
0x85: {  	_ =	shalt  }
0x86: {  	_ =	shalt  }
0x87: {  	_ =	shalt  }
.Lfunc_end0:
.L_simem_size_0:
called_computation_lowered:
.L_overlay_start_0:
0x88: {  	s2 =	sld [smem:$0x3FD9]  }
0x89: {  	s3 =	sld [smem:$0x3FFE];
	_ =	sdelay $0x1  }
0x8a: {  	s1 =	srdreg.scid  }
0x8b: {  	s0 =	sand.u32 $0x1, s1  }
0x8c: {  	s17 =	sshll.u32 s0, $0xA;
	s2 =	sadd.s32 s3, s2  }
0x8d: {  	s2 =	sadd.s32 s2, s17  }
0x8e: {  	[smem:$0x3FB8] =	sst s2  }
0x8f: {  	_ = 	snop  }
0x90: {  	s2 =	sld [smem:$0x3FC5]  }
0x91: {  	s18 =	sld [smem:$0x3FD0];
	(tm) =	ssettm $0x1  }
0x92: {  	s4 =	sld [smem:$0x3FFB];
	_ =	sdelay $0x3  }
0x93: {  	_ =	strace s4  }
0x94: {  	s4 =	sld [smem:$0x3FFC];
	_ =	sdelay $0x3  }
0x95: {  	_ =	strace s4  }
0x96: {  	s4 =	sld [smem:$0x3FFD];
	_ =	sdelay $0x3  }
0x97: {  	_ =	strace s4  }
0x98: {  	_ =	strace $0x8FFFFFFF  }
0x99: {  	s19 =	sld [smem:$0x3FDB];
	_ =	sdelay $0x1  }
0x9a: {  	s5 =	simm.s32 $_scs_section_size  }
0x9b: {  	s6 =	simm.s32 $_size__tile_overlayer_lowered;
	s7 =	simm.s32 $_tile_overlayer_lowered  }
0x9c: {  	s22 =	simm.s32 $0x1BFF;
	s21 =	sshll.u32 s7, $0x1;
	s4 =	sadd.s32 s5, s19  }
0x9d: {  	s8 =	simm.s32 $0x0;
	s20 =	sshll.u32 s6, $0x1;
	s6 =	sadd.s32 s21, s4  }
0x9e: {  	[timem:s8], [sflag:s22] =	dma.local [hbm:s6], s20  }
0x9f: {  	_ =	swait.ge [sflag:s22], s20  }
0xa0: {  	s5 =	ssub.s32 $0x0, s20;
	[sflag:s22] =	ssyncset.done $0x0  }
0xa1: {  	[sflag:s22] =	ssyncadd.s32 s5;
	_ =	sdelay $0x1  }
0xa2: {  	s23 =	simm.s32 $0x1B8B  }
0xa3: {  	_ =	swait.ge [sflag:s23], $0x1  }
0xa4: {  	[sflag:s23] =	ssyncset.done $0x0  }
0xa5: {  	s25 =	simm.s32 $0x1B8E;
	s24 =	sld [smem:$0x3FFE];
	[sflag:s23] =	ssyncadd.s32 $0xFFFFFFFF  }
0xa6: {  	s26 =	simm.s32 $execute0_lowered;
	[smem:$0x3FD2] =	sst s25  }
0xa7: {  	s6 =	sshll.u32 s26, $0x1;
	_ =	strace $0x80000046;
	[dreg:$0x1] =	wrdreg $0xFFFFFFFF  }
0xa8: {  	s28 =	simm.s32 $_size_execute0_lowered;
	s4 =	sadd.s32 s4, s6;
	[dreg:$0x0] =	wrdreg $0x0  }
0xa9: {  	s6 =	sshll.u32 s28, $0x1;
	[dreg:$0x2] =	wrdreg s4  }
0xaa: {  	[dreg:$0x3] =	wrdreg s6  }
0xab: {  	[dreg:$0x4] =	wrdreg $0xC0  }
0xac: {  	_ =	task [dreg:s8], $0x5FFFF  }
0xad: {  	[dreg:$0x1] =	wrdreg $0xFFFFFFFF  }
0xae: {  	[dreg:$0x0] =	wrdreg $0x60  }
0xaf: {  	[dreg:$0x2] =	wrdreg s18  }
0xb0: {  	[dreg:$0x3] =	wrdreg s24  }
0xb1: {  	[dreg:$0x4] =	wrdreg s2  }
0xb2: {  	[dreg:$0x5] =	wrdreg $0xA5000  }
0xb3: {  	[dreg:$0x6] =	wrdreg $0x1E1000  }
0xb4: {  	[dreg:$0x7] =	wrdreg $0x9  }
0xb5: {  	_ =	task.clear_ibuf [dreg:s8], $0x8FFFF;
	_ =	strace $0x90000046  }
0xb6: {  	s29 =	simm.s32 $0x9;
	_ =	strace $0x80000048  }
0xb7: {  	_ =	swait.ge [sflag:s29], $0x1  }
0xb8: {  	[sflag:s29] =	ssyncadd.s32 $0xFFFFFFFF  }
0xb9: {  	_ =	strace $0x90000048  }
0xba: {  	_ =	sfence  }
0xbb: {  	s30 =	sld [smem:$0x0];
	_ =	sdelay $0x2  }
0xbc: {  	s31 =	sshll.u32 s1, $0xD;
	s1 =	sshrl.u32 s1, $0x2  }
0xbd: {  	s3 =	sand.u32 $0x4000, s31;
	s1 =	sadd.s32 s1, s30  }
0xbe: {  	s0 =	sor.u32 s3, s0;
	s1 =	sshll.u32 s1, $0x11  }
0xbf: {  	s0 =	sor.u32 s1, s0  }
0xc0: {  	s0 =	sadd.s32 $0x8F2B, s0  }
0xc1: {  	[sflag:s0] =	ssyncadd.remote.s32 $0x1  }
0xc2: {  	_ =	sfence.sel $0xFFFF  }
0xc3: {  	[dreg:$0x0] =	wrdreg $0xFFFFFFFF;
	(pc) =	sbr.abs _section_cstart, $3  }
0xc4: {  	[dreg:$0x1] =	wrdreg $0xFFFFFFFF  }
0xc5: {  	_ =	task.clear_ibuf [dreg:s8], $0x2FFFF;
	_ =	strace $0x9FFFFFFF  }
0xc6: {  	(tm) =	ssettm $0x7FFFFFFF  }
0xc7: {  	_ =	shalt  }
tec
execute0_lowered:
.L_overlay_start_1:
0x0: {  	(tag) =	ssettag $0x1  }
0x1: {  	s0 =	rddreg [dreg:$0x0]  }
0x2: {  	s1 =	rddreg [dreg:$0x1];
	s3 =	srdreg.scid  }
0x3: {  	s2 =	rddreg [dreg:$0x3];
	s12 =	stileid.u32  }
0x4: {  	s5 =	rddreg [dreg:$0x4];
	s6 =	simm.s32 $0x0;
	s28 =	simm.s32 $0x5500  }
0x5: {  	s29 =	simm.s32 $0xB;
	s31 =	simm.s32 $0x400;
	s30 =	simm.s32 $0x50  }
0x6: {  	s14 =	simm.s32 $0x6;
	s3 =	sand.u32 $0x1, s3;
	s7 =	smul.u32 $0x13C00, s12  }
0x7: {  	[smem:$0x7FF] =	sst s6;
	s9 =	smul.u32 $0x4F000, s12;
	s8 =	sadd.s32 $0x2600, s1  }
0x8: {  	s10 =	sshll.u32 s12, $0x1;
	p0 =	sne.s32 s12, $0x0;
	s12 =	simm.s32 $0x7  }
0x9: {  	s4 =	smul.u32 $0x13C000, s3;
	_ =	strace $0x80000047;
	s9 =	sshrl.u32 s9, $0x2  }
0xa: {  	s15 =	ssub.s32 $0x2, s3;
	s3 =	sor.u32 s3, s10;
	s9 =	sadd.s32 s9, s2  }
0xb: {  	s10 =	simm.s32 $0x5;
	s11 =	sshrl.u32 s15, $0x1;
	s16 =	sadd.s32 $0x2800, s9  }
0xc: {  	s24 =	sshll.u32 s3, $0xB;
	s17 =	sadd.s32 $0x5000, s9;
	[dreg:$0x6] =	wrdreg s16  }
0xd: {  	s4 =	sadd.s32 s7, s4;
	s18 =	sadd.s32 $0x7800, s9;
	[dreg:$0x7] =	wrdreg s17  }
0xe: {  	s7 =	sadd.s32 $0x12600, s1;
	s19 =	sadd.s32 $0xA000, s9;
	[dreg:$0x8] =	wrdreg s18  }
0xf: {  	s4 =	sshrl.u32 s4, $0x3;
	s20 =	sadd.s32 $0xC800, s9;
	[dreg:$0x9] =	wrdreg s19  }
0x10: {  	s21 =	sadd.s32 $0xF000, s9;
	s13 =	sadd.s32 $0x11800, s9;
	[dreg:$0xa] =	wrdreg s20  }
0x11: {  	s1 =	sadd.s32 s4, s1;
	s4 =	ssub.s32 s15, s11;
	[dreg:$0xb] =	wrdreg s21  }
0x12: {  	s11 =	smul.u32 $0xFA00, s3;
	[dreg:$0xc] =	wrdreg s13;
	s20 =	sshll.u32 s3, $0xE  }
0x13: {  	s21 =	sadd.s32 s8, s24;
	s3 =	simm.s32 $0x480;
	s15 =	simm.s32 $0x8  }
0x14: {  	s16 =	simm.s32 $0x7D00;
	s17 =	simm.s32 $0x9;
	s25 =	sadd.s32 $0x10, s21  }
0x15: {  	s19 =	simm.s32 $0xA;
	s1 =	sadd.s32 $0x50E00, s1;
	[dreg:$0xf] =	wrdreg s25  }
.Ltmp0:
0x16: {  	s26 =	smax.u32 s4, $0x1;
	[dreg:$0x10] =	wrdreg s1;
	(pc) =	sbr.rel .LBB2_1-.Ltmp0, $4  }
0x17: {  	s22 =	sshrl.u32 s11, $0x3;
	[dreg:$0x11] =	wrdreg s26;
	s1 =	sshrl.u32 @!p0 s5, $0x3  }
0x18: {  	s4 =	simm.s32 $0x3;
	s23 =	sadd.s32 s7, s22;
	[dreg:$0x12] =	wrdreg s1  }
0x19: {  	s1 =	simm.s32 $0x1;
	[dreg:$0xd] =	wrdreg s23;
	s13 =	sadd.s32 $0x40, s23  }
0x1a: {  	v0 =	vimm.f32 $0.0e+00;
	s23 =	sadd.s32 $0x600, s11;
	[dreg:$0xe] =	wrdreg s13;
	s13 =	simm.s32 $0x4  }
.LBB2_11:
0x1b: {  	_ =	swait.ge [sflag:s17], $0x2800  }
0x1c: {  	[sflag:s17] =	ssyncset.done $0x0  }
0x1d: {  	[sflag:s17] =	ssyncadd.s32 $0xFFFFD800  }
0x1e: {  	_ =	swait.ge [sflag:s19], $0x2800  }
0x1f: {  	[sflag:s19] =	ssyncset.done $0x0  }
0x20: {  	s18 =	stileid.u32;
	[sflag:s19] =	ssyncadd.s32 $0xFFFFD800  }
0x21: {  	s18 =	sshll.u32 s18, $0x6;
	[bflag:$0x0] =	sbarrier.arrive $0xFFFF  }
0x22: {  	s22 =	sshrl.u32 s9, $0x3;
	s18 =	sor.u32 $0x1C0B, s18;
	s24 =	rddreg [dreg:$0x10]  }
0x23: {  	[hbm:s24], [sflag:s18] =	dma.local [spmem:s22], $0x2780  }
0x24: {  	_ =	swait.ge [sflag:s29], $0x2780  }
0x25: {  	s6 =	sadd.s32 $0x1, s6;
	s26 =	rddreg [dreg:$0x11]  }
0x26: {  	p1 =	sne.s32 s6, s26  }
.Ltmp1:
0x27: {  	_ = 	snop;
	(pc) =	sbr.rel @!p1 .LBB2_12-.Ltmp1, $3  }
0x28: {  	_ =	sdelay $0x1  }
0x29: {  	[sflag:s29] =	ssyncset.done $0x0  }
0x2a: {  	[sflag:s29] =	ssyncadd.s32 $0xFFFFD880  }
.LBB2_1:
0x2b: {  	s18 =	rddreg [dreg:$0x2]  }
0x2c: {  	s22 =	simm.s32 @!p0 $0x1C0B;
	s24 =	rddreg [dreg:$0x12]  }
0x2d: {  	[spmem:s24], [sflag:s22] =	dma.local @!p0 [hbm:s18], $0x110  }
0x2e: {  	s22 =	simm.s32 @!p0 $0xB  }
0x2f: {  	_ =	swait.ge @!p0 [sflag:s22], $0x110  }
0x30: {  	[sflag:s22] =	ssyncset.done @!p0 $0x0  }
0x31: {  	s24 =	simm.s32 $0x200;
	[sflag:s22] =	ssyncadd.s32 @!p0 $0xFFFFFEF0;
	s22 =	simm.s32 $0x0  }
.LBB2_2:
0x32: {  	p1 =	sne.s32 s24, $0x9E00;
	[tilespmem:s22+$0x5570] =	vst v0  }
0x33: {  	[tilespmem:s22+$0x5500] =	vst v0  }
0x34: {  	[tilespmem:s22+$0x5510] =	vst v0  }
.Ltmp2:
0x35: {  	[tilespmem:s22+$0x5520] =	vst v0;
	(pc) =	sbr.rel @p1 .LBB2_2-.Ltmp2, $4  }
0x36: {  	[tilespmem:s22+$0x5530] =	vst v0  }
0x37: {  	[tilespmem:s22+$0x5540] =	vst v0  }
0x38: {  	[tilespmem:s22+$0x5550] =	vst v0  }
0x39: {  	[tilespmem:s22+$0x5560] =	vst v0;
	s22 =	sshra.s32 s24, $0x2;
	s24 =	sadd.s32 $0x200, s24  }
0x3a: {  	[tilespmem:s22+$0x5570] =	vst v0  }
0x3b: {  	[tilespmem:s22+$0x5500] =	vst v0  }
0x3c: {  	[tilespmem:s22+$0x5510] =	vst v0  }
0x3d: {  	[tilespmem:s22+$0x5520] =	vst v0  }
0x3e: {  	[tilespmem:s22+$0x5530] =	vst v0  }
0x3f: {  	[tilespmem:s22+$0x5540] =	vst v0  }
0x40: {  	[tilespmem:s22+$0x5550] =	vst v0  }
0x41: {  	[tilespmem:s22+$0x5560] =	vst v0  }
0x42: {  	[spmem:s9] =	stream.linear.scatter [tilespmem:s28], [sflag:$0xB], $0x2800, $0x38;
	[tilespmem:$0x1E188] =	vst v63  }
0x43: {  	_ =	swait.ge [sflag:s29], $0x2800  }
0x44: {  	[sflag:s29] =	ssyncset.done $0x0  }
0x45: {  	s18 =	rddreg [dreg:$0x6];
	[sflag:s29] =	ssyncadd.s32 $0xFFFFD800  }
0x46: {  	[spmem:s18] =	stream.linear.scatter [tilespmem:s28], [sflag:$0xB], $0x2800, $0x38;
	[tilespmem:$0x1E188] =	vst v63  }
0x47: {  	_ =	swait.ge [sflag:s29], $0x2800  }
0x48: {  	[sflag:s29] =	ssyncset.done $0x0  }
0x49: {  	s22 =	rddreg [dreg:$0x7];
	[sflag:s29] =	ssyncadd.s32 $0xFFFFD800  }
0x4a: {  	[spmem:s22] =	stream.linear.scatter [tilespmem:s28], [sflag:$0xB], $0x2800, $0x38;
	[tilespmem:$0x1E188] =	vst v63  }
0x4b: {  	_ =	swait.ge [sflag:s29], $0x2800  }
0x4c: {  	[sflag:s29] =	ssyncset.done $0x0  }
0x4d: {  	s24 =	rddreg [dreg:$0x8];
	[sflag:s29] =	ssyncadd.s32 $0xFFFFD800  }
0x4e: {  	[spmem:s24] =	stream.linear.scatter [tilespmem:s28], [sflag:$0xB], $0x2800, $0x38;
	[tilespmem:$0x1E188] =	vst v63  }
0x4f: {  	_ =	swait.ge [sflag:s29], $0x2800  }
0x50: {  	[sflag:s29] =	ssyncset.done $0x0  }
0x51: {  	s25 =	rddreg [dreg:$0x9];
	[sflag:s29] =	ssyncadd.s32 $0xFFFFD800  }
0x52: {  	[spmem:s25] =	stream.linear.scatter [tilespmem:s28], [sflag:$0xB], $0x2800, $0x38;
	[tilespmem:$0x1E188] =	vst v63  }
0x53: {  	_ =	swait.ge [sflag:s29], $0x2800  }
0x54: {  	[sflag:s29] =	ssyncset.done $0x0  }
0x55: {  	s26 =	rddreg [dreg:$0xa];
	[sflag:s29] =	ssyncadd.s32 $0xFFFFD800  }
0x56: {  	[spmem:s26] =	stream.linear.scatter [tilespmem:s28], [sflag:$0xB], $0x2800, $0x38;
	[tilespmem:$0x1E188] =	vst v63  }
0x57: {  	_ =	swait.ge [sflag:s29], $0x2800  }
0x58: {  	[sflag:s29] =	ssyncset.done $0x0  }
0x59: {  	s22 =	rddreg [dreg:$0xb];
	[sflag:s29] =	ssyncadd.s32 $0xFFFFD800  }
0x5a: {  	[spmem:s22] =	stream.linear.scatter [tilespmem:s28], [sflag:$0xB], $0x2800, $0x38;
	[tilespmem:$0x1E188] =	vst v63  }
0x5b: {  	_ =	swait.ge [sflag:s29], $0x2800  }
0x5c: {  	[sflag:s29] =	ssyncset.done $0x0  }
0x5d: {  	s24 =	rddreg [dreg:$0xc];
	[sflag:s29] =	ssyncadd.s32 $0xFFFFD800  }
0x5e: {  	[spmem:s24] =	stream.linear.scatter [tilespmem:s28], [sflag:$0xB], $0x2400, $0x38;
	[tilespmem:$0x1E188] =	vst v63  }
0x5f: {  	_ =	swait.ge [sflag:s29], $0x2400  }
0x60: {  	[sflag:s29] =	ssyncset.done $0x0  }
0x61: {  	[sflag:s29] =	ssyncadd.s32 $0xFFFFDC00  }
0x62: {  	[bflag:$0x0] =	sbarrier.arrive $0xFFFF  }
0x63: {  	s22 =	simm.s32 $0x0;
	s25 =	rddreg [dreg:$0xd]  }
0x64: {  	[tilespmem:s22], [sflag:$0x1] =	stream.linear.gather [hbm4b:s25+s22], $0x180, $0x38;
	[tilespmem:$0x1E188] =	vst v63  }
0x65: {  	s24 =	simm.s32 $0x200;
	s26 =	rddreg [dreg:$0xe]  }
0x66: {  	[tilespmem:s24], [sflag:$0x2] =	stream.linear.gather [hbm4b:s26+s22], $0x180, $0x38;
	[tilespmem:$0x1E188] =	vst v63  }
0x67: {  	_ = 	snop  }
0x68: {  	[tilespmem:s31], [sflag:$0x7] =	stream.linear.gather [hbm4b:s21+s22], $0x80, $0x38;
	[tilespmem:$0x1E188] =	vst v63  }
0x69: {  	s24 =	rddreg [dreg:$0xf]  }
0x6a: {  	[tilespmem:s3], [sflag:$0x8] =	stream.linear.gather [hbm4b:s24+s22], $0x80, $0x38;
	[tilespmem:$0x1E188] =	vst v63  }
0x6b: {  	_ =	swait.ge [sflag:s1], $0x180  }
.Ltmp3:
0x6c: {  	[sflag:s1] =	ssyncset.done $0x0;
	(pc) =	sbr.rel .LBB2_4-.Ltmp3, $4  }
0x6d: {  	s25 =	simm.s32 $0x100;
	s26 =	simm.s32 $0x500;
	[sflag:s1] =	ssyncadd.s32 $0xFFFFFE80  }
0x6e: {  	[tilespmem:s26], [sflag:$0x5] =	stream.indirect.gather [spmem:s5], $0x80, s25, s30, $0xb8;
	[tilespmem:$0x1E188] =	vst v63  }
0x6f: {  	_ = 	snop  }
0x70: {  	[tilespmem:s28], [sflag:$0x3] =	stream.indirect.gather [hbm4b:s0+s30], $0x80, s22, s30, $0xb8;
	[tilespmem:$0x1E188] =	vst v63  }
.LBB2_10:
0x71: {  	p1 =	sgt.u32 s22, $0x3C  }
0x72: {  	s18 =	sshll.u32 @!p1 s22, $0xA  }
0x73: {  	s18 =	sadd.s32 @!p1 s18, s23  }
0x74: {  	s24 =	simm.s32 @!p1 $0x0;
	s18 =	sshrl.u32 @!p1 s18, $0x3  }
0x75: {  	s25 =	simm.s32 @!p1 $0x200;
	s22 =	sadd.s32 $0x1, s22;
	s18 =	sadd.s32 @!p1 s7, s18  }
0x76: {  	[tilespmem:s25], [sflag:$0x2] =	stream.linear.gather @!p1 [hbm4b:s18+s24], $0x180, $0x38;
	[tilespmem:$0x1E188] =	vst v63  }
0x77: {  	p1 =	sne.s32 s22, $0x3F  }
.Ltmp4:
0x78: {  	_ = 	snop;
	(pc) =	sbr.rel @!p1 .LBB2_11-.Ltmp4, $1  }
0x79: {  	_ =	sdelay $0x3  }
.LBB2_4:
0x7a: {  	s24 =	sshllo.u32 s22, $0x1  }
0x7b: {  	p1 =	sgt.u32 s24, $0x7C  }
0x7c: {  	s25 =	simm.s32 @!p1 $0x2  }
0x7d: {  	p2 =	seq.s32 @!p1 s22, $0x0;
	_ =	swait.ge @!p1 [sflag:s25], $0x180  }
0x7e: {  	p2 =	por p2, p1;
	[sflag:s25] =	ssyncset.done @!p1 $0x0  }
0x7f: {  	s24 =	sshll.u32 @!p2 s24, $0x7;
	[sflag:s25] =	ssyncadd.s32 @!p1 $0xFFFFFE80;
	s25 =	sshll.u32 @!p2 s22, $0x8  }
0x80: {  	s24 =	sand.u32 @!p2 $0x380, s24;
	s25 =	sand.u32 @!p2 $0x3C00, s25  }
0x81: {  	s26 =	simm.s32 @!p2 $0xA;
	s24 =	sor.u32 @!p2 s24, s25  }
0x82: {  	_ =	swait.ge @!p2 [sflag:s26], $0x2800;
	s24 =	sor.u32 @!p2 s20, s24  }
0x83: {  	[sflag:s26] =	ssyncset.done @!p2 $0x0;
	s25 =	simm.s32 @!p2 $0x0;
	s24 =	sshrl.u32 @!p2 s24, $0x3  }
0x84: {  	[sflag:s26] =	ssyncadd.s32 @!p2 $0xFFFFD800;
	s26 =	simm.s32 @!p2 $0x480;
	s24 =	sadd.s32 @!p2 s8, s24  }
0x85: {  	[tilespmem:s26], [sflag:$0x8] =	stream.linear.gather @!p2 [hbm4b:s24+s25], $0x80, $0x38;
	[tilespmem:$0x1E188] =	vst v63  }
0x86: {  	s24 =	simm.s32 @!p1 $0x50;
	s25 =	simm.s32 @!p1 $0x300;
	s26 =	simm.s32 @!p1 $0x2D00  }
0x87: {  	[tilespmem:s26], [sflag:$0x6] =	stream.indirect.gather @!p1 [spmem:s5], $0x80, s25, s24, $0xb8;
	[tilespmem:$0x1E188] =	vst v63  }
0x88: {  	s25 =	simm.s32 @!p1 $0x200;
	s26 =	simm.s32 @!p1 $0x7D00  }
0x89: {  	[tilespmem:s26], [sflag:$0x4] =	stream.indirect.gather @!p1 [hbm4b:s0+s24], $0x80, s25, s24, $0xb8;
	[tilespmem:$0x1E188] =	vst v63  }
0x8a: {  	_ =	swait.ge [sflag:s4], $0x2800  }
0x8b: {  	[sflag:s4] =	ssyncset.done $0x0  }
0x8c: {  	[sflag:s4] =	ssyncadd.s32 $0xFFFFD800  }
0x8d: {  	_ =	swait.ge [sflag:s10], $0x2800  }
0x8e: {  	[sflag:s10] =	ssyncset.done $0x0  }
0x8f: {  	[sflag:s10] =	ssyncadd.s32 $0xFFFFD800  }
0x90: {  	_ =	swait.ge [sflag:s12], $0x80  }
0x91: {  	[sflag:s12] =	ssyncset.done $0x0  }
0x92: {  	s24 =	simm.s32 $0x0;
	[sflag:s12] =	ssyncadd.s32 $0xFFFFFF80  }
0x93: {  	v7 =	vld [tilespmem:s24+$0x500]  }
0x94: {  	v12 =	vld [tilespmem:s24+$0x510]  }
0x95: {  	v6 =	vld [tilespmem:s24+$0x520]  }
0x96: {  	v5 =	vld [tilespmem:s24+$0x530]  }
0x97: {  	v4 =	vld [tilespmem:s24+$0x540]  }
0x98: {  	v3 =	vld [tilespmem:s24+$0x550]  }
0x99: {  	v2 =	vld [tilespmem:s24+$0x560]  }
0x9a: {  	v1 =	vld [tilespmem:s24+$0x570]  }
0x9b: {  	v13 =	vld [tilespmem:s24+$0x5500]  }
0x9c: {  	v14 =	vld [tilespmem:s24+$0x5510]  }
0x9d: {  	v11 =	vld [tilespmem:s24+$0x5520]  }
0x9e: {  	v10 =	vld [tilespmem:s24+$0x5530]  }
0x9f: {  	v9 =	vld [tilespmem:s24+$0x5540]  }
0xa0: {  	v8 =	vld [tilespmem:s24+$0x5550];
	v13 =	vadd.f32 v7, v13  }
0xa1: {  	s25 =	sshll.u32 s22, $0x1;
	s26 =	simm.s32 $0x200;
	v12 =	vadd.f32 v12, v14;
	v7 =	vld [tilespmem:s24+$0x5560]  }
.LBB2_5:
0xa2: {  	s18 =	sshra.s32 s26, $0x2;
	p2 =	sne.s32 s26, $0x9E00;
	v13 =	vmax.f32 v13, $0.0e+00;
	v6 =	vadd.f32 v6, v11;
	v11 =	vld [tilespmem:s24+$0x5570]  }
0xa3: {  	v14 =	vld [tilespmem:s18+$0x500];
	[tilespmem:s24+$0x5500] =	vst v13;
	v12 =	vmax.f32 v12, $0.0e+00;
	v5 =	vadd.f32 v5, v10  }
0xa4: {  	v15 =	vld [tilespmem:s18+$0x510];
	[tilespmem:s24+$0x5510] =	vst v12;
	v10 =	vmax.f32 v6, $0.0e+00;
	v4 =	vadd.f32 v4, v9  }
0xa5: {  	v6 =	vld [tilespmem:s18+$0x520];
	[tilespmem:s24+$0x5520] =	vst v10;
	v9 =	vmax.f32 v5, $0.0e+00;
	v3 =	vadd.f32 v3, v8  }
0xa6: {  	v5 =	vld [tilespmem:s18+$0x530];
	[tilespmem:s24+$0x5530] =	vst v9;
	v8 =	vmax.f32 v4, $0.0e+00;
	v2 =	vadd.f32 v2, v7  }
0xa7: {  	v4 =	vld [tilespmem:s18+$0x540];
	[tilespmem:s24+$0x5540] =	vst v8;
	v7 =	vmax.f32 v3, $0.0e+00;
	v1 =	vadd.f32 v1, v11  }
0xa8: {  	v3 =	vld [tilespmem:s18+$0x550];
	[tilespmem:s24+$0x5550] =	vst v7;
	v7 =	vmax.f32 v2, $0.0e+00  }
0xa9: {  	v2 =	vld [tilespmem:s18+$0x560];
	[tilespmem:s24+$0x5560] =	vst v7;
	v7 =	vmax.f32 v1, $0.0e+00  }
0xaa: {  	v1 =	vld [tilespmem:s18+$0x570];
	[tilespmem:s24+$0x5570] =	vst v7;
	s24 =	smov.u32 s18  }
0xab: {  	v7 =	vld [tilespmem:s24+$0x5500]  }
0xac: {  	v12 =	vld [tilespmem:s24+$0x5510]  }
.Ltmp5:
0xad: {  	v11 =	vld [tilespmem:s24+$0x5520];
	(pc) =	sbr.rel @p2 .LBB2_5-.Ltmp5, $4  }
0xae: {  	v10 =	vld [tilespmem:s24+$0x5530]  }
0xaf: {  	v9 =	vld [tilespmem:s24+$0x5540]  }
0xb0: {  	v13 =	vadd.f32 v14, v7;
	v8 =	vld [tilespmem:s24+$0x5550]  }
0xb1: {  	s26 =	sadd.s32 $0x200, s26;
	v12 =	vadd.f32 v15, v12;
	v7 =	vld [tilespmem:s24+$0x5560]  }
0xb2: {  	v13 =	vmax.f32 v13, $0.0e+00;
	v6 =	vadd.f32 v6, v11;
	v63 =	vld [tilespmem:s24+$0x5570]  }
0xb3: {  	[tilespmem:s24+$0x5500] =	vst v13;
	v12 =	vmax.f32 v12, $0.0e+00;
	v5 =	vadd.f32 v5, v10  }
0xb4: {  	[tilespmem:s24+$0x5510] =	vst v12;
	v6 =	vmax.f32 v6, $0.0e+00;
	v4 =	vadd.f32 v4, v9  }
0xb5: {  	[tilespmem:s24+$0x5520] =	vst v6;
	v5 =	vmax.f32 v5, $0.0e+00;
	v3 =	vadd.f32 v3, v8  }
0xb6: {  	[tilespmem:s24+$0x5530] =	vst v5;
	v4 =	vmax.f32 v4, $0.0e+00;
	v2 =	vadd.f32 v2, v7  }
0xb7: {  	[tilespmem:s24+$0x5540] =	vst v4;
	v3 =	vmax.f32 v3, $0.0e+00;
	v1 =	vadd.f32 v1, v63  }
0xb8: {  	p2 =	seq.s32 s22, $0x3E;
	[tilespmem:s24+$0x5550] =	vst v3;
	v2 =	vmax.f32 v2, $0.0e+00  }
0xb9: {  	s18 =	sadd.s32 @!p2 $0x2, s25;
	[tilespmem:s24+$0x5560] =	vst v2;
	v1 =	vmax.f32 v1, $0.0e+00  }
0xba: {  	[tilespmem:s24+$0x5570] =	vst v1;
	s24 =	sshll.u32 @!p2 s18, $0x9  }
0xbb: {  	[spmem:s2] =	stream.indirect.scatter.add.f32 [tilespmem:s28], [sflag:$0x9], $0x80, s31, s30, $0xb8;
	[tilespmem:$0x1E188] =	vst v63  }
0xbc: {  	s24 =	sadd.s32 @!p2 s11, s24  }
0xbd: {  	s24 =	sshrl.u32 @!p2 s24, $0x3  }
0xbe: {  	s25 =	simm.s32 @!p2 $0x0;
	s24 =	sadd.s32 @!p2 s7, s24  }
0xbf: {  	[tilespmem:s25], [sflag:$0x1] =	stream.linear.gather @!p2 [hbm4b:s24+s25], $0x180, $0x38;
	[tilespmem:$0x1E188] =	vst v63  }
0xc0: {  	s24 =	simm.s32 @!p2 $0x1  }
0xc1: {  	_ =	swait.ge @!p2 [sflag:s24], $0x180  }
0xc2: {  	s18 =	sshll.u32 @!p2 s18, $0x7;
	[sflag:s24] =	ssyncset.done @!p2 $0x0  }
0xc3: {  	[sflag:s24] =	ssyncadd.s32 @!p2 $0xFFFFFE80;
	s24 =	sand.u32 @!p2 $0x7C00, s18  }
0xc4: {  	s26 =	simm.s32 @!p2 $0x9;
	s18 =	sand.u32 @!p2 $0x300, s18;
	s24 =	sadd.s32 @!p2 s20, s24  }
0xc5: {  	_ =	swait.ge @!p2 [sflag:s26], $0x2800;
	s18 =	sor.u32 @!p2 s18, s24  }
0xc6: {  	[sflag:s26] =	ssyncset.done @!p2 $0x0;
	s18 =	sshrl.u32 @!p2 s18, $0x3  }
0xc7: {  	s24 =	simm.s32 @!p2 $0x400;
	[sflag:s26] =	ssyncadd.s32 @!p2 $0xFFFFD800;
	s18 =	sadd.s32 @!p2 s8, s18  }
0xc8: {  	[tilespmem:s24], [sflag:$0x7] =	stream.linear.gather @!p2 [hbm4b:s18+s25], $0x80, $0x38;
	[tilespmem:$0x1E188] =	vst v63  }
.Ltmp6:
0xc9: {  	_ = 	snop;
	(pc) =	sbr.rel @p1 .LBB2_10-.Ltmp6, $4  }
0xca: {  	s26 =	simm.s32 @!p2 $0x500;
	s18 =	simm.s32 @!p2 $0x50;
	s24 =	simm.s32 @!p2 $0x100  }
0xcb: {  	[tilespmem:s26], [sflag:$0x5] =	stream.indirect.gather @!p2 [spmem:s5], $0x80, s24, s18, $0xb8;
	[tilespmem:$0x1E188] =	vst v63  }
0xcc: {  	s24 =	simm.s32 @!p2 $0x5500  }
0xcd: {  	[tilespmem:s24], [sflag:$0x3] =	stream.indirect.gather @!p2 [hbm4b:s0+s18], $0x80, s25, s18, $0xb8;
	[tilespmem:$0x1E188] =	vst v63  }
0xce: {  	_ =	swait.ge [sflag:s13], $0x2800  }
0xcf: {  	[sflag:s13] =	ssyncset.done $0x0  }
0xd0: {  	[sflag:s13] =	ssyncadd.s32 $0xFFFFD800  }
0xd1: {  	_ =	swait.ge [sflag:s14], $0x2800  }
0xd2: {  	[sflag:s14] =	ssyncset.done $0x0  }
0xd3: {  	[sflag:s14] =	ssyncadd.s32 $0xFFFFD800  }
0xd4: {  	_ =	swait.ge [sflag:s15], $0x80  }
0xd5: {  	[sflag:s15] =	ssyncset.done $0x0  }
0xd6: {  	s24 =	simm.s32 $0x0;
	[sflag:s15] =	ssyncadd.s32 $0xFFFFFF80  }
0xd7: {  	v7 =	vld [tilespmem:s24+$0x2D00]  }
0xd8: {  	v12 =	vld [tilespmem:s24+$0x2D10]  }
0xd9: {  	v6 =	vld [tilespmem:s24+$0x2D20]  }
0xda: {  	v5 =	vld [tilespmem:s24+$0x2D30]  }
0xdb: {  	v4 =	vld [tilespmem:s24+$0x2D40]  }
0xdc: {  	v3 =	vld [tilespmem:s24+$0x2D50]  }
0xdd: {  	v2 =	vld [tilespmem:s24+$0x2D60]  }
0xde: {  	v1 =	vld [tilespmem:s24+$0x2D70]  }
0xdf: {  	v13 =	vld [tilespmem:s24+$0x7D00]  }
0xe0: {  	v14 =	vld [tilespmem:s24+$0x7D10]  }
0xe1: {  	v11 =	vld [tilespmem:s24+$0x7D20]  }
0xe2: {  	v10 =	vld [tilespmem:s24+$0x7D30]  }
0xe3: {  	v9 =	vld [tilespmem:s24+$0x7D40]  }
0xe4: {  	v8 =	vld [tilespmem:s24+$0x7D50];
	v13 =	vadd.f32 v7, v13  }
0xe5: {  	s25 =	simm.s32 $0x200;
	v12 =	vadd.f32 v12, v14;
	v7 =	vld [tilespmem:s24+$0x7D60]  }
.LBB2_8:
0xe6: {  	s18 =	sshra.s32 s25, $0x2;
	p1 =	sne.s32 s25, $0x9E00;
	v13 =	vmax.f32 v13, $0.0e+00;
	v6 =	vadd.f32 v6, v11;
	v11 =	vld [tilespmem:s24+$0x7D70]  }
0xe7: {  	v14 =	vld [tilespmem:s18+$0x2D00];
	[tilespmem:s24+$0x7D00] =	vst v13;
	v12 =	vmax.f32 v12, $0.0e+00;
	v5 =	vadd.f32 v5, v10  }
0xe8: {  	v15 =	vld [tilespmem:s18+$0x2D10];
	[tilespmem:s24+$0x7D10] =	vst v12;
	v10 =	vmax.f32 v6, $0.0e+00;
	v4 =	vadd.f32 v4, v9  }
0xe9: {  	v6 =	vld [tilespmem:s18+$0x2D20];
	[tilespmem:s24+$0x7D20] =	vst v10;
	v9 =	vmax.f32 v5, $0.0e+00;
	v3 =	vadd.f32 v3, v8  }
0xea: {  	v5 =	vld [tilespmem:s18+$0x2D30];
	[tilespmem:s24+$0x7D30] =	vst v9;
	v8 =	vmax.f32 v4, $0.0e+00;
	v2 =	vadd.f32 v2, v7  }
0xeb: {  	v4 =	vld [tilespmem:s18+$0x2D40];
	[tilespmem:s24+$0x7D40] =	vst v8;
	v7 =	vmax.f32 v3, $0.0e+00;
	v1 =	vadd.f32 v1, v11  }
0xec: {  	v3 =	vld [tilespmem:s18+$0x2D50];
	[tilespmem:s24+$0x7D50] =	vst v7;
	v7 =	vmax.f32 v2, $0.0e+00  }
0xed: {  	v2 =	vld [tilespmem:s18+$0x2D60];
	[tilespmem:s24+$0x7D60] =	vst v7;
	v7 =	vmax.f32 v1, $0.0e+00  }
0xee: {  	v1 =	vld [tilespmem:s18+$0x2D70];
	[tilespmem:s24+$0x7D70] =	vst v7;
	s24 =	smov.u32 s18  }
0xef: {  	v7 =	vld [tilespmem:s24+$0x7D00]  }
0xf0: {  	v12 =	vld [tilespmem:s24+$0x7D10]  }
.Ltmp7:
0xf1: {  	v11 =	vld [tilespmem:s24+$0x7D20];
	(pc) =	sbr.rel @p1 .LBB2_8-.Ltmp7, $4  }
0xf2: {  	v10 =	vld [tilespmem:s24+$0x7D30]  }
0xf3: {  	v9 =	vld [tilespmem:s24+$0x7D40]  }
0xf4: {  	v13 =	vadd.f32 v14, v7;
	v8 =	vld [tilespmem:s24+$0x7D50]  }
0xf5: {  	s25 =	sadd.s32 $0x200, s25;
	v12 =	vadd.f32 v15, v12;
	v7 =	vld [tilespmem:s24+$0x7D60]  }
0xf6: {  	v13 =	vmax.f32 v13, $0.0e+00;
	v6 =	vadd.f32 v6, v11;
	v63 =	vld [tilespmem:s24+$0x7D70]  }
0xf7: {  	[tilespmem:s24+$0x7D00] =	vst v13;
	v12 =	vmax.f32 v12, $0.0e+00;
	v5 =	vadd.f32 v5, v10  }
0xf8: {  	[tilespmem:s24+$0x7D10] =	vst v12;
	v6 =	vmax.f32 v6, $0.0e+00;
	v4 =	vadd.f32 v4, v9  }
0xf9: {  	[tilespmem:s24+$0x7D20] =	vst v6;
	v5 =	vmax.f32 v5, $0.0e+00;
	v3 =	vadd.f32 v3, v8  }
0xfa: {  	[tilespmem:s24+$0x7D30] =	vst v5;
	v4 =	vmax.f32 v4, $0.0e+00;
	v2 =	vadd.f32 v2, v7  }
.Ltmp8:
0xfb: {  	[tilespmem:s24+$0x7D40] =	vst v4;
	v3 =	vmax.f32 v3, $0.0e+00;
	v1 =	vadd.f32 v1, v63;
	(pc) =	sbr.rel .LBB2_10-.Ltmp8, $4  }
0xfc: {  	[tilespmem:s24+$0x7D50] =	vst v3;
	v2 =	vmax.f32 v2, $0.0e+00  }
0xfd: {  	[tilespmem:s24+$0x7D60] =	vst v2;
	v1 =	vmax.f32 v1, $0.0e+00  }
0xfe: {  	[tilespmem:s24+$0x7D70] =	vst v1  }
0xff: {  	[spmem:s2] =	stream.indirect.scatter.add.f32 [tilespmem:s16], [sflag:$0xA], $0x80, s3, s30, $0xb8;
	[tilespmem:$0x1E188] =	vst v63  }
.LBB2_12:
0x100: {  	_ =	sfence.sel $0x180000  }
0x101: {  	[bflag:$0x0] =	sbarrier.arrive $0xFFFF  }
0x102: {  	_ =	strace $0x90000047  }
0x103: {  	[bflag:$0x2] =	sbarrier.arrive $0xFFFF  }
0x104: {  	s0 =	rddreg [dreg:$0x5]  }
0x105: {  	s0 =	sadd.s32 @!p0 $0x100000, s0  }
0x106: {  	[sflag:s0] =	ssyncadd.tile.s32 @!p0 $0x1;
	_ =	shalt  }
.Lfunc_end2:
_tile_overlayer_lowered:
.L_overlay_start_2:
0x107: {  	(tag) =	ssettag $0x2  }
0x108: {  	s0 =	rddreg [dreg:$0x0];
	s2 =	stileid.u32  }
0x109: {  	s1 =	rddreg [dreg:$0x1];
	p0 =	sne.s32 s2, $0x0  }
0x10a: {  	s3 =	rddreg [dreg:$0x2];
	[bflag:$0x3] =	sbarrier.arrive $0xFFFF;
	s2 =	simm.s32 @!p0 $0x1C0B  }
0x10b: {  	[timem:s3], [sflag:s2] =	dma.local @!p0 [hbm:s0], s1  }
0x10c: {  	s0 =	simm.s32 @!p0 $0xB  }
0x10d: {  	_ =	swait.ge @!p0 [sflag:s0], s1  }
0x10e: {  	s1 =	ssub.s32 @!p0 $0x0, s1;
	[sflag:s0] =	ssyncset.done @!p0 $0x0  }
0x10f: {  	[sflag:s0] =	ssyncadd.s32 @!p0 s1  }
0x110: {  	[bflag:$0x3] =	sbarrier.arrive $0xFFFF  }
0x111: {  	_ =	shalt  }

</sc_bundles>
